<compile_context>
chip_gen: v7x
topology: tpu7x:2x2x1
jax: 0.10.2.dev20260603
libtpu: 0.0.44.dev20260713+nightly
codegen_flags: <defaults>
</compile_context>

<pallas_src>
import functools

import jax
import jax.numpy as jnp
from jax import lax
from jax.experimental import pallas as pl
from jax.experimental.pallas import tpu as pltpu
from jax.experimental.pallas import tpu_sc as plsc

N = 10000
E = 320000
DIN = 128
DM = 256
DE = 16

NC = 2
NS = 16
NW = NC * NS

NT = 10240
ROWS_PER_TILE = NT // NS
DUMMY = N

EPAD = 327680
EW5 = EPAD // NW
EW3 = EPAD // NS
CH = 128
CH5 = 80
K5_0 = (EPAD // CH5 // NS) // 2
K5_1 = (EPAD // CH5 // NS) - K5_0

_mesh = lambda: plsc.VectorSubcoreMesh(
    core_axis_name="c", subcore_axis_name="s", num_cores=NC, num_subcores=NS)


def _deg_body(dst_hbm, ones_hbm, zeros_hbm, out_hbm, sh_deg, idx_v, ones_v,
              si0, si1):
    c = lax.axis_index("c")
    s = lax.axis_index("s")
    w = c * NS + s
    nch = (EPAD // NW) // CH
    sems = (si0, si1)
    pltpu.sync_copy(ones_hbm, ones_v)
    r0 = s * ROWS_PER_TILE
    pltpu.sync_copy(zeros_hbm.at[pl.ds(r0, ROWS_PER_TILE)],
                    sh_deg.at[pl.ds(r0, ROWS_PER_TILE)])
    plsc.subcore_barrier()

    def issue(ch, t):
        base = w * (EPAD // NW) + ch * CH
        pltpu.async_copy(dst_hbm.at[pl.ds(base, CH)], idx_v.at[t], sems[t])

    issue(0, 0)

    def outer(g, _):
        for t in (0, 1):
            ch = g * 2 + t
            pltpu.make_async_copy(dst_hbm.at[pl.ds(0, CH)], idx_v.at[t],
                                  sems[t]).wait()
            nxt = ch + 1
            pl.when(nxt < nch)(lambda: issue(nxt, 1 - t))
            pltpu.sync_copy(ones_v, sh_deg.at[idx_v.at[t]], add=True)
        return _

    lax.fori_loop(0, nch // 2, outer, None)
    plsc.subcore_barrier()
    pltpu.sync_copy(sh_deg.at[pl.ds(r0, ROWS_PER_TILE)],
                    out_hbm.at[c, pl.ds(r0, ROWS_PER_TILE)])


def _segsum_body(y2_hbm, src_hbm, dst_hbm, zeros_hbm, out_hbm,
                 sh_s, sidx_v, didx_v, rows_v, sem0, sem1):
    c = lax.axis_index("c")
    s = lax.axis_index("s")
    r0 = s * ROWS_PER_TILE
    pltpu.sync_copy(zeros_hbm.at[pl.ds(r0, ROWS_PER_TILE)],
                    sh_s.at[pl.ds(r0, ROWS_PER_TILE)])
    plsc.subcore_barrier()

    def run(y_ref):
        nch = EW3 // CH
        sems = (sem0, sem1)

        def issue(ch, t):
            base = s * EW3 + ch * CH
            pltpu.sync_copy(src_hbm.at[pl.ds(base, CH)], sidx_v.at[t])
            pltpu.sync_copy(dst_hbm.at[pl.ds(base, CH)], didx_v.at[t])
            pltpu.async_copy(y_ref.at[sidx_v.at[t]], rows_v.at[t], sems[t])

        issue(0, 0)

        def outer(g, _):
            for t in (0, 1):
                ch = g * 2 + t
                pltpu.make_async_copy(y_ref.at[sidx_v.at[t]], rows_v.at[t],
                                      sems[t]).wait()
                nxt = ch + 1
                pl.when(nxt < nch)(lambda: issue(nxt, 1 - t))
                pltpu.sync_copy(rows_v.at[t], sh_s.at[didx_v.at[t]], add=True)
            return _

        lax.fori_loop(0, nch // 2, outer, None)

    pl.when(c == 0)(lambda: run(y2_hbm.at[0]))
    pl.when(c == 1)(lambda: run(y2_hbm.at[1]))
    plsc.subcore_barrier()
    pltpu.sync_copy(sh_s.at[pl.ds(r0, ROWS_PER_TILE)],
                    out_hbm.at[c, pl.ds(r0, ROWS_PER_TILE)])


def _edge_gather_body(a_hbm, b_hbm, src_hbm, dst_hbm, za_hbm, zb_hbm,
                      sidx_v, didx_v, ra_v, rb_v,
                      sa0, sa1, sb0, sb1):
    c = lax.axis_index("c")
    s = lax.axis_index("s")
    sems_a = (sa0, sa1)
    sems_b = (sb0, sb1)
    nch = jnp.where(c == 0, K5_0, K5_1)
    cbase = jnp.where(c == 0, s * K5_0, NS * K5_0 + s * K5_1)

    def issue(ch, t):
        base = (cbase + ch) * CH5
        pltpu.sync_copy(src_hbm.at[pl.ds(base, CH5)], sidx_v.at[t])
        pltpu.sync_copy(dst_hbm.at[pl.ds(base, CH5)], didx_v.at[t])
        pltpu.async_copy(a_hbm.at[sidx_v.at[t]], ra_v.at[t], sems_a[t])
        pltpu.async_copy(b_hbm.at[didx_v.at[t]], rb_v.at[t], sems_b[t])

    issue(0, 0)

    def outer(g, _):
        for t in (0, 1):
            ch = g * 2 + t
            nxt = ch + 1
            pl.when(nxt < nch)(lambda: issue(nxt, 1 - t))
            pltpu.make_async_copy(a_hbm.at[sidx_v.at[t]], ra_v.at[t],
                                  sems_a[t]).wait()
            pltpu.make_async_copy(b_hbm.at[didx_v.at[t]], rb_v.at[t],
                                  sems_b[t]).wait()
            base = (cbase + ch) * CH5
            pltpu.sync_copy(ra_v.at[t], za_hbm.at[pl.ds(base, CH5)])
            pltpu.sync_copy(rb_v.at[t], zb_hbm.at[pl.ds(base, CH5)])
        return _

    lax.fori_loop(0, nch // 2, outer, None)


def _build_sc_kernels(interpret=False):
    deg_k = functools.partial(
        pl.kernel,
        out_type=jax.ShapeDtypeStruct((NC, NT, DIN), jnp.float32),
        mesh=_mesh(),
        scratch_types=[
            pltpu.VMEM_SHARED((NT, DIN), jnp.float32),
            pltpu.VMEM((2, CH), jnp.int32),
            pltpu.VMEM((CH, DIN), jnp.float32),
            pltpu.SemaphoreType.DMA,
            pltpu.SemaphoreType.DMA,
        ],
        interpret=interpret,
    )(_deg_body)
    segsum_k = functools.partial(
        pl.kernel,
        out_type=jax.ShapeDtypeStruct((NC, NT, DIN), jnp.float32),
        mesh=_mesh(),
        scratch_types=[
            pltpu.VMEM_SHARED((NT, DIN), jnp.float32),
            pltpu.VMEM((2, CH), jnp.int32),
            pltpu.VMEM((2, CH), jnp.int32),
            pltpu.VMEM((2, CH, DIN), jnp.float32),
            pltpu.SemaphoreType.DMA,
            pltpu.SemaphoreType.DMA,
        ],
        interpret=interpret,
    )(_segsum_body)
    edge_gather_k = functools.partial(
        pl.kernel,
        out_type=[
            jax.ShapeDtypeStruct((EPAD, DM), jnp.int32),
            jax.ShapeDtypeStruct((EPAD, DM), jnp.int32),
        ],
        mesh=_mesh(),
        scratch_types=[
            pltpu.VMEM((2, CH5), jnp.int32),
            pltpu.VMEM((2, CH5), jnp.int32),
            pltpu.VMEM((2, CH5, DM), jnp.int32),
            pltpu.VMEM((2, CH5, DM), jnp.int32),
            pltpu.SemaphoreType.DMA,
            pltpu.SemaphoreType.DMA,
            pltpu.SemaphoreType.DMA,
            pltpu.SemaphoreType.DMA,
        ],
        interpret=interpret,
    )(_edge_gather_body)
    return deg_k, segsum_k, edge_gather_k


_deg_kernel, _segsum_kernel, _edge_gather_kernel = _build_sc_kernels()


def _xw_body(x_ref, w_ref, degs_ref, y2_ref):
    deg = degs_ref[0, :, 0] + degs_ref[1, :, 0] + 1.0
    dinv = lax.rsqrt(deg)
    xw = jnp.dot(x_ref[...], w_ref[...], preferred_element_type=jnp.float32)
    y = xw * dinv[:, None]
    y2_ref[0] = y[:, :DIN]
    y2_ref[1] = y[:, DIN:]


def _emb_body(s2_ref, y2_ref, degs_ref, w1_ref, b_ref, b1_ref, a_ref, bt_ref):
    deg = degs_ref[0, :, 0] + degs_ref[1, :, 0] + 1.0
    dinv = lax.rsqrt(deg)
    sy = jnp.concatenate([s2_ref[0] + y2_ref[0], s2_ref[1] + y2_ref[1]], axis=1)
    emb = sy * dinv[:, None] + b_ref[...][None, :]
    a = (jnp.dot(emb, w1_ref[:DM, :], preferred_element_type=jnp.float32)
         + b1_ref[...][None, :])
    bt = jnp.dot(emb, w1_ref[DM:, :], preferred_element_type=jnp.float32)

    def pack(v):
        lo = jax.lax.bitcast_convert_type(
            v[:, :DM].astype(jnp.bfloat16), jnp.uint16).astype(jnp.int32)
        hi = jax.lax.bitcast_convert_type(
            v[:, DM:].astype(jnp.bfloat16), jnp.uint16).astype(jnp.int32)
        return lo | (hi << 16)

    a_ref[...] = pack(a)
    bt_ref[...] = pack(bt)


def _out_body(za_ref, zb_ref, w2_ref, b2_ref, o_ref):
    za = za_ref[...]
    zb = zb_ref[...]
    himask = jnp.int32(-65536)
    _f = lambda v: jax.lax.bitcast_convert_type(v, jnp.float32)
    h_lo = jax.nn.relu(_f(za << 16) + _f(zb << 16))
    h_hi = jax.nn.relu(_f(za & himask) + _f(zb & himask))
    o_ref[...] = (jnp.dot(h_lo, w2_ref[:DM, :],
                          preferred_element_type=jnp.float32)
                  + jnp.dot(h_hi, w2_ref[DM:, :],
                            preferred_element_type=jnp.float32)
                  + b2_ref[...][None, :])


def kernel(x, edge_index, W, b, W1, b1, W2, b2):
    src = edge_index[0].astype(jnp.int32)
    dst = edge_index[1].astype(jnp.int32)
    padn = EPAD - E
    zpad = jnp.zeros((padn,), jnp.int32)
    src_p = jnp.concatenate([src, zpad])
    dst_g = jnp.concatenate([dst, zpad])
    dst_s = jnp.concatenate([dst, jnp.full((padn,), DUMMY, jnp.int32)])
    ones_c = jnp.ones((CH, DIN), jnp.float32)
    zeros_s = jnp.zeros((NT, DIN), jnp.float32)

    degs = _deg_kernel(dst_s, ones_c, zeros_s)

    rb = 1000
    grid_n = N // rb
    y2 = pl.pallas_call(
        _xw_body,
        grid=(grid_n,),
        in_specs=[
            pl.BlockSpec((rb, DIN), lambda i: (i, 0)),
            pl.BlockSpec((DIN, DM), lambda i: (0, 0)),
            pl.BlockSpec((NC, rb, DIN), lambda i: (0, i, 0)),
        ],
        out_specs=pl.BlockSpec((NC, rb, DIN), lambda i: (0, i, 0)),
        out_shape=jax.ShapeDtypeStruct((NC, N, DIN), jnp.float32),
    )(x, W, degs)

    s2 = _segsum_kernel(y2, src_p, dst_s, zeros_s)

    a_tab, bt_tab = pl.pallas_call(
        _emb_body,
        grid=(grid_n,),
        in_specs=[
            pl.BlockSpec((NC, rb, DIN), lambda i: (0, i, 0)),
            pl.BlockSpec((NC, rb, DIN), lambda i: (0, i, 0)),
            pl.BlockSpec((NC, rb, DIN), lambda i: (0, i, 0)),
            pl.BlockSpec((2 * DM, 2 * DM), lambda i: (0, 0)),
            pl.BlockSpec((DM,), lambda i: (0,)),
            pl.BlockSpec((2 * DM,), lambda i: (0,)),
        ],
        out_specs=[
            pl.BlockSpec((rb, DM), lambda i: (i, 0)),
            pl.BlockSpec((rb, DM), lambda i: (i, 0)),
        ],
        out_shape=[
            jax.ShapeDtypeStruct((N, DM), jnp.int32),
            jax.ShapeDtypeStruct((N, DM), jnp.int32),
        ],
    )(s2, y2, degs, W1, b, b1)

    za_i32, zb_i32 = _edge_gather_kernel(a_tab, bt_tab, src_p, dst_g)

    eb = 1000
    out = pl.pallas_call(
        _out_body,
        grid=(E // eb,),
        in_specs=[
            pl.BlockSpec((eb, DM), lambda i: (i, 0)),
            pl.BlockSpec((eb, DM), lambda i: (i, 0)),
            pl.BlockSpec((2 * DM, DE), lambda i: (0, 0)),
            pl.BlockSpec((DE,), lambda i: (0,)),
        ],
        out_specs=pl.BlockSpec((eb, DE), lambda i: (i, 0)),
        out_shape=jax.ShapeDtypeStruct((E, DE), jnp.float32),
    )(za_i32, zb_i32, W2, b2)
    return out

# --- scband reference (transcript-rebuilt; emitter-appended) ---
"""Pipeline reference for scband-temporal-gnn-15255723835808 (READ-ONLY COPY).

The authoritative reference and input builder live on the scoring server;
editing this copy changes nothing except your own understanding.
"""

import jax, jax.numpy as jnp
import numpy as np

N_NODES = 10000
N_EDGES = 320000
D_IN = 128
D_MEM = 256
D_EDGE = 16


def setup_inputs(seed: int = 0) -> dict:
    key = jax.random.key(seed)
    ks = jax.random.split(key, 8)
    x = jax.random.normal(ks[0], (N_NODES, D_IN), dtype=jnp.float32)
    edge_index = jax.random.randint(ks[1], (2, N_EDGES), 0, N_NODES, dtype=jnp.int64)
    # GCNConv params
    W = jax.random.normal(ks[2], (D_IN, D_MEM), dtype=jnp.float32) * (1.0 / np.sqrt(D_IN))
    b = jnp.zeros((D_MEM,), dtype=jnp.float32)
    # edge predictor: Linear(2*mem, 2*mem) -> ReLU -> Linear(2*mem, d_edge)
    W1 = jax.random.normal(ks[3], (2 * D_MEM, 2 * D_MEM), dtype=jnp.float32) * (1.0 / np.sqrt(2 * D_MEM))
    b1 = jnp.zeros((2 * D_MEM,), dtype=jnp.float32)
    W2 = jax.random.normal(ks[4], (2 * D_MEM, D_EDGE), dtype=jnp.float32) * (1.0 / np.sqrt(2 * D_MEM))
    b2 = jnp.zeros((D_EDGE,), dtype=jnp.float32)
    return {"x": x, "edge_index": edge_index, "W": W, "b": b, "W1": W1, "b1": b1, "W2": W2, "b2": b2}


def _gcn_conv(x, edge_index, W, b):
    # GCNConv with self-loops and symmetric normalization (torch_geometric default)
    n = x.shape[0]
    xw = x @ W
    src, dst = edge_index[0], edge_index[1]
    loop = jnp.arange(n, dtype=src.dtype)
    src_f = jnp.concatenate([src, loop])
    dst_f = jnp.concatenate([dst, loop])
    deg = jax.ops.segment_sum(jnp.ones_like(dst_f, dtype=xw.dtype), dst_f, num_segments=n)
    dinv = jnp.where(deg > 0, 1.0 / jnp.sqrt(deg), 0.0)
    norm = dinv[src_f] * dinv[dst_f]
    msgs = xw[src_f] * norm[:, None]
    out = jax.ops.segment_sum(msgs, dst_f, num_segments=n)
    return out + b


def reference(x, edge_index, W, b, W1, b1, W2, b2):
    node_embeddings = _gcn_conv(x, edge_index, W, b)
    src, dst = edge_index[0], edge_index[1]
    edge_features = jnp.concatenate([node_embeddings[src], node_embeddings[dst]], axis=1)
    h = jax.nn.relu(edge_features @ W1 + b1)
    predicted_edge_features = h @ W2 + b2
    return predicted_edge_features

if __name__ == "__main__":
    import jax
    _d = setup_inputs()
    print(jax.jit(kernel)(*tuple(_d.values())))

</pallas_src>

<mosaic_0001>
#map = affine_map<(d0, d1) -> (0)>
#map1 = affine_map<(d0, d1) -> (0, 0)>
#map2 = affine_map<(d0, d1) -> (0, 0, 0)>
module attributes {stable_mosaic.version = 14 : i64} {
  func.func @_deg_body(%arg0: i32, %arg1: i32, %arg2: memref<327680xi32, #tpu.memory_space<hbm>>, %arg3: memref<128x128xf32, #tpu.memory_space<hbm>>, %arg4: memref<10240x128xf32, #tpu.memory_space<hbm>>, %arg5: memref<2x10240x128xf32, #tpu.memory_space<hbm>>, %arg6: memref<10240x128xf32, #tpu.memory_space<vmem_shared>>, %arg7: memref<2x128xi32, #tpu.memory_space<vmem>>, %arg8: memref<128x128xf32, #tpu.memory_space<vmem>>, %arg9: memref<!tpu.dma_semaphore, #tpu.memory_space<semaphore_mem>>, %arg10: memref<!tpu.dma_semaphore, #tpu.memory_space<semaphore_mem>>) attributes {dimension_semantics = [#tpu.dimension_semantics<core_parallel>, #tpu.dimension_semantics<subcore_parallel>], iteration_bounds = array<i64: 2, 16>, scalar_prefetch = 0 : i64, scratch_operands = 5 : i64, tpu.core_type = #tpu.core_type<sc_vector_subcore>, window_params = [{transform_indices = #map}, {transform_indices = #map1}, {transform_indices = #map1}, {transform_indices = #map2}]} {
    %mul3A = arith.constant 16 : i32
    %mul3A_0 = arith.muli %arg0, %mul3A : i32
    %add3A = arith.addi %mul3A_0, %arg1 : i32
    "tpu.region"() ({
      %run_scoped3A = tpu.sem_alloc : memref<!tpu.dma_semaphore, #tpu.memory_space<semaphore_mem>>
      tpu.enqueue_dma source(%arg3 : memref<128x128xf32, #tpu.memory_space<hbm>>) target(%arg8 : memref<128x128xf32, #tpu.memory_space<vmem>>) target_semaphore(%run_scoped3A : memref<!tpu.dma_semaphore, #tpu.memory_space<semaphore_mem>>)
      tpu.wait_dma2 semaphore(%run_scoped3A : memref<!tpu.dma_semaphore, #tpu.memory_space<semaphore_mem>>) src(%arg3 : memref<128x128xf32, #tpu.memory_space<hbm>>) dst(%arg8 : memref<128x128xf32, #tpu.memory_space<vmem>>)
      tpu.yield
    }) : () -> ()
    %mul3A_1 = arith.constant 640 : i32
    %mul3A_2 = arith.muli %arg1, %mul3A_1 : i32
    "tpu.region"() ({
      %run_scoped3A = tpu.sem_alloc : memref<!tpu.dma_semaphore, #tpu.memory_space<semaphore_mem>>
      %dma_start3A_20 = arith.constant 0 : i32
      %dma_start3A_21 = tpu.memref_slice %arg6[%mul3A_2, %dma_start3A_20] : memref<10240x128xf32, #tpu.memory_space<vmem_shared>> -> memref<640x128xf32, #tpu.memory_space<vmem_shared>>
      %dma_start3A_22 = arith.constant 0 : i32
      %dma_start3A_23 = tpu.memref_slice %arg4[%mul3A_2, %dma_start3A_22] : memref<10240x128xf32, #tpu.memory_space<hbm>> -> memref<640x128xf32, #tpu.memory_space<hbm>>
      tpu.enqueue_dma source(%dma_start3A_23 : memref<640x128xf32, #tpu.memory_space<hbm>>) target(%dma_start3A_21 : memref<640x128xf32, #tpu.memory_space<vmem_shared>>) target_semaphore(%run_scoped3A : memref<!tpu.dma_semaphore, #tpu.memory_space<semaphore_mem>>)
      %dma_wait3A = arith.constant 0 : i32
      %dma_wait3A_24 = tpu.memref_slice %arg6[%mul3A_2, %dma_wait3A] : memref<10240x128xf32, #tpu.memory_space<vmem_shared>> -> memref<640x128xf32, #tpu.memory_space<vmem_shared>>
      %dma_wait3A_25 = arith.constant 0 : i32
      %dma_wait3A_26 = tpu.memref_slice %arg4[%mul3A_2, %dma_wait3A_25] : memref<10240x128xf32, #tpu.memory_space<hbm>> -> memref<640x128xf32, #tpu.memory_space<hbm>>
      tpu.wait_dma2 semaphore(%run_scoped3A : memref<!tpu.dma_semaphore, #tpu.memory_space<semaphore_mem>>) src(%dma_wait3A_26 : memref<640x128xf32, #tpu.memory_space<hbm>>) dst(%dma_wait3A_24 : memref<640x128xf32, #tpu.memory_space<vmem_shared>>)
      tpu.yield
    }) : () -> ()
    %barrier3A = arith.constant 0 : index
    tpu.barrier barrier_id(%barrier3A)
    %mul3A_3 = arith.constant 10240 : i32
    %mul3A_4 = arith.muli %add3A, %mul3A_3 : i32
    %add3A_5 = arith.constant 0 : i32
    %add3A_6 = arith.addi %mul3A_4, %add3A_5 : i32
    %dma_start3A = arith.constant 0 : i32
    %dma_start3A_7 = arith.constant 0 : i32
    %dma_start3A_8 = tpu.memref_slice %arg7[%dma_start3A, %dma_start3A_7] : memref<2x128xi32, #tpu.memory_space<vmem>> -> memref<1x128xi32, #tpu.memory_space<vmem>>
    %dma_start3A_9 = tpu.memref_squeeze %dma_start3A_8 : memref<1x128xi32, #tpu.memory_space<vmem>> -> memref<128xi32, #tpu.memory_space<vmem>>
    %dma_start3A_10 = tpu.memref_slice %arg2[%add3A_6] : memref<327680xi32, #tpu.memory_space<hbm>> -> memref<128xi32, #tpu.memory_space<hbm>>
    %dma_start3A_11 = arith.constant 0 : i32
    %dma_start3A_12 = tpu.memref_slice %arg7[%dma_start3A, %dma_start3A_11] : memref<2x128xi32, #tpu.memory_space<vmem>> -> memref<1x128xi32, #tpu.memory_space<vmem>>
    %dma_start3A_13 = tpu.memref_squeeze %dma_start3A_12 : memref<1x128xi32, #tpu.memory_space<vmem>> -> memref<128xi32, #tpu.memory_space<vmem>>
    %dma_start3A_14 = tpu.memref_slice %arg2[%add3A_6] : memref<327680xi32, #tpu.memory_space<hbm>> -> memref<128xi32, #tpu.memory_space<hbm>>
    tpu.enqueue_dma source(%dma_start3A_14 : memref<128xi32, #tpu.memory_space<hbm>>) target(%dma_start3A_13 : memref<128xi32, #tpu.memory_space<vmem>>) target_semaphore(%arg9 : memref<!tpu.dma_semaphore, #tpu.memory_space<semaphore_mem>>)
    %scan3A = arith.constant 0 : i32
    %scan3A_15 = arith.constant 40 : i32
    %scan3A_16 = arith.addi %scan3A, %scan3A_15 : i32
    %scan3A_17 = arith.constant 1 : i32
    scf.for %scan3A_20 = %scan3A to %scan3A_16 step %scan3A_17  : i32 {
      %mul3A_21 = arith.constant 2 : i32
      %mul3A_22 = arith.muli %scan3A_20, %mul3A_21 : i32
      %add3A_23 = arith.constant 0 : i32
      %add3A_24 = arith.addi %mul3A_22, %add3A_23 : i32
      %dma_wait3A = arith.constant 0 : i32
      %dma_wait3A_25 = arith.constant 0 : i32
      %dma_wait3A_26 = tpu.memref_slice %arg7[%dma_wait3A, %dma_wait3A_25] : memref<2x128xi32, #tpu.memory_space<vmem>> -> memref<1x128xi32, #tpu.memory_space<vmem>>
      %dma_wait3A_27 = tpu.memref_squeeze %dma_wait3A_26 : memref<1x128xi32, #tpu.memory_space<vmem>> -> memref<128xi32, #tpu.memory_space<vmem>>
      %dma_wait3A_28 = arith.constant 0 : i32
      %dma_wait3A_29 = tpu.memref_slice %arg2[%dma_wait3A_28] : memref<327680xi32, #tpu.memory_space<hbm>> -> memref<128xi32, #tpu.memory_space<hbm>>
      %dma_wait3A_30 = arith.constant 0 : i32
      %dma_wait3A_31 = tpu.memref_slice %arg7[%dma_wait3A, %dma_wait3A_30] : memref<2x128xi32, #tpu.memory_space<vmem>> -> memref<1x128xi32, #tpu.memory_space<vmem>>
      %dma_wait3A_32 = tpu.memref_squeeze %dma_wait3A_31 : memref<1x128xi32, #tpu.memory_space<vmem>> -> memref<128xi32, #tpu.memory_space<vmem>>
      %dma_wait3A_33 = arith.constant 0 : i32
      %dma_wait3A_34 = tpu.memref_slice %arg2[%dma_wait3A_33] : memref<327680xi32, #tpu.memory_space<hbm>> -> memref<128xi32, #tpu.memory_space<hbm>>
      tpu.wait_dma2 semaphore(%arg9 : memref<!tpu.dma_semaphore, #tpu.memory_space<semaphore_mem>>) src(%dma_wait3A_34 : memref<128xi32, #tpu.memory_space<hbm>>) dst(%dma_wait3A_32 : memref<128xi32, #tpu.memory_space<vmem>>)
      %add3A_35 = arith.constant 1 : i32
      %add3A_36 = arith.addi %add3A_24, %add3A_35 : i32
      %lt3A = arith.constant 80 : i32
      %lt3A_37 = arith.cmpi slt, %add3A_36, %lt3A : i32
      %convert_element_type3A = arith.extui %lt3A_37 : i1 to i32
      %cond3A = arith.constant 0 : i32
      %cond3A_38 = arith.cmpi ne, %convert_element_type3A, %cond3A : i32
      scf.if %cond3A_38 {
        %mul3A_62 = arith.constant 10240 : i32
        %mul3A_63 = arith.muli %add3A, %mul3A_62 : i32
        %mul3A_64 = arith.constant 128 : i32
        %mul3A_65 = arith.muli %add3A_36, %mul3A_64 : i32
        %add3A_66 = arith.addi %mul3A_63, %mul3A_65 : i32
        %dma_start3A_67 = arith.constant 1 : i32
        %dma_start3A_68 = arith.constant 0 : i32
        %dma_start3A_69 = tpu.memref_slice %arg7[%dma_start3A_67, %dma_start3A_68] : memref<2x128xi32, #tpu.memory_space<vmem>> -> memref<1x128xi32, #tpu.memory_space<vmem>>
        %dma_start3A_70 = tpu.memref_squeeze %dma_start3A_69 : memref<1x128xi32, #tpu.memory_space<vmem>> -> memref<128xi32, #tpu.memory_space<vmem>>
        %dma_start3A_71 = tpu.memref_slice %arg2[%add3A_66] : memref<327680xi32, #tpu.memory_space<hbm>> -> memref<128xi32, #tpu.memory_space<hbm>>
        %dma_start3A_72 = arith.constant 0 : i32
        %dma_start3A_73 = tpu.memref_slice %arg7[%dma_start3A_67, %dma_start3A_72] : memref<2x128xi32, #tpu.memory_space<vmem>> -> memref<1x128xi32, #tpu.memory_space<vmem>>
        %dma_start3A_74 = tpu.memref_squeeze %dma_start3A_73 : memref<1x128xi32, #tpu.memory_space<vmem>> -> memref<128xi32, #tpu.memory_space<vmem>>
        %dma_start3A_75 = tpu.memref_slice %arg2[%add3A_66] : memref<327680xi32, #tpu.memory_space<hbm>> -> memref<128xi32, #tpu.memory_space<hbm>>
        tpu.enqueue_dma source(%dma_start3A_75 : memref<128xi32, #tpu.memory_space<hbm>>) target(%dma_start3A_74 : memref<128xi32, #tpu.memory_space<vmem>>) target_semaphore(%arg10 : memref<!tpu.dma_semaphore, #tpu.memory_space<semaphore_mem>>)
      } else {
      }
      %run_scoped3A = arith.constant 0 : i32
      "tpu.region"() ({
        %run_scoped3A_62 = tpu.sem_alloc : memref<!tpu.dma_semaphore, #tpu.memory_space<semaphore_mem>>
        %dma_start3A_63 = arith.constant 0 : i32
        %dma_start3A_64 = tpu.memref_slice %arg7[%run_scoped3A, %dma_start3A_63] : memref<2x128xi32, #tpu.memory_space<vmem>> -> memref<1x128xi32, #tpu.memory_space<vmem>>
        %dma_start3A_65 = tpu.memref_squeeze %dma_start3A_64 : memref<1x128xi32, #tpu.memory_space<vmem>> -> memref<128xi32, #tpu.memory_space<vmem>>
        %dma_start3A_66 = arith.constant 0 : i32
        %dma_start3A_67 = arith.constant 0 : i32
        %dma_start3A_68 = tpu.memref_slice %arg6[%dma_start3A_66, %dma_start3A_67] : memref<10240x128xf32, #tpu.memory_space<vmem_shared>> -> memref<10240x128xf32, #tpu.memory_space<vmem_shared>>
        tpu.enqueue_indirect_dma source(%arg8 : memref<128x128xf32, #tpu.memory_space<vmem>>) target(%dma_start3A_68 : memref<10240x128xf32, #tpu.memory_space<vmem_shared>>) offsets(%dma_start3A_65 : memref<128xi32, #tpu.memory_space<vmem>>) semaphore(%run_scoped3A_62 : memref<!tpu.dma_semaphore, #tpu.memory_space<semaphore_mem>>) {add = true}
        %dma_wait3A_69 = arith.constant 0 : i32
        %dma_wait3A_70 = tpu.memref_slice %arg7[%run_scoped3A, %dma_wait3A_69] : memref<2x128xi32, #tpu.memory_space<vmem>> -> memref<1x128xi32, #tpu.memory_space<vmem>>
        %dma_wait3A_71 = tpu.memref_squeeze %dma_wait3A_70 : memref<1x128xi32, #tpu.memory_space<vmem>> -> memref<128xi32, #tpu.memory_space<vmem>>
        %dma_wait3A_72 = arith.constant 0 : i32
        %dma_wait3A_73 = arith.constant 0 : i32
        %dma_wait3A_74 = tpu.memref_slice %arg6[%dma_wait3A_72, %dma_wait3A_73] : memref<10240x128xf32, #tpu.memory_space<vmem_shared>> -> memref<10240x128xf32, #tpu.memory_space<vmem_shared>>
        tpu.wait_indirect_dma semaphore(%run_scoped3A_62 : memref<!tpu.dma_semaphore, #tpu.memory_space<semaphore_mem>>) src(%arg8 : memref<128x128xf32, #tpu.memory_space<vmem>>) dst(%dma_wait3A_74 : memref<10240x128xf32, #tpu.memory_space<vmem_shared>>)
        tpu.yield
      }) : () -> ()
      %mul3A_39 = arith.constant 2 : i32
      %mul3A_40 = arith.muli %scan3A_20, %mul3A_39 : i32
      %add3A_41 = arith.constant 1 : i32
      %add3A_42 = arith.addi %mul3A_40, %add3A_41 : i32
      %dma_wait3A_43 = arith.constant 1 : i32
      %dma_wait3A_44 = arith.constant 0 : i32
      %dma_wait3A_45 = tpu.memref_slice %arg7[%dma_wait3A_43, %dma_wait3A_44] : memref<2x128xi32, #tpu.memory_space<vmem>> -> memref<1x128xi32, #tpu.memory_space<vmem>>
      %dma_wait3A_46 = tpu.memref_squeeze %dma_wait3A_45 : memref<1x128xi32, #tpu.memory_space<vmem>> -> memref<128xi32, #tpu.memory_space<vmem>>
      %dma_wait3A_47 = arith.constant 0 : i32
      %dma_wait3A_48 = tpu.memref_slice %arg2[%dma_wait3A_47] : memref<327680xi32, #tpu.memory_space<hbm>> -> memref<128xi32, #tpu.memory_space<hbm>>
      %dma_wait3A_49 = arith.constant 0 : i32
      %dma_wait3A_50 = tpu.memref_slice %arg7[%dma_wait3A_43, %dma_wait3A_49] : memref<2x128xi32, #tpu.memory_space<vmem>> -> memref<1x128xi32, #tpu.memory_space<vmem>>
      %dma_wait3A_51 = tpu.memref_squeeze %dma_wait3A_50 : memref<1x128xi32, #tpu.memory_space<vmem>> -> memref<128xi32, #tpu.memory_space<vmem>>
      %dma_wait3A_52 = arith.constant 0 : i32
      %dma_wait3A_53 = tpu.memref_slice %arg2[%dma_wait3A_52] : memref<327680xi32, #tpu.memory_space<hbm>> -> memref<128xi32, #tpu.memory_space<hbm>>
      tpu.wait_dma2 semaphore(%arg10 : memref<!tpu.dma_semaphore, #tpu.memory_space<semaphore_mem>>) src(%dma_wait3A_53 : memref<128xi32, #tpu.memory_space<hbm>>) dst(%dma_wait3A_51 : memref<128xi32, #tpu.memory_space<vmem>>)
      %add3A_54 = arith.constant 1 : i32
      %add3A_55 = arith.addi %add3A_42, %add3A_54 : i32
      %lt3A_56 = arith.constant 80 : i32
      %lt3A_57 = arith.cmpi slt, %add3A_55, %lt3A_56 : i32
      %convert_element_type3A_58 = arith.extui %lt3A_57 : i1 to i32
      %cond3A_59 = arith.constant 0 : i32
      %cond3A_60 = arith.cmpi ne, %convert_element_type3A_58, %cond3A_59 : i32
      scf.if %cond3A_60 {
        %mul3A_62 = arith.constant 10240 : i32
        %mul3A_63 = arith.muli %add3A, %mul3A_62 : i32
        %mul3A_64 = arith.constant 128 : i32
        %mul3A_65 = arith.muli %add3A_55, %mul3A_64 : i32
        %add3A_66 = arith.addi %mul3A_63, %mul3A_65 : i32
        %dma_start3A_67 = arith.constant 0 : i32
        %dma_start3A_68 = arith.constant 0 : i32
        %dma_start3A_69 = tpu.memref_slice %arg7[%dma_start3A_67, %dma_start3A_68] : memref<2x128xi32, #tpu.memory_space<vmem>> -> memref<1x128xi32, #tpu.memory_space<vmem>>
        %dma_start3A_70 = tpu.memref_squeeze %dma_start3A_69 : memref<1x128xi32, #tpu.memory_space<vmem>> -> memref<128xi32, #tpu.memory_space<vmem>>
        %dma_start3A_71 = tpu.memref_slice %arg2[%add3A_66] : memref<327680xi32, #tpu.memory_space<hbm>> -> memref<128xi32, #tpu.memory_space<hbm>>
        %dma_start3A_72 = arith.constant 0 : i32
        %dma_start3A_73 = tpu.memref_slice %arg7[%dma_start3A_67, %dma_start3A_72] : memref<2x128xi32, #tpu.memory_space<vmem>> -> memref<1x128xi32, #tpu.memory_space<vmem>>
        %dma_start3A_74 = tpu.memref_squeeze %dma_start3A_73 : memref<1x128xi32, #tpu.memory_space<vmem>> -> memref<128xi32, #tpu.memory_space<vmem>>
        %dma_start3A_75 = tpu.memref_slice %arg2[%add3A_66] : memref<327680xi32, #tpu.memory_space<hbm>> -> memref<128xi32, #tpu.memory_space<hbm>>
        tpu.enqueue_dma source(%dma_start3A_75 : memref<128xi32, #tpu.memory_space<hbm>>) target(%dma_start3A_74 : memref<128xi32, #tpu.memory_space<vmem>>) target_semaphore(%arg9 : memref<!tpu.dma_semaphore, #tpu.memory_space<semaphore_mem>>)
      } else {
      }
      %run_scoped3A_61 = arith.constant 1 : i32
      "tpu.region"() ({
        %run_scoped3A_62 = tpu.sem_alloc : memref<!tpu.dma_semaphore, #tpu.memory_space<semaphore_mem>>
        %dma_start3A_63 = arith.constant 0 : i32
        %dma_start3A_64 = tpu.memref_slice %arg7[%run_scoped3A_61, %dma_start3A_63] : memref<2x128xi32, #tpu.memory_space<vmem>> -> memref<1x128xi32, #tpu.memory_space<vmem>>
        %dma_start3A_65 = tpu.memref_squeeze %dma_start3A_64 : memref<1x128xi32, #tpu.memory_space<vmem>> -> memref<128xi32, #tpu.memory_space<vmem>>
        %dma_start3A_66 = arith.constant 0 : i32
        %dma_start3A_67 = arith.constant 0 : i32
        %dma_start3A_68 = tpu.memref_slice %arg6[%dma_start3A_66, %dma_start3A_67] : memref<10240x128xf32, #tpu.memory_space<vmem_shared>> -> memref<10240x128xf32, #tpu.memory_space<vmem_shared>>
        tpu.enqueue_indirect_dma source(%arg8 : memref<128x128xf32, #tpu.memory_space<vmem>>) target(%dma_start3A_68 : memref<10240x128xf32, #tpu.memory_space<vmem_shared>>) offsets(%dma_start3A_65 : memref<128xi32, #tpu.memory_space<vmem>>) semaphore(%run_scoped3A_62 : memref<!tpu.dma_semaphore, #tpu.memory_space<semaphore_mem>>) {add = true}
        %dma_wait3A_69 = arith.constant 0 : i32
        %dma_wait3A_70 = tpu.memref_slice %arg7[%run_scoped3A_61, %dma_wait3A_69] : memref<2x128xi32, #tpu.memory_space<vmem>> -> memref<1x128xi32, #tpu.memory_space<vmem>>
        %dma_wait3A_71 = tpu.memref_squeeze %dma_wait3A_70 : memref<1x128xi32, #tpu.memory_space<vmem>> -> memref<128xi32, #tpu.memory_space<vmem>>
        %dma_wait3A_72 = arith.constant 0 : i32
        %dma_wait3A_73 = arith.constant 0 : i32
        %dma_wait3A_74 = tpu.memref_slice %arg6[%dma_wait3A_72, %dma_wait3A_73] : memref<10240x128xf32, #tpu.memory_space<vmem_shared>> -> memref<10240x128xf32, #tpu.memory_space<vmem_shared>>
        tpu.wait_indirect_dma semaphore(%run_scoped3A_62 : memref<!tpu.dma_semaphore, #tpu.memory_space<semaphore_mem>>) src(%arg8 : memref<128x128xf32, #tpu.memory_space<vmem>>) dst(%dma_wait3A_74 : memref<10240x128xf32, #tpu.memory_space<vmem_shared>>)
        tpu.yield
      }) : () -> ()
    }
    %scan3A_18 = arith.constant 40 : i32
    %barrier3A_19 = arith.constant 0 : index
    tpu.barrier barrier_id(%barrier3A_19)
    "tpu.region"() ({
      %run_scoped3A = tpu.sem_alloc : memref<!tpu.dma_semaphore, #tpu.memory_space<semaphore_mem>>
      %dma_start3A_20 = arith.constant 0 : i32
      %dma_start3A_21 = tpu.memref_slice %arg5[%arg0, %mul3A_2, %dma_start3A_20] : memref<2x10240x128xf32, #tpu.memory_space<hbm>> -> memref<1x640x128xf32, #tpu.memory_space<hbm>>
      %dma_start3A_22 = tpu.memref_squeeze %dma_start3A_21 : memref<1x640x128xf32, #tpu.memory_space<hbm>> -> memref<640x128xf32, #tpu.memory_space<hbm>>
      %dma_start3A_23 = arith.constant 0 : i32
      %dma_start3A_24 = tpu.memref_slice %arg6[%mul3A_2, %dma_start3A_23] : memref<10240x128xf32, #tpu.memory_space<vmem_shared>> -> memref<640x128xf32, #tpu.memory_space<vmem_shared>>
      tpu.enqueue_dma source(%dma_start3A_24 : memref<640x128xf32, #tpu.memory_space<vmem_shared>>) target(%dma_start3A_22 : memref<640x128xf32, #tpu.memory_space<hbm>>) target_semaphore(%run_scoped3A : memref<!tpu.dma_semaphore, #tpu.memory_space<semaphore_mem>>)
      %dma_wait3A = arith.constant 0 : i32
      %dma_wait3A_25 = tpu.memref_slice %arg5[%arg0, %mul3A_2, %dma_wait3A] : memref<2x10240x128xf32, #tpu.memory_space<hbm>> -> memref<1x640x128xf32, #tpu.memory_space<hbm>>
      %dma_wait3A_26 = tpu.memref_squeeze %dma_wait3A_25 : memref<1x640x128xf32, #tpu.memory_space<hbm>> -> memref<640x128xf32, #tpu.memory_space<hbm>>
      %dma_wait3A_27 = arith.constant 0 : i32
      %dma_wait3A_28 = tpu.memref_slice %arg6[%mul3A_2, %dma_wait3A_27] : memref<10240x128xf32, #tpu.memory_space<vmem_shared>> -> memref<640x128xf32, #tpu.memory_space<vmem_shared>>
      tpu.wait_dma2 semaphore(%run_scoped3A : memref<!tpu.dma_semaphore, #tpu.memory_space<semaphore_mem>>) src(%dma_wait3A_28 : memref<640x128xf32, #tpu.memory_space<vmem_shared>>) dst(%dma_wait3A_26 : memref<640x128xf32, #tpu.memory_space<hbm>>)
      tpu.yield
    }) : () -> ()
    return
  }
}

#map = affine_map<(d0, d1) -> (0, 0)>
#map1 = affine_map<(d0, d1) -> (0)>
module attributes {stable_mosaic.version = 14 : i64} {
  func.func @_edge_gather_body(%arg0: i32, %arg1: i32, %arg2: memref<10000x256xi32, #tpu.memory_space<hbm>>, %arg3: memref<10000x256xi32, #tpu.memory_space<hbm>>, %arg4: memref<327680xi32, #tpu.memory_space<hbm>>, %arg5: memref<327680xi32, #tpu.memory_space<hbm>>, %arg6: memref<327680x256xi32, #tpu.memory_space<hbm>>, %arg7: memref<327680x256xi32, #tpu.memory_space<hbm>>, %arg8: memref<2x80xi32, #tpu.memory_space<vmem>>, %arg9: memref<2x80xi32, #tpu.memory_space<vmem>>, %arg10: memref<2x80x256xi32, #tpu.memory_space<vmem>>, %arg11: memref<2x80x256xi32, #tpu.memory_space<vmem>>, %arg12: memref<!tpu.dma_semaphore, #tpu.memory_space<semaphore_mem>>, %arg13: memref<!tpu.dma_semaphore, #tpu.memory_space<semaphore_mem>>, %arg14: memref<!tpu.dma_semaphore, #tpu.memory_space<semaphore_mem>>, %arg15: memref<!tpu.dma_semaphore, #tpu.memory_space<semaphore_mem>>) attributes {dimension_semantics = [#tpu.dimension_semantics<core_parallel>, #tpu.dimension_semantics<subcore_parallel>], iteration_bounds = array<i64: 2, 16>, scalar_prefetch = 0 : i64, scratch_operands = 8 : i64, tpu.core_type = #tpu.core_type<sc_vector_subcore>, window_params = [{transform_indices = #map}, {transform_indices = #map}, {transform_indices = #map1}, {transform_indices = #map1}, {transform_indices = #map}, {transform_indices = #map}]} {
    %eq3A = arith.constant 0 : i32
    %eq3A_0 = arith.cmpi eq, %arg0, %eq3A : i32
    %jit3A = arith.constant 128 : i32
    %jit3A_1 = arith.constant 128 : i32
    %select_n3A = arith.select %eq3A_0, %jit3A, %jit3A_1 : i32
    %eq3A_2 = arith.constant 0 : i32
    %eq3A_3 = arith.cmpi eq, %arg0, %eq3A_2 : i32
    %mul3A = arith.constant 128 : i32
    %mul3A_4 = arith.muli %arg1, %mul3A : i32
    %mul3A_5 = arith.constant 128 : i32
    %mul3A_6 = arith.muli %arg1, %mul3A_5 : i32
    %add3A = arith.constant 2048 : i32
    %add3A_7 = arith.addi %add3A, %mul3A_6 : i32
    %select_n3A_8 = arith.select %eq3A_3, %mul3A_4, %add3A_7 : i32
    %add3A_9 = arith.constant 0 : i32
    %add3A_10 = arith.addi %select_n3A_8, %add3A_9 : i32
    %mul3A_11 = arith.constant 80 : i32
    %mul3A_12 = arith.muli %add3A_10, %mul3A_11 : i32
    %run_scoped3A = arith.constant 0 : i32
    "tpu.region"() ({
      %run_scoped3A_63 = tpu.sem_alloc : memref<!tpu.dma_semaphore, #tpu.memory_space<semaphore_mem>>
      %dma_start3A_64 = arith.constant 0 : i32
      %dma_start3A_65 = tpu.memref_slice %arg8[%run_scoped3A, %dma_start3A_64] : memref<2x80xi32, #tpu.memory_space<vmem>> -> memref<1x80xi32, #tpu.memory_space<vmem>>
      %dma_start3A_66 = tpu.memref_squeeze %dma_start3A_65 : memref<1x80xi32, #tpu.memory_space<vmem>> -> memref<80xi32, #tpu.memory_space<vmem>>
      %dma_start3A_67 = tpu.memref_slice %arg4[%mul3A_12] : memref<327680xi32, #tpu.memory_space<hbm>> -> memref<80xi32, #tpu.memory_space<hbm>>
      %dma_start3A_68 = arith.constant 0 : i32
      %dma_start3A_69 = tpu.memref_slice %arg8[%run_scoped3A, %dma_start3A_68] : memref<2x80xi32, #tpu.memory_space<vmem>> -> memref<1x80xi32, #tpu.memory_space<vmem>>
      %dma_start3A_70 = tpu.memref_squeeze %dma_start3A_69 : memref<1x80xi32, #tpu.memory_space<vmem>> -> memref<80xi32, #tpu.memory_space<vmem>>
      %dma_start3A_71 = tpu.memref_slice %arg4[%mul3A_12] : memref<327680xi32, #tpu.memory_space<hbm>> -> memref<80xi32, #tpu.memory_space<hbm>>
      tpu.enqueue_dma source(%dma_start3A_71 : memref<80xi32, #tpu.memory_space<hbm>>) target(%dma_start3A_70 : memref<80xi32, #tpu.memory_space<vmem>>) target_semaphore(%run_scoped3A_63 : memref<!tpu.dma_semaphore, #tpu.memory_space<semaphore_mem>>)
      %dma_wait3A = arith.constant 0 : i32
      %dma_wait3A_72 = tpu.memref_slice %arg8[%run_scoped3A, %dma_wait3A] : memref<2x80xi32, #tpu.memory_space<vmem>> -> memref<1x80xi32, #tpu.memory_space<vmem>>
      %dma_wait3A_73 = tpu.memref_squeeze %dma_wait3A_72 : memref<1x80xi32, #tpu.memory_space<vmem>> -> memref<80xi32, #tpu.memory_space<vmem>>
      %dma_wait3A_74 = tpu.memref_slice %arg4[%mul3A_12] : memref<327680xi32, #tpu.memory_space<hbm>> -> memref<80xi32, #tpu.memory_space<hbm>>
      %dma_wait3A_75 = arith.constant 0 : i32
      %dma_wait3A_76 = tpu.memref_slice %arg8[%run_scoped3A, %dma_wait3A_75] : memref<2x80xi32, #tpu.memory_space<vmem>> -> memref<1x80xi32, #tpu.memory_space<vmem>>
      %dma_wait3A_77 = tpu.memref_squeeze %dma_wait3A_76 : memref<1x80xi32, #tpu.memory_space<vmem>> -> memref<80xi32, #tpu.memory_space<vmem>>
      %dma_wait3A_78 = tpu.memref_slice %arg4[%mul3A_12] : memref<327680xi32, #tpu.memory_space<hbm>> -> memref<80xi32, #tpu.memory_space<hbm>>
      tpu.wait_dma2 semaphore(%run_scoped3A_63 : memref<!tpu.dma_semaphore, #tpu.memory_space<semaphore_mem>>) src(%dma_wait3A_78 : memref<80xi32, #tpu.memory_space<hbm>>) dst(%dma_wait3A_77 : memref<80xi32, #tpu.memory_space<vmem>>)
      tpu.yield
    }) : () -> ()
    %run_scoped3A_13 = arith.constant 0 : i32
    "tpu.region"() ({
      %run_scoped3A_63 = tpu.sem_alloc : memref<!tpu.dma_semaphore, #tpu.memory_space<semaphore_mem>>
      %dma_start3A_64 = arith.constant 0 : i32
      %dma_start3A_65 = tpu.memref_slice %arg9[%run_scoped3A_13, %dma_start3A_64] : memref<2x80xi32, #tpu.memory_space<vmem>> -> memref<1x80xi32, #tpu.memory_space<vmem>>
      %dma_start3A_66 = tpu.memref_squeeze %dma_start3A_65 : memref<1x80xi32, #tpu.memory_space<vmem>> -> memref<80xi32, #tpu.memory_space<vmem>>
      %dma_start3A_67 = tpu.memref_slice %arg5[%mul3A_12] : memref<327680xi32, #tpu.memory_space<hbm>> -> memref<80xi32, #tpu.memory_space<hbm>>
      %dma_start3A_68 = arith.constant 0 : i32
      %dma_start3A_69 = tpu.memref_slice %arg9[%run_scoped3A_13, %dma_start3A_68] : memref<2x80xi32, #tpu.memory_space<vmem>> -> memref<1x80xi32, #tpu.memory_space<vmem>>
      %dma_start3A_70 = tpu.memref_squeeze %dma_start3A_69 : memref<1x80xi32, #tpu.memory_space<vmem>> -> memref<80xi32, #tpu.memory_space<vmem>>
      %dma_start3A_71 = tpu.memref_slice %arg5[%mul3A_12] : memref<327680xi32, #tpu.memory_space<hbm>> -> memref<80xi32, #tpu.memory_space<hbm>>
      tpu.enqueue_dma source(%dma_start3A_71 : memref<80xi32, #tpu.memory_space<hbm>>) target(%dma_start3A_70 : memref<80xi32, #tpu.memory_space<vmem>>) target_semaphore(%run_scoped3A_63 : memref<!tpu.dma_semaphore, #tpu.memory_space<semaphore_mem>>)
      %dma_wait3A = arith.constant 0 : i32
      %dma_wait3A_72 = tpu.memref_slice %arg9[%run_scoped3A_13, %dma_wait3A] : memref<2x80xi32, #tpu.memory_space<vmem>> -> memref<1x80xi32, #tpu.memory_space<vmem>>
      %dma_wait3A_73 = tpu.memref_squeeze %dma_wait3A_72 : memref<1x80xi32, #tpu.memory_space<vmem>> -> memref<80xi32, #tpu.memory_space<vmem>>
      %dma_wait3A_74 = tpu.memref_slice %arg5[%mul3A_12] : memref<327680xi32, #tpu.memory_space<hbm>> -> memref<80xi32, #tpu.memory_space<hbm>>
      %dma_wait3A_75 = arith.constant 0 : i32
      %dma_wait3A_76 = tpu.memref_slice %arg9[%run_scoped3A_13, %dma_wait3A_75] : memref<2x80xi32, #tpu.memory_space<vmem>> -> memref<1x80xi32, #tpu.memory_space<vmem>>
      %dma_wait3A_77 = tpu.memref_squeeze %dma_wait3A_76 : memref<1x80xi32, #tpu.memory_space<vmem>> -> memref<80xi32, #tpu.memory_space<vmem>>
      %dma_wait3A_78 = tpu.memref_slice %arg5[%mul3A_12] : memref<327680xi32, #tpu.memory_space<hbm>> -> memref<80xi32, #tpu.memory_space<hbm>>
      tpu.wait_dma2 semaphore(%run_scoped3A_63 : memref<!tpu.dma_semaphore, #tpu.memory_space<semaphore_mem>>) src(%dma_wait3A_78 : memref<80xi32, #tpu.memory_space<hbm>>) dst(%dma_wait3A_77 : memref<80xi32, #tpu.memory_space<vmem>>)
      tpu.yield
    }) : () -> ()
    %dma_start3A = arith.constant 0 : i32
    %dma_start3A_14 = arith.constant 0 : i32
    %dma_start3A_15 = arith.constant 0 : i32
    %dma_start3A_16 = arith.constant 0 : i32
    %dma_start3A_17 = tpu.memref_slice %arg10[%dma_start3A_14, %dma_start3A_15, %dma_start3A_16] : memref<2x80x256xi32, #tpu.memory_space<vmem>> -> memref<1x80x256xi32, #tpu.memory_space<vmem>>
    %dma_start3A_18 = tpu.memref_squeeze %dma_start3A_17 : memref<1x80x256xi32, #tpu.memory_space<vmem>> -> memref<80x256xi32, #tpu.memory_space<vmem>>
    %dma_start3A_19 = arith.constant 0 : i32
    %dma_start3A_20 = tpu.memref_slice %arg8[%dma_start3A, %dma_start3A_19] : memref<2x80xi32, #tpu.memory_space<vmem>> -> memref<1x80xi32, #tpu.memory_space<vmem>>
    %dma_start3A_21 = tpu.memref_squeeze %dma_start3A_20 : memref<1x80xi32, #tpu.memory_space<vmem>> -> memref<80xi32, #tpu.memory_space<vmem>>
    %dma_start3A_22 = arith.constant 0 : i32
    %dma_start3A_23 = arith.constant 0 : i32
    %dma_start3A_24 = tpu.memref_slice %arg2[%dma_start3A_22, %dma_start3A_23] : memref<10000x256xi32, #tpu.memory_space<hbm>> -> memref<10000x256xi32, #tpu.memory_space<hbm>>
    tpu.enqueue_indirect_dma source(%dma_start3A_24 : memref<10000x256xi32, #tpu.memory_space<hbm>>) target(%dma_start3A_18 : memref<80x256xi32, #tpu.memory_space<vmem>>) offsets(%dma_start3A_21 : memref<80xi32, #tpu.memory_space<vmem>>) semaphore(%arg12 : memref<!tpu.dma_semaphore, #tpu.memory_space<semaphore_mem>>)
    %dma_start3A_25 = arith.constant 0 : i32
    %dma_start3A_26 = arith.constant 0 : i32
    %dma_start3A_27 = arith.constant 0 : i32
    %dma_start3A_28 = arith.constant 0 : i32
    %dma_start3A_29 = tpu.memref_slice %arg11[%dma_start3A_26, %dma_start3A_27, %dma_start3A_28] : memref<2x80x256xi32, #tpu.memory_space<vmem>> -> memref<1x80x256xi32, #tpu.memory_space<vmem>>
    %dma_start3A_30 = tpu.memref_squeeze %dma_start3A_29 : memref<1x80x256xi32, #tpu.memory_space<vmem>> -> memref<80x256xi32, #tpu.memory_space<vmem>>
    %dma_start3A_31 = arith.constant 0 : i32
    %dma_start3A_32 = tpu.memref_slice %arg9[%dma_start3A_25, %dma_start3A_31] : memref<2x80xi32, #tpu.memory_space<vmem>> -> memref<1x80xi32, #tpu.memory_space<vmem>>
    %dma_start3A_33 = tpu.memref_squeeze %dma_start3A_32 : memref<1x80xi32, #tpu.memory_space<vmem>> -> memref<80xi32, #tpu.memory_space<vmem>>
    %dma_start3A_34 = arith.constant 0 : i32
    %dma_start3A_35 = arith.constant 0 : i32
    %dma_start3A_36 = tpu.memref_slice %arg3[%dma_start3A_34, %dma_start3A_35] : memref<10000x256xi32, #tpu.memory_space<hbm>> -> memref<10000x256xi32, #tpu.memory_space<hbm>>
    tpu.enqueue_indirect_dma source(%dma_start3A_36 : memref<10000x256xi32, #tpu.memory_space<hbm>>) target(%dma_start3A_30 : memref<80x256xi32, #tpu.memory_space<vmem>>) offsets(%dma_start3A_33 : memref<80xi32, #tpu.memory_space<vmem>>) semaphore(%arg14 : memref<!tpu.dma_semaphore, #tpu.memory_space<semaphore_mem>>)
    %jit3A_37 = arith.constant 2 : i32
    %div3A = arith.divsi %select_n3A, %jit3A_37 : i32
    %sign3A = arith.constant 0 : i32
    %sign3A_38 = arith.cmpi sgt, %select_n3A, %sign3A : i32
    %sign3A_39 = arith.extui %sign3A_38 : i1 to i32
    %sign3A_40 = arith.constant 0 : i32
    %sign3A_41 = arith.cmpi slt, %select_n3A, %sign3A_40 : i32
    %sign3A_42 = arith.extui %sign3A_41 : i1 to i32
    %sign3A_43 = arith.subi %sign3A_39, %sign3A_42 : i32
    %sign3A_44 = arith.constant 0 : i32
    %sign3A_45 = arith.cmpi sgt, %jit3A_37, %sign3A_44 : i32
    %sign3A_46 = arith.extui %sign3A_45 : i1 to i32
    %sign3A_47 = arith.constant 0 : i32
    %sign3A_48 = arith.cmpi slt, %jit3A_37, %sign3A_47 : i32
    %sign3A_49 = arith.extui %sign3A_48 : i1 to i32
    %sign3A_50 = arith.subi %sign3A_46, %sign3A_49 : i32
    %ne3A = arith.cmpi ne, %sign3A_43, %sign3A_50 : i32
    %rem3A = arith.remsi %select_n3A, %jit3A_37 : i32
    %ne3A_51 = arith.constant 0 : i32
    %ne3A_52 = arith.cmpi ne, %rem3A, %ne3A_51 : i32
    %and3A = arith.andi %ne3A, %ne3A_52 : i1
    %sub3A = arith.constant 1 : i32
    %sub3A_53 = arith.subi %div3A, %sub3A : i32
    %select_n3A_54 = arith.select %and3A, %sub3A_53, %div3A : i32
    %while3A = arith.constant 0 : i32
    %while3A_55 = arith.subi %select_n3A_54, %while3A : i32
    %while3A_56 = arith.addi %while3A, %while3A_55 : i32
    %while3A_57 = arith.constant 1 : i32
    %while3A_58 = arith.divsi %while3A_55, %while3A_57 : i32
    %while3A_59 = arith.muli %while3A_58, %while3A_57 : i32
    %while3A_60 = arith.addi %while3A, %while3A_59 : i32
    %while3A_61 = arith.constant 1 : i32
    scf.for %while3A_63 = %while3A to %while3A_60 step %while3A_61  : i32 {
      %mul3A_64 = arith.constant 2 : i32
      %mul3A_65 = arith.muli %while3A_63, %mul3A_64 : i32
      %add3A_66 = arith.constant 0 : i32
      %add3A_67 = arith.addi %mul3A_65, %add3A_66 : i32
      %add3A_68 = arith.constant 1 : i32
      %add3A_69 = arith.addi %add3A_67, %add3A_68 : i32
      %lt3A = arith.cmpi slt, %add3A_69, %select_n3A : i32
      %convert_element_type3A = arith.extui %lt3A : i1 to i32
      %cond3A = arith.constant 0 : i32
      %cond3A_70 = arith.cmpi ne, %convert_element_type3A, %cond3A : i32
      scf.if %cond3A_70 {
        %add3A_138 = arith.addi %select_n3A_8, %add3A_69 : i32
        %mul3A_139 = arith.constant 80 : i32
        %mul3A_140 = arith.muli %add3A_138, %mul3A_139 : i32
        %run_scoped3A_141 = arith.constant 1 : i32
        "tpu.region"() ({
          %run_scoped3A_167 = tpu.sem_alloc : memref<!tpu.dma_semaphore, #tpu.memory_space<semaphore_mem>>
          %dma_start3A_168 = arith.constant 0 : i32
          %dma_start3A_169 = tpu.memref_slice %arg8[%run_scoped3A_141, %dma_start3A_168] : memref<2x80xi32, #tpu.memory_space<vmem>> -> memref<1x80xi32, #tpu.memory_space<vmem>>
          %dma_start3A_170 = tpu.memref_squeeze %dma_start3A_169 : memref<1x80xi32, #tpu.memory_space<vmem>> -> memref<80xi32, #tpu.memory_space<vmem>>
          %dma_start3A_171 = tpu.memref_slice %arg4[%mul3A_140] : memref<327680xi32, #tpu.memory_space<hbm>> -> memref<80xi32, #tpu.memory_space<hbm>>
          %dma_start3A_172 = arith.constant 0 : i32
          %dma_start3A_173 = tpu.memref_slice %arg8[%run_scoped3A_141, %dma_start3A_172] : memref<2x80xi32, #tpu.memory_space<vmem>> -> memref<1x80xi32, #tpu.memory_space<vmem>>
          %dma_start3A_174 = tpu.memref_squeeze %dma_start3A_173 : memref<1x80xi32, #tpu.memory_space<vmem>> -> memref<80xi32, #tpu.memory_space<vmem>>
          %dma_start3A_175 = tpu.memref_slice %arg4[%mul3A_140] : memref<327680xi32, #tpu.memory_space<hbm>> -> memref<80xi32, #tpu.memory_space<hbm>>
          tpu.enqueue_dma source(%dma_start3A_175 : memref<80xi32, #tpu.memory_space<hbm>>) target(%dma_start3A_174 : memref<80xi32, #tpu.memory_space<vmem>>) target_semaphore(%run_scoped3A_167 : memref<!tpu.dma_semaphore, #tpu.memory_space<semaphore_mem>>)
          %dma_wait3A_176 = arith.constant 0 : i32
          %dma_wait3A_177 = tpu.memref_slice %arg8[%run_scoped3A_141, %dma_wait3A_176] : memref<2x80xi32, #tpu.memory_space<vmem>> -> memref<1x80xi32, #tpu.memory_space<vmem>>
          %dma_wait3A_178 = tpu.memref_squeeze %dma_wait3A_177 : memref<1x80xi32, #tpu.memory_space<vmem>> -> memref<80xi32, #tpu.memory_space<vmem>>
          %dma_wait3A_179 = tpu.memref_slice %arg4[%mul3A_140] : memref<327680xi32, #tpu.memory_space<hbm>> -> memref<80xi32, #tpu.memory_space<hbm>>
          %dma_wait3A_180 = arith.constant 0 : i32
          %dma_wait3A_181 = tpu.memref_slice %arg8[%run_scoped3A_141, %dma_wait3A_180] : memref<2x80xi32, #tpu.memory_space<vmem>> -> memref<1x80xi32, #tpu.memory_space<vmem>>
          %dma_wait3A_182 = tpu.memref_squeeze %dma_wait3A_181 : memref<1x80xi32, #tpu.memory_space<vmem>> -> memref<80xi32, #tpu.memory_space<vmem>>
          %dma_wait3A_183 = tpu.memref_slice %arg4[%mul3A_140] : memref<327680xi32, #tpu.memory_space<hbm>> -> memref<80xi32, #tpu.memory_space<hbm>>
          tpu.wait_dma2 semaphore(%run_scoped3A_167 : memref<!tpu.dma_semaphore, #tpu.memory_space<semaphore_mem>>) src(%dma_wait3A_183 : memref<80xi32, #tpu.memory_space<hbm>>) dst(%dma_wait3A_182 : memref<80xi32, #tpu.memory_space<vmem>>)
          tpu.yield
        }) : () -> ()
        %run_scoped3A_142 = arith.constant 1 : i32
        "tpu.region"() ({
          %run_scoped3A_167 = tpu.sem_alloc : memref<!tpu.dma_semaphore, #tpu.memory_space<semaphore_mem>>
          %dma_start3A_168 = arith.constant 0 : i32
          %dma_start3A_169 = tpu.memref_slice %arg9[%run_scoped3A_142, %dma_start3A_168] : memref<2x80xi32, #tpu.memory_space<vmem>> -> memref<1x80xi32, #tpu.memory_space<vmem>>
          %dma_start3A_170 = tpu.memref_squeeze %dma_start3A_169 : memref<1x80xi32, #tpu.memory_space<vmem>> -> memref<80xi32, #tpu.memory_space<vmem>>
          %dma_start3A_171 = tpu.memref_slice %arg5[%mul3A_140] : memref<327680xi32, #tpu.memory_space<hbm>> -> memref<80xi32, #tpu.memory_space<hbm>>
          %dma_start3A_172 = arith.constant 0 : i32
          %dma_start3A_173 = tpu.memref_slice %arg9[%run_scoped3A_142, %dma_start3A_172] : memref<2x80xi32, #tpu.memory_space<vmem>> -> memref<1x80xi32, #tpu.memory_space<vmem>>
          %dma_start3A_174 = tpu.memref_squeeze %dma_start3A_173 : memref<1x80xi32, #tpu.memory_space<vmem>> -> memref<80xi32, #tpu.memory_space<vmem>>
          %dma_start3A_175 = tpu.memref_slice %arg5[%mul3A_140] : memref<327680xi32, #tpu.memory_space<hbm>> -> memref<80xi32, #tpu.memory_space<hbm>>
          tpu.enqueue_dma source(%dma_start3A_175 : memref<80xi32, #tpu.memory_space<hbm>>) target(%dma_start3A_174 : memref<80xi32, #tpu.memory_space<vmem>>) target_semaphore(%run_scoped3A_167 : memref<!tpu.dma_semaphore, #tpu.memory_space<semaphore_mem>>)
          %dma_wait3A_176 = arith.constant 0 : i32
          %dma_wait3A_177 = tpu.memref_slice %arg9[%run_scoped3A_142, %dma_wait3A_176] : memref<2x80xi32, #tpu.memory_space<vmem>> -> memref<1x80xi32, #tpu.memory_space<vmem>>
          %dma_wait3A_178 = tpu.memref_squeeze %dma_wait3A_177 : memref<1x80xi32, #tpu.memory_space<vmem>> -> memref<80xi32, #tpu.memory_space<vmem>>
          %dma_wait3A_179 = tpu.memref_slice %arg5[%mul3A_140] : memref<327680xi32, #tpu.memory_space<hbm>> -> memref<80xi32, #tpu.memory_space<hbm>>
          %dma_wait3A_180 = arith.constant 0 : i32
          %dma_wait3A_181 = tpu.memref_slice %arg9[%run_scoped3A_142, %dma_wait3A_180] : memref<2x80xi32, #tpu.memory_space<vmem>> -> memref<1x80xi32, #tpu.memory_space<vmem>>
          %dma_wait3A_182 = tpu.memref_squeeze %dma_wait3A_181 : memref<1x80xi32, #tpu.memory_space<vmem>> -> memref<80xi32, #tpu.memory_space<vmem>>
          %dma_wait3A_183 = tpu.memref_slice %arg5[%mul3A_140] : memref<327680xi32, #tpu.memory_space<hbm>> -> memref<80xi32, #tpu.memory_space<hbm>>
          tpu.wait_dma2 semaphore(%run_scoped3A_167 : memref<!tpu.dma_semaphore, #tpu.memory_space<semaphore_mem>>) src(%dma_wait3A_183 : memref<80xi32, #tpu.memory_space<hbm>>) dst(%dma_wait3A_182 : memref<80xi32, #tpu.memory_space<vmem>>)
          tpu.yield
        }) : () -> ()
        %dma_start3A_143 = arith.constant 1 : i32
        %dma_start3A_144 = arith.constant 1 : i32
        %dma_start3A_145 = arith.constant 0 : i32
        %dma_start3A_146 = arith.constant 0 : i32
        %dma_start3A_147 = tpu.memref_slice %arg10[%dma_start3A_144, %dma_start3A_145, %dma_start3A_146] : memref<2x80x256xi32, #tpu.memory_space<vmem>> -> memref<1x80x256xi32, #tpu.memory_space<vmem>>
        %dma_start3A_148 = tpu.memref_squeeze %dma_start3A_147 : memref<1x80x256xi32, #tpu.memory_space<vmem>> -> memref<80x256xi32, #tpu.memory_space<vmem>>
        %dma_start3A_149 = arith.constant 0 : i32
        %dma_start3A_150 = tpu.memref_slice %arg8[%dma_start3A_143, %dma_start3A_149] : memref<2x80xi32, #tpu.memory_space<vmem>> -> memref<1x80xi32, #tpu.memory_space<vmem>>
        %dma_start3A_151 = tpu.memref_squeeze %dma_start3A_150 : memref<1x80xi32, #tpu.memory_space<vmem>> -> memref<80xi32, #tpu.memory_space<vmem>>
        %dma_start3A_152 = arith.constant 0 : i32
        %dma_start3A_153 = arith.constant 0 : i32
        %dma_start3A_154 = tpu.memref_slice %arg2[%dma_start3A_152, %dma_start3A_153] : memref<10000x256xi32, #tpu.memory_space<hbm>> -> memref<10000x256xi32, #tpu.memory_space<hbm>>
        tpu.enqueue_indirect_dma source(%dma_start3A_154 : memref<10000x256xi32, #tpu.memory_space<hbm>>) target(%dma_start3A_148 : memref<80x256xi32, #tpu.memory_space<vmem>>) offsets(%dma_start3A_151 : memref<80xi32, #tpu.memory_space<vmem>>) semaphore(%arg13 : memref<!tpu.dma_semaphore, #tpu.memory_space<semaphore_mem>>)
        %dma_start3A_155 = arith.constant 1 : i32
        %dma_start3A_156 = arith.constant 1 : i32
        %dma_start3A_157 = arith.constant 0 : i32
        %dma_start3A_158 = arith.constant 0 : i32
        %dma_start3A_159 = tpu.memref_slice %arg11[%dma_start3A_156, %dma_start3A_157, %dma_start3A_158] : memref<2x80x256xi32, #tpu.memory_space<vmem>> -> memref<1x80x256xi32, #tpu.memory_space<vmem>>
        %dma_start3A_160 = tpu.memref_squeeze %dma_start3A_159 : memref<1x80x256xi32, #tpu.memory_space<vmem>> -> memref<80x256xi32, #tpu.memory_space<vmem>>
        %dma_start3A_161 = arith.constant 0 : i32
        %dma_start3A_162 = tpu.memref_slice %arg9[%dma_start3A_155, %dma_start3A_161] : memref<2x80xi32, #tpu.memory_space<vmem>> -> memref<1x80xi32, #tpu.memory_space<vmem>>
        %dma_start3A_163 = tpu.memref_squeeze %dma_start3A_162 : memref<1x80xi32, #tpu.memory_space<vmem>> -> memref<80xi32, #tpu.memory_space<vmem>>
        %dma_start3A_164 = arith.constant 0 : i32
        %dma_start3A_165 = arith.constant 0 : i32
        %dma_start3A_166 = tpu.memref_slice %arg3[%dma_start3A_164, %dma_start3A_165] : memref<10000x256xi32, #tpu.memory_space<hbm>> -> memref<10000x256xi32, #tpu.memory_space<hbm>>
        tpu.enqueue_indirect_dma source(%dma_start3A_166 : memref<10000x256xi32, #tpu.memory_space<hbm>>) target(%dma_start3A_160 : memref<80x256xi32, #tpu.memory_space<vmem>>) offsets(%dma_start3A_163 : memref<80xi32, #tpu.memory_space<vmem>>) semaphore(%arg15 : memref<!tpu.dma_semaphore, #tpu.memory_space<semaphore_mem>>)
      } else {
      }
      %dma_wait3A = arith.constant 0 : i32
      %dma_wait3A_71 = arith.constant 0 : i32
      %dma_wait3A_72 = arith.constant 0 : i32
      %dma_wait3A_73 = arith.constant 0 : i32
      %dma_wait3A_74 = tpu.memref_slice %arg10[%dma_wait3A_71, %dma_wait3A_72, %dma_wait3A_73] : memref<2x80x256xi32, #tpu.memory_space<vmem>> -> memref<1x80x256xi32, #tpu.memory_space<vmem>>
      %dma_wait3A_75 = tpu.memref_squeeze %dma_wait3A_74 : memref<1x80x256xi32, #tpu.memory_space<vmem>> -> memref<80x256xi32, #tpu.memory_space<vmem>>
      %dma_wait3A_76 = arith.constant 0 : i32
      %dma_wait3A_77 = tpu.memref_slice %arg8[%dma_wait3A, %dma_wait3A_76] : memref<2x80xi32, #tpu.memory_space<vmem>> -> memref<1x80xi32, #tpu.memory_space<vmem>>
      %dma_wait3A_78 = tpu.memref_squeeze %dma_wait3A_77 : memref<1x80xi32, #tpu.memory_space<vmem>> -> memref<80xi32, #tpu.memory_space<vmem>>
      %dma_wait3A_79 = arith.constant 0 : i32
      %dma_wait3A_80 = arith.constant 0 : i32
      %dma_wait3A_81 = tpu.memref_slice %arg2[%dma_wait3A_79, %dma_wait3A_80] : memref<10000x256xi32, #tpu.memory_space<hbm>> -> memref<10000x256xi32, #tpu.memory_space<hbm>>
      tpu.wait_indirect_dma semaphore(%arg12 : memref<!tpu.dma_semaphore, #tpu.memory_space<semaphore_mem>>) src(%dma_wait3A_81 : memref<10000x256xi32, #tpu.memory_space<hbm>>) dst(%dma_wait3A_75 : memref<80x256xi32, #tpu.memory_space<vmem>>)
      %dma_wait3A_82 = arith.constant 0 : i32
      %dma_wait3A_83 = arith.constant 0 : i32
      %dma_wait3A_84 = arith.constant 0 : i32
      %dma_wait3A_85 = arith.constant 0 : i32
      %dma_wait3A_86 = tpu.memref_slice %arg11[%dma_wait3A_83, %dma_wait3A_84, %dma_wait3A_85] : memref<2x80x256xi32, #tpu.memory_space<vmem>> -> memref<1x80x256xi32, #tpu.memory_space<vmem>>
      %dma_wait3A_87 = tpu.memref_squeeze %dma_wait3A_86 : memref<1x80x256xi32, #tpu.memory_space<vmem>> -> memref<80x256xi32, #tpu.memory_space<vmem>>
      %dma_wait3A_88 = arith.constant 0 : i32
      %dma_wait3A_89 = tpu.memref_slice %arg9[%dma_wait3A_82, %dma_wait3A_88] : memref<2x80xi32, #tpu.memory_space<vmem>> -> memref<1x80xi32, #tpu.memory_space<vmem>>
      %dma_wait3A_90 = tpu.memref_squeeze %dma_wait3A_89 : memref<1x80xi32, #tpu.memory_space<vmem>> -> memref<80xi32, #tpu.memory_space<vmem>>
      %dma_wait3A_91 = arith.constant 0 : i32
      %dma_wait3A_92 = arith.constant 0 : i32
      %dma_wait3A_93 = tpu.memref_slice %arg3[%dma_wait3A_91, %dma_wait3A_92] : memref<10000x256xi32, #tpu.memory_space<hbm>> -> memref<10000x256xi32, #tpu.memory_space<hbm>>
      tpu.wait_indirect_dma semaphore(%arg14 : memref<!tpu.dma_semaphore, #tpu.memory_space<semaphore_mem>>) src(%dma_wait3A_93 : memref<10000x256xi32, #tpu.memory_space<hbm>>) dst(%dma_wait3A_87 : memref<80x256xi32, #tpu.memory_space<vmem>>)
      %add3A_94 = arith.addi %select_n3A_8, %add3A_67 : i32
      %mul3A_95 = arith.constant 80 : i32
      %mul3A_96 = arith.muli %add3A_94, %mul3A_95 : i32
      %run_scoped3A_97 = arith.constant 0 : i32
      "tpu.region"() ({
        %run_scoped3A_138 = tpu.sem_alloc : memref<!tpu.dma_semaphore, #tpu.memory_space<semaphore_mem>>
        %dma_start3A_139 = arith.constant 0 : i32
        %dma_start3A_140 = arith.constant 0 : i32
        %dma_start3A_141 = tpu.memref_slice %arg10[%run_scoped3A_97, %dma_start3A_139, %dma_start3A_140] : memref<2x80x256xi32, #tpu.memory_space<vmem>> -> memref<1x80x256xi32, #tpu.memory_space<vmem>>
        %dma_start3A_142 = tpu.memref_squeeze %dma_start3A_141 : memref<1x80x256xi32, #tpu.memory_space<vmem>> -> memref<80x256xi32, #tpu.memory_space<vmem>>
        %dma_start3A_143 = arith.constant 0 : i32
        %dma_start3A_144 = tpu.memref_slice %arg6[%mul3A_96, %dma_start3A_143] : memref<327680x256xi32, #tpu.memory_space<hbm>> -> memref<80x256xi32, #tpu.memory_space<hbm>>
        %dma_start3A_145 = arith.constant 0 : i32
        %dma_start3A_146 = tpu.memref_slice %arg6[%mul3A_96, %dma_start3A_145] : memref<327680x256xi32, #tpu.memory_space<hbm>> -> memref<80x256xi32, #tpu.memory_space<hbm>>
        %dma_start3A_147 = arith.constant 0 : i32
        %dma_start3A_148 = arith.constant 0 : i32
        %dma_start3A_149 = tpu.memref_slice %arg10[%run_scoped3A_97, %dma_start3A_147, %dma_start3A_148] : memref<2x80x256xi32, #tpu.memory_space<vmem>> -> memref<1x80x256xi32, #tpu.memory_space<vmem>>
        %dma_start3A_150 = tpu.memref_squeeze %dma_start3A_149 : memref<1x80x256xi32, #tpu.memory_space<vmem>> -> memref<80x256xi32, #tpu.memory_space<vmem>>
        tpu.enqueue_dma source(%dma_start3A_150 : memref<80x256xi32, #tpu.memory_space<vmem>>) target(%dma_start3A_146 : memref<80x256xi32, #tpu.memory_space<hbm>>) target_semaphore(%run_scoped3A_138 : memref<!tpu.dma_semaphore, #tpu.memory_space<semaphore_mem>>)
        %dma_wait3A_151 = arith.constant 0 : i32
        %dma_wait3A_152 = arith.constant 0 : i32
        %dma_wait3A_153 = tpu.memref_slice %arg10[%run_scoped3A_97, %dma_wait3A_151, %dma_wait3A_152] : memref<2x80x256xi32, #tpu.memory_space<vmem>> -> memref<1x80x256xi32, #tpu.memory_space<vmem>>
        %dma_wait3A_154 = tpu.memref_squeeze %dma_wait3A_153 : memref<1x80x256xi32, #tpu.memory_space<vmem>> -> memref<80x256xi32, #tpu.memory_space<vmem>>
        %dma_wait3A_155 = arith.constant 0 : i32
        %dma_wait3A_156 = tpu.memref_slice %arg6[%mul3A_96, %dma_wait3A_155] : memref<327680x256xi32, #tpu.memory_space<hbm>> -> memref<80x256xi32, #tpu.memory_space<hbm>>
        %dma_wait3A_157 = arith.constant 0 : i32
        %dma_wait3A_158 = tpu.memref_slice %arg6[%mul3A_96, %dma_wait3A_157] : memref<327680x256xi32, #tpu.memory_space<hbm>> -> memref<80x256xi32, #tpu.memory_space<hbm>>
        %dma_wait3A_159 = arith.constant 0 : i32
        %dma_wait3A_160 = arith.constant 0 : i32
        %dma_wait3A_161 = tpu.memref_slice %arg10[%run_scoped3A_97, %dma_wait3A_159, %dma_wait3A_160] : memref<2x80x256xi32, #tpu.memory_space<vmem>> -> memref<1x80x256xi32, #tpu.memory_space<vmem>>
        %dma_wait3A_162 = tpu.memref_squeeze %dma_wait3A_161 : memref<1x80x256xi32, #tpu.memory_space<vmem>> -> memref<80x256xi32, #tpu.memory_space<vmem>>
        tpu.wait_dma2 semaphore(%run_scoped3A_138 : memref<!tpu.dma_semaphore, #tpu.memory_space<semaphore_mem>>) src(%dma_wait3A_162 : memref<80x256xi32, #tpu.memory_space<vmem>>) dst(%dma_wait3A_158 : memref<80x256xi32, #tpu.memory_space<hbm>>)
        tpu.yield
      }) : () -> ()
      %run_scoped3A_98 = arith.constant 0 : i32
      "tpu.region"() ({
        %run_scoped3A_138 = tpu.sem_alloc : memref<!tpu.dma_semaphore, #tpu.memory_space<semaphore_mem>>
        %dma_start3A_139 = arith.constant 0 : i32
        %dma_start3A_140 = arith.constant 0 : i32
        %dma_start3A_141 = tpu.memref_slice %arg11[%run_scoped3A_98, %dma_start3A_139, %dma_start3A_140] : memref<2x80x256xi32, #tpu.memory_space<vmem>> -> memref<1x80x256xi32, #tpu.memory_space<vmem>>
        %dma_start3A_142 = tpu.memref_squeeze %dma_start3A_141 : memref<1x80x256xi32, #tpu.memory_space<vmem>> -> memref<80x256xi32, #tpu.memory_space<vmem>>
        %dma_start3A_143 = arith.constant 0 : i32
        %dma_start3A_144 = tpu.memref_slice %arg7[%mul3A_96, %dma_start3A_143] : memref<327680x256xi32, #tpu.memory_space<hbm>> -> memref<80x256xi32, #tpu.memory_space<hbm>>
        %dma_start3A_145 = arith.constant 0 : i32
        %dma_start3A_146 = tpu.memref_slice %arg7[%mul3A_96, %dma_start3A_145] : memref<327680x256xi32, #tpu.memory_space<hbm>> -> memref<80x256xi32, #tpu.memory_space<hbm>>
        %dma_start3A_147 = arith.constant 0 : i32
        %dma_start3A_148 = arith.constant 0 : i32
        %dma_start3A_149 = tpu.memref_slice %arg11[%run_scoped3A_98, %dma_start3A_147, %dma_start3A_148] : memref<2x80x256xi32, #tpu.memory_space<vmem>> -> memref<1x80x256xi32, #tpu.memory_space<vmem>>
        %dma_start3A_150 = tpu.memref_squeeze %dma_start3A_149 : memref<1x80x256xi32, #tpu.memory_space<vmem>> -> memref<80x256xi32, #tpu.memory_space<vmem>>
        tpu.enqueue_dma source(%dma_start3A_150 : memref<80x256xi32, #tpu.memory_space<vmem>>) target(%dma_start3A_146 : memref<80x256xi32, #tpu.memory_space<hbm>>) target_semaphore(%run_scoped3A_138 : memref<!tpu.dma_semaphore, #tpu.memory_space<semaphore_mem>>)
        %dma_wait3A_151 = arith.constant 0 : i32
        %dma_wait3A_152 = arith.constant 0 : i32
        %dma_wait3A_153 = tpu.memref_slice %arg11[%run_scoped3A_98, %dma_wait3A_151, %dma_wait3A_152] : memref<2x80x256xi32, #tpu.memory_space<vmem>> -> memref<1x80x256xi32, #tpu.memory_space<vmem>>
        %dma_wait3A_154 = tpu.memref_squeeze %dma_wait3A_153 : memref<1x80x256xi32, #tpu.memory_space<vmem>> -> memref<80x256xi32, #tpu.memory_space<vmem>>
        %dma_wait3A_155 = arith.constant 0 : i32
        %dma_wait3A_156 = tpu.memref_slice %arg7[%mul3A_96, %dma_wait3A_155] : memref<327680x256xi32, #tpu.memory_space<hbm>> -> memref<80x256xi32, #tpu.memory_space<hbm>>
        %dma_wait3A_157 = arith.constant 0 : i32
        %dma_wait3A_158 = tpu.memref_slice %arg7[%mul3A_96, %dma_wait3A_157] : memref<327680x256xi32, #tpu.memory_space<hbm>> -> memref<80x256xi32, #tpu.memory_space<hbm>>
        %dma_wait3A_159 = arith.constant 0 : i32
        %dma_wait3A_160 = arith.constant 0 : i32
        %dma_wait3A_161 = tpu.memref_slice %arg11[%run_scoped3A_98, %dma_wait3A_159, %dma_wait3A_160] : memref<2x80x256xi32, #tpu.memory_space<vmem>> -> memref<1x80x256xi32, #tpu.memory_space<vmem>>
        %dma_wait3A_162 = tpu.memref_squeeze %dma_wait3A_161 : memref<1x80x256xi32, #tpu.memory_space<vmem>> -> memref<80x256xi32, #tpu.memory_space<vmem>>
        tpu.wait_dma2 semaphore(%run_scoped3A_138 : memref<!tpu.dma_semaphore, #tpu.memory_space<semaphore_mem>>) src(%dma_wait3A_162 : memref<80x256xi32, #tpu.memory_space<vmem>>) dst(%dma_wait3A_158 : memref<80x256xi32, #tpu.memory_space<hbm>>)
        tpu.yield
      }) : () -> ()
      %mul3A_99 = arith.constant 2 : i32
      %mul3A_100 = arith.muli %while3A_63, %mul3A_99 : i32
      %add3A_101 = arith.constant 1 : i32
      %add3A_102 = arith.addi %mul3A_100, %add3A_101 : i32
      %add3A_103 = arith.constant 1 : i32
      %add3A_104 = arith.addi %add3A_102, %add3A_103 : i32
      %lt3A_105 = arith.cmpi slt, %add3A_104, %select_n3A : i32
      %convert_element_type3A_106 = arith.extui %lt3A_105 : i1 to i32
      %cond3A_107 = arith.constant 0 : i32
      %cond3A_108 = arith.cmpi ne, %convert_element_type3A_106, %cond3A_107 : i32
      scf.if %cond3A_108 {
        %add3A_138 = arith.addi %select_n3A_8, %add3A_104 : i32
        %mul3A_139 = arith.constant 80 : i32
        %mul3A_140 = arith.muli %add3A_138, %mul3A_139 : i32
        %run_scoped3A_141 = arith.constant 0 : i32
        "tpu.region"() ({
          %run_scoped3A_167 = tpu.sem_alloc : memref<!tpu.dma_semaphore, #tpu.memory_space<semaphore_mem>>
          %dma_start3A_168 = arith.constant 0 : i32
          %dma_start3A_169 = tpu.memref_slice %arg8[%run_scoped3A_141, %dma_start3A_168] : memref<2x80xi32, #tpu.memory_space<vmem>> -> memref<1x80xi32, #tpu.memory_space<vmem>>
          %dma_start3A_170 = tpu.memref_squeeze %dma_start3A_169 : memref<1x80xi32, #tpu.memory_space<vmem>> -> memref<80xi32, #tpu.memory_space<vmem>>
          %dma_start3A_171 = tpu.memref_slice %arg4[%mul3A_140] : memref<327680xi32, #tpu.memory_space<hbm>> -> memref<80xi32, #tpu.memory_space<hbm>>
          %dma_start3A_172 = arith.constant 0 : i32
          %dma_start3A_173 = tpu.memref_slice %arg8[%run_scoped3A_141, %dma_start3A_172] : memref<2x80xi32, #tpu.memory_space<vmem>> -> memref<1x80xi32, #tpu.memory_space<vmem>>
          %dma_start3A_174 = tpu.memref_squeeze %dma_start3A_173 : memref<1x80xi32, #tpu.memory_space<vmem>> -> memref<80xi32, #tpu.memory_space<vmem>>
          %dma_start3A_175 = tpu.memref_slice %arg4[%mul3A_140] : memref<327680xi32, #tpu.memory_space<hbm>> -> memref<80xi32, #tpu.memory_space<hbm>>
          tpu.enqueue_dma source(%dma_start3A_175 : memref<80xi32, #tpu.memory_space<hbm>>) target(%dma_start3A_174 : memref<80xi32, #tpu.memory_space<vmem>>) target_semaphore(%run_scoped3A_167 : memref<!tpu.dma_semaphore, #tpu.memory_space<semaphore_mem>>)
          %dma_wait3A_176 = arith.constant 0 : i32
          %dma_wait3A_177 = tpu.memref_slice %arg8[%run_scoped3A_141, %dma_wait3A_176] : memref<2x80xi32, #tpu.memory_space<vmem>> -> memref<1x80xi32, #tpu.memory_space<vmem>>
          %dma_wait3A_178 = tpu.memref_squeeze %dma_wait3A_177 : memref<1x80xi32, #tpu.memory_space<vmem>> -> memref<80xi32, #tpu.memory_space<vmem>>
          %dma_wait3A_179 = tpu.memref_slice %arg4[%mul3A_140] : memref<327680xi32, #tpu.memory_space<hbm>> -> memref<80xi32, #tpu.memory_space<hbm>>
          %dma_wait3A_180 = arith.constant 0 : i32
          %dma_wait3A_181 = tpu.memref_slice %arg8[%run_scoped3A_141, %dma_wait3A_180] : memref<2x80xi32, #tpu.memory_space<vmem>> -> memref<1x80xi32, #tpu.memory_space<vmem>>
          %dma_wait3A_182 = tpu.memref_squeeze %dma_wait3A_181 : memref<1x80xi32, #tpu.memory_space<vmem>> -> memref<80xi32, #tpu.memory_space<vmem>>
          %dma_wait3A_183 = tpu.memref_slice %arg4[%mul3A_140] : memref<327680xi32, #tpu.memory_space<hbm>> -> memref<80xi32, #tpu.memory_space<hbm>>
          tpu.wait_dma2 semaphore(%run_scoped3A_167 : memref<!tpu.dma_semaphore, #tpu.memory_space<semaphore_mem>>) src(%dma_wait3A_183 : memref<80xi32, #tpu.memory_space<hbm>>) dst(%dma_wait3A_182 : memref<80xi32, #tpu.memory_space<vmem>>)
          tpu.yield
        }) : () -> ()
        %run_scoped3A_142 = arith.constant 0 : i32
        "tpu.region"() ({
          %run_scoped3A_167 = tpu.sem_alloc : memref<!tpu.dma_semaphore, #tpu.memory_space<semaphore_mem>>
          %dma_start3A_168 = arith.constant 0 : i32
          %dma_start3A_169 = tpu.memref_slice %arg9[%run_scoped3A_142, %dma_start3A_168] : memref<2x80xi32, #tpu.memory_space<vmem>> -> memref<1x80xi32, #tpu.memory_space<vmem>>
          %dma_start3A_170 = tpu.memref_squeeze %dma_start3A_169 : memref<1x80xi32, #tpu.memory_space<vmem>> -> memref<80xi32, #tpu.memory_space<vmem>>
          %dma_start3A_171 = tpu.memref_slice %arg5[%mul3A_140] : memref<327680xi32, #tpu.memory_space<hbm>> -> memref<80xi32, #tpu.memory_space<hbm>>
          %dma_start3A_172 = arith.constant 0 : i32
          %dma_start3A_173 = tpu.memref_slice %arg9[%run_scoped3A_142, %dma_start3A_172] : memref<2x80xi32, #tpu.memory_space<vmem>> -> memref<1x80xi32, #tpu.memory_space<vmem>>
          %dma_start3A_174 = tpu.memref_squeeze %dma_start3A_173 : memref<1x80xi32, #tpu.memory_space<vmem>> -> memref<80xi32, #tpu.memory_space<vmem>>
          %dma_start3A_175 = tpu.memref_slice %arg5[%mul3A_140] : memref<327680xi32, #tpu.memory_space<hbm>> -> memref<80xi32, #tpu.memory_space<hbm>>
          tpu.enqueue_dma source(%dma_start3A_175 : memref<80xi32, #tpu.memory_space<hbm>>) target(%dma_start3A_174 : memref<80xi32, #tpu.memory_space<vmem>>) target_semaphore(%run_scoped3A_167 : memref<!tpu.dma_semaphore, #tpu.memory_space<semaphore_mem>>)
          %dma_wait3A_176 = arith.constant 0 : i32
          %dma_wait3A_177 = tpu.memref_slice %arg9[%run_scoped3A_142, %dma_wait3A_176] : memref<2x80xi32, #tpu.memory_space<vmem>> -> memref<1x80xi32, #tpu.memory_space<vmem>>
          %dma_wait3A_178 = tpu.memref_squeeze %dma_wait3A_177 : memref<1x80xi32, #tpu.memory_space<vmem>> -> memref<80xi32, #tpu.memory_space<vmem>>
          %dma_wait3A_179 = tpu.memref_slice %arg5[%mul3A_140] : memref<327680xi32, #tpu.memory_space<hbm>> -> memref<80xi32, #tpu.memory_space<hbm>>
          %dma_wait3A_180 = arith.constant 0 : i32
          %dma_wait3A_181 = tpu.memref_slice %arg9[%run_scoped3A_142, %dma_wait3A_180] : memref<2x80xi32, #tpu.memory_space<vmem>> -> memref<1x80xi32, #tpu.memory_space<vmem>>
          %dma_wait3A_182 = tpu.memref_squeeze %dma_wait3A_181 : memref<1x80xi32, #tpu.memory_space<vmem>> -> memref<80xi32, #tpu.memory_space<vmem>>
          %dma_wait3A_183 = tpu.memref_slice %arg5[%mul3A_140] : memref<327680xi32, #tpu.memory_space<hbm>> -> memref<80xi32, #tpu.memory_space<hbm>>
          tpu.wait_dma2 semaphore(%run_scoped3A_167 : memref<!tpu.dma_semaphore, #tpu.memory_space<semaphore_mem>>) src(%dma_wait3A_183 : memref<80xi32, #tpu.memory_space<hbm>>) dst(%dma_wait3A_182 : memref<80xi32, #tpu.memory_space<vmem>>)
          tpu.yield
        }) : () -> ()
        %dma_start3A_143 = arith.constant 0 : i32
        %dma_start3A_144 = arith.constant 0 : i32
        %dma_start3A_145 = arith.constant 0 : i32
        %dma_start3A_146 = arith.constant 0 : i32
        %dma_start3A_147 = tpu.memref_slice %arg10[%dma_start3A_144, %dma_start3A_145, %dma_start3A_146] : memref<2x80x256xi32, #tpu.memory_space<vmem>> -> memref<1x80x256xi32, #tpu.memory_space<vmem>>
        %dma_start3A_148 = tpu.memref_squeeze %dma_start3A_147 : memref<1x80x256xi32, #tpu.memory_space<vmem>> -> memref<80x256xi32, #tpu.memory_space<vmem>>
        %dma_start3A_149 = arith.constant 0 : i32
        %dma_start3A_150 = tpu.memref_slice %arg8[%dma_start3A_143, %dma_start3A_149] : memref<2x80xi32, #tpu.memory_space<vmem>> -> memref<1x80xi32, #tpu.memory_space<vmem>>
        %dma_start3A_151 = tpu.memref_squeeze %dma_start3A_150 : memref<1x80xi32, #tpu.memory_space<vmem>> -> memref<80xi32, #tpu.memory_space<vmem>>
        %dma_start3A_152 = arith.constant 0 : i32
        %dma_start3A_153 = arith.constant 0 : i32
        %dma_start3A_154 = tpu.memref_slice %arg2[%dma_start3A_152, %dma_start3A_153] : memref<10000x256xi32, #tpu.memory_space<hbm>> -> memref<10000x256xi32, #tpu.memory_space<hbm>>
        tpu.enqueue_indirect_dma source(%dma_start3A_154 : memref<10000x256xi32, #tpu.memory_space<hbm>>) target(%dma_start3A_148 : memref<80x256xi32, #tpu.memory_space<vmem>>) offsets(%dma_start3A_151 : memref<80xi32, #tpu.memory_space<vmem>>) semaphore(%arg12 : memref<!tpu.dma_semaphore, #tpu.memory_space<semaphore_mem>>)
        %dma_start3A_155 = arith.constant 0 : i32
        %dma_start3A_156 = arith.constant 0 : i32
        %dma_start3A_157 = arith.constant 0 : i32
        %dma_start3A_158 = arith.constant 0 : i32
        %dma_start3A_159 = tpu.memref_slice %arg11[%dma_start3A_156, %dma_start3A_157, %dma_start3A_158] : memref<2x80x256xi32, #tpu.memory_space<vmem>> -> memref<1x80x256xi32, #tpu.memory_space<vmem>>
        %dma_start3A_160 = tpu.memref_squeeze %dma_start3A_159 : memref<1x80x256xi32, #tpu.memory_space<vmem>> -> memref<80x256xi32, #tpu.memory_space<vmem>>
        %dma_start3A_161 = arith.constant 0 : i32
        %dma_start3A_162 = tpu.memref_slice %arg9[%dma_start3A_155, %dma_start3A_161] : memref<2x80xi32, #tpu.memory_space<vmem>> -> memref<1x80xi32, #tpu.memory_space<vmem>>
        %dma_start3A_163 = tpu.memref_squeeze %dma_start3A_162 : memref<1x80xi32, #tpu.memory_space<vmem>> -> memref<80xi32, #tpu.memory_space<vmem>>
        %dma_start3A_164 = arith.constant 0 : i32
        %dma_start3A_165 = arith.constant 0 : i32
        %dma_start3A_166 = tpu.memref_slice %arg3[%dma_start3A_164, %dma_start3A_165] : memref<10000x256xi32, #tpu.memory_space<hbm>> -> memref<10000x256xi32, #tpu.memory_space<hbm>>
        tpu.enqueue_indirect_dma source(%dma_start3A_166 : memref<10000x256xi32, #tpu.memory_space<hbm>>) target(%dma_start3A_160 : memref<80x256xi32, #tpu.memory_space<vmem>>) offsets(%dma_start3A_163 : memref<80xi32, #tpu.memory_space<vmem>>) semaphore(%arg14 : memref<!tpu.dma_semaphore, #tpu.memory_space<semaphore_mem>>)
      } else {
      }
      %dma_wait3A_109 = arith.constant 1 : i32
      %dma_wait3A_110 = arith.constant 1 : i32
      %dma_wait3A_111 = arith.constant 0 : i32
      %dma_wait3A_112 = arith.constant 0 : i32
      %dma_wait3A_113 = tpu.memref_slice %arg10[%dma_wait3A_110, %dma_wait3A_111, %dma_wait3A_112] : memref<2x80x256xi32, #tpu.memory_space<vmem>> -> memref<1x80x256xi32, #tpu.memory_space<vmem>>
      %dma_wait3A_114 = tpu.memref_squeeze %dma_wait3A_113 : memref<1x80x256xi32, #tpu.memory_space<vmem>> -> memref<80x256xi32, #tpu.memory_space<vmem>>
      %dma_wait3A_115 = arith.constant 0 : i32
      %dma_wait3A_116 = tpu.memref_slice %arg8[%dma_wait3A_109, %dma_wait3A_115] : memref<2x80xi32, #tpu.memory_space<vmem>> -> memref<1x80xi32, #tpu.memory_space<vmem>>
      %dma_wait3A_117 = tpu.memref_squeeze %dma_wait3A_116 : memref<1x80xi32, #tpu.memory_space<vmem>> -> memref<80xi32, #tpu.memory_space<vmem>>
      %dma_wait3A_118 = arith.constant 0 : i32
      %dma_wait3A_119 = arith.constant 0 : i32
      %dma_wait3A_120 = tpu.memref_slice %arg2[%dma_wait3A_118, %dma_wait3A_119] : memref<10000x256xi32, #tpu.memory_space<hbm>> -> memref<10000x256xi32, #tpu.memory_space<hbm>>
      tpu.wait_indirect_dma semaphore(%arg13 : memref<!tpu.dma_semaphore, #tpu.memory_space<semaphore_mem>>) src(%dma_wait3A_120 : memref<10000x256xi32, #tpu.memory_space<hbm>>) dst(%dma_wait3A_114 : memref<80x256xi32, #tpu.memory_space<vmem>>)
      %dma_wait3A_121 = arith.constant 1 : i32
      %dma_wait3A_122 = arith.constant 1 : i32
      %dma_wait3A_123 = arith.constant 0 : i32
      %dma_wait3A_124 = arith.constant 0 : i32
      %dma_wait3A_125 = tpu.memref_slice %arg11[%dma_wait3A_122, %dma_wait3A_123, %dma_wait3A_124] : memref<2x80x256xi32, #tpu.memory_space<vmem>> -> memref<1x80x256xi32, #tpu.memory_space<vmem>>
      %dma_wait3A_126 = tpu.memref_squeeze %dma_wait3A_125 : memref<1x80x256xi32, #tpu.memory_space<vmem>> -> memref<80x256xi32, #tpu.memory_space<vmem>>
      %dma_wait3A_127 = arith.constant 0 : i32
      %dma_wait3A_128 = tpu.memref_slice %arg9[%dma_wait3A_121, %dma_wait3A_127] : memref<2x80xi32, #tpu.memory_space<vmem>> -> memref<1x80xi32, #tpu.memory_space<vmem>>
      %dma_wait3A_129 = tpu.memref_squeeze %dma_wait3A_128 : memref<1x80xi32, #tpu.memory_space<vmem>> -> memref<80xi32, #tpu.memory_space<vmem>>
      %dma_wait3A_130 = arith.constant 0 : i32
      %dma_wait3A_131 = arith.constant 0 : i32
      %dma_wait3A_132 = tpu.memref_slice %arg3[%dma_wait3A_130, %dma_wait3A_131] : memref<10000x256xi32, #tpu.memory_space<hbm>> -> memref<10000x256xi32, #tpu.memory_space<hbm>>
      tpu.wait_indirect_dma semaphore(%arg15 : memref<!tpu.dma_semaphore, #tpu.memory_space<semaphore_mem>>) src(%dma_wait3A_132 : memref<10000x256xi32, #tpu.memory_space<hbm>>) dst(%dma_wait3A_126 : memref<80x256xi32, #tpu.memory_space<vmem>>)
      %add3A_133 = arith.addi %select_n3A_8, %add3A_102 : i32
      %mul3A_134 = arith.constant 80 : i32
      %mul3A_135 = arith.muli %add3A_133, %mul3A_134 : i32
      %run_scoped3A_136 = arith.constant 1 : i32
      "tpu.region"() ({
        %run_scoped3A_138 = tpu.sem_alloc : memref<!tpu.dma_semaphore, #tpu.memory_space<semaphore_mem>>
        %dma_start3A_139 = arith.constant 0 : i32
        %dma_start3A_140 = arith.constant 0 : i32
        %dma_start3A_141 = tpu.memref_slice %arg10[%run_scoped3A_136, %dma_start3A_139, %dma_start3A_140] : memref<2x80x256xi32, #tpu.memory_space<vmem>> -> memref<1x80x256xi32, #tpu.memory_space<vmem>>
        %dma_start3A_142 = tpu.memref_squeeze %dma_start3A_141 : memref<1x80x256xi32, #tpu.memory_space<vmem>> -> memref<80x256xi32, #tpu.memory_space<vmem>>
        %dma_start3A_143 = arith.constant 0 : i32
        %dma_start3A_144 = tpu.memref_slice %arg6[%mul3A_135, %dma_start3A_143] : memref<327680x256xi32, #tpu.memory_space<hbm>> -> memref<80x256xi32, #tpu.memory_space<hbm>>
        %dma_start3A_145 = arith.constant 0 : i32
        %dma_start3A_146 = tpu.memref_slice %arg6[%mul3A_135, %dma_start3A_145] : memref<327680x256xi32, #tpu.memory_space<hbm>> -> memref<80x256xi32, #tpu.memory_space<hbm>>
        %dma_start3A_147 = arith.constant 0 : i32
        %dma_start3A_148 = arith.constant 0 : i32
        %dma_start3A_149 = tpu.memref_slice %arg10[%run_scoped3A_136, %dma_start3A_147, %dma_start3A_148] : memref<2x80x256xi32, #tpu.memory_space<vmem>> -> memref<1x80x256xi32, #tpu.memory_space<vmem>>
        %dma_start3A_150 = tpu.memref_squeeze %dma_start3A_149 : memref<1x80x256xi32, #tpu.memory_space<vmem>> -> memref<80x256xi32, #tpu.memory_space<vmem>>
        tpu.enqueue_dma source(%dma_start3A_150 : memref<80x256xi32, #tpu.memory_space<vmem>>) target(%dma_start3A_146 : memref<80x256xi32, #tpu.memory_space<hbm>>) target_semaphore(%run_scoped3A_138 : memref<!tpu.dma_semaphore, #tpu.memory_space<semaphore_mem>>)
        %dma_wait3A_151 = arith.constant 0 : i32
        %dma_wait3A_152 = arith.constant 0 : i32
        %dma_wait3A_153 = tpu.memref_slice %arg10[%run_scoped3A_136, %dma_wait3A_151, %dma_wait3A_152] : memref<2x80x256xi32, #tpu.memory_space<vmem>> -> memref<1x80x256xi32, #tpu.memory_space<vmem>>
        %dma_wait3A_154 = tpu.memref_squeeze %dma_wait3A_153 : memref<1x80x256xi32, #tpu.memory_space<vmem>> -> memref<80x256xi32, #tpu.memory_space<vmem>>
        %dma_wait3A_155 = arith.constant 0 : i32
        %dma_wait3A_156 = tpu.memref_slice %arg6[%mul3A_135, %dma_wait3A_155] : memref<327680x256xi32, #tpu.memory_space<hbm>> -> memref<80x256xi32, #tpu.memory_space<hbm>>
        %dma_wait3A_157 = arith.constant 0 : i32
        %dma_wait3A_158 = tpu.memref_slice %arg6[%mul3A_135, %dma_wait3A_157] : memref<327680x256xi32, #tpu.memory_space<hbm>> -> memref<80x256xi32, #tpu.memory_space<hbm>>
        %dma_wait3A_159 = arith.constant 0 : i32
        %dma_wait3A_160 = arith.constant 0 : i32
        %dma_wait3A_161 = tpu.memref_slice %arg10[%run_scoped3A_136, %dma_wait3A_159, %dma_wait3A_160] : memref<2x80x256xi32, #tpu.memory_space<vmem>> -> memref<1x80x256xi32, #tpu.memory_space<vmem>>
        %dma_wait3A_162 = tpu.memref_squeeze %dma_wait3A_161 : memref<1x80x256xi32, #tpu.memory_space<vmem>> -> memref<80x256xi32, #tpu.memory_space<vmem>>
        tpu.wait_dma2 semaphore(%run_scoped3A_138 : memref<!tpu.dma_semaphore, #tpu.memory_space<semaphore_mem>>) src(%dma_wait3A_162 : memref<80x256xi32, #tpu.memory_space<vmem>>) dst(%dma_wait3A_158 : memref<80x256xi32, #tpu.memory_space<hbm>>)
        tpu.yield
      }) : () -> ()
      %run_scoped3A_137 = arith.constant 1 : i32
      "tpu.region"() ({
        %run_scoped3A_138 = tpu.sem_alloc : memref<!tpu.dma_semaphore, #tpu.memory_space<semaphore_mem>>
        %dma_start3A_139 = arith.constant 0 : i32
        %dma_start3A_140 = arith.constant 0 : i32
        %dma_start3A_141 = tpu.memref_slice %arg11[%run_scoped3A_137, %dma_start3A_139, %dma_start3A_140] : memref<2x80x256xi32, #tpu.memory_space<vmem>> -> memref<1x80x256xi32, #tpu.memory_space<vmem>>
        %dma_start3A_142 = tpu.memref_squeeze %dma_start3A_141 : memref<1x80x256xi32, #tpu.memory_space<vmem>> -> memref<80x256xi32, #tpu.memory_space<vmem>>
        %dma_start3A_143 = arith.constant 0 : i32
        %dma_start3A_144 = tpu.memref_slice %arg7[%mul3A_135, %dma_start3A_143] : memref<327680x256xi32, #tpu.memory_space<hbm>> -> memref<80x256xi32, #tpu.memory_space<hbm>>
        %dma_start3A_145 = arith.constant 0 : i32
        %dma_start3A_146 = tpu.memref_slice %arg7[%mul3A_135, %dma_start3A_145] : memref<327680x256xi32, #tpu.memory_space<hbm>> -> memref<80x256xi32, #tpu.memory_space<hbm>>
        %dma_start3A_147 = arith.constant 0 : i32
        %dma_start3A_148 = arith.constant 0 : i32
        %dma_start3A_149 = tpu.memref_slice %arg11[%run_scoped3A_137, %dma_start3A_147, %dma_start3A_148] : memref<2x80x256xi32, #tpu.memory_space<vmem>> -> memref<1x80x256xi32, #tpu.memory_space<vmem>>
        %dma_start3A_150 = tpu.memref_squeeze %dma_start3A_149 : memref<1x80x256xi32, #tpu.memory_space<vmem>> -> memref<80x256xi32, #tpu.memory_space<vmem>>
        tpu.enqueue_dma source(%dma_start3A_150 : memref<80x256xi32, #tpu.memory_space<vmem>>) target(%dma_start3A_146 : memref<80x256xi32, #tpu.memory_space<hbm>>) target_semaphore(%run_scoped3A_138 : memref<!tpu.dma_semaphore, #tpu.memory_space<semaphore_mem>>)
        %dma_wait3A_151 = arith.constant 0 : i32
        %dma_wait3A_152 = arith.constant 0 : i32
        %dma_wait3A_153 = tpu.memref_slice %arg11[%run_scoped3A_137, %dma_wait3A_151, %dma_wait3A_152] : memref<2x80x256xi32, #tpu.memory_space<vmem>> -> memref<1x80x256xi32, #tpu.memory_space<vmem>>
        %dma_wait3A_154 = tpu.memref_squeeze %dma_wait3A_153 : memref<1x80x256xi32, #tpu.memory_space<vmem>> -> memref<80x256xi32, #tpu.memory_space<vmem>>
        %dma_wait3A_155 = arith.constant 0 : i32
        %dma_wait3A_156 = tpu.memref_slice %arg7[%mul3A_135, %dma_wait3A_155] : memref<327680x256xi32, #tpu.memory_space<hbm>> -> memref<80x256xi32, #tpu.memory_space<hbm>>
        %dma_wait3A_157 = arith.constant 0 : i32
        %dma_wait3A_158 = tpu.memref_slice %arg7[%mul3A_135, %dma_wait3A_157] : memref<327680x256xi32, #tpu.memory_space<hbm>> -> memref<80x256xi32, #tpu.memory_space<hbm>>
        %dma_wait3A_159 = arith.constant 0 : i32
        %dma_wait3A_160 = arith.constant 0 : i32
        %dma_wait3A_161 = tpu.memref_slice %arg11[%run_scoped3A_137, %dma_wait3A_159, %dma_wait3A_160] : memref<2x80x256xi32, #tpu.memory_space<vmem>> -> memref<1x80x256xi32, #tpu.memory_space<vmem>>
        %dma_wait3A_162 = tpu.memref_squeeze %dma_wait3A_161 : memref<1x80x256xi32, #tpu.memory_space<vmem>> -> memref<80x256xi32, #tpu.memory_space<vmem>>
        tpu.wait_dma2 semaphore(%run_scoped3A_138 : memref<!tpu.dma_semaphore, #tpu.memory_space<semaphore_mem>>) src(%dma_wait3A_162 : memref<80x256xi32, #tpu.memory_space<vmem>>) dst(%dma_wait3A_158 : memref<80x256xi32, #tpu.memory_space<hbm>>)
        tpu.yield
      }) : () -> ()
    }
    %while3A_62 = arith.constant 1 : i32
    scf.for %while3A_63 = %while3A_60 to %while3A_56 step %while3A_62  : i32 {
      %mul3A_64 = arith.constant 2 : i32
      %mul3A_65 = arith.muli %while3A_63, %mul3A_64 : i32
      %add3A_66 = arith.constant 0 : i32
      %add3A_67 = arith.addi %mul3A_65, %add3A_66 : i32
      %add3A_68 = arith.constant 1 : i32
      %add3A_69 = arith.addi %add3A_67, %add3A_68 : i32
      %lt3A = arith.cmpi slt, %add3A_69, %select_n3A : i32
      %convert_element_type3A = arith.extui %lt3A : i1 to i32
      %cond3A = arith.constant 0 : i32
      %cond3A_70 = arith.cmpi ne, %convert_element_type3A, %cond3A : i32
      scf.if %cond3A_70 {
        %add3A_138 = arith.addi %select_n3A_8, %add3A_69 : i32
        %mul3A_139 = arith.constant 80 : i32
        %mul3A_140 = arith.muli %add3A_138, %mul3A_139 : i32
        %run_scoped3A_141 = arith.constant 1 : i32
        "tpu.region"() ({
          %run_scoped3A_167 = tpu.sem_alloc : memref<!tpu.dma_semaphore, #tpu.memory_space<semaphore_mem>>
          %dma_start3A_168 = arith.constant 0 : i32
          %dma_start3A_169 = tpu.memref_slice %arg8[%run_scoped3A_141, %dma_start3A_168] : memref<2x80xi32, #tpu.memory_space<vmem>> -> memref<1x80xi32, #tpu.memory_space<vmem>>
          %dma_start3A_170 = tpu.memref_squeeze %dma_start3A_169 : memref<1x80xi32, #tpu.memory_space<vmem>> -> memref<80xi32, #tpu.memory_space<vmem>>
          %dma_start3A_171 = tpu.memref_slice %arg4[%mul3A_140] : memref<327680xi32, #tpu.memory_space<hbm>> -> memref<80xi32, #tpu.memory_space<hbm>>
          %dma_start3A_172 = arith.constant 0 : i32
          %dma_start3A_173 = tpu.memref_slice %arg8[%run_scoped3A_141, %dma_start3A_172] : memref<2x80xi32, #tpu.memory_space<vmem>> -> memref<1x80xi32, #tpu.memory_space<vmem>>
          %dma_start3A_174 = tpu.memref_squeeze %dma_start3A_173 : memref<1x80xi32, #tpu.memory_space<vmem>> -> memref<80xi32, #tpu.memory_space<vmem>>
          %dma_start3A_175 = tpu.memref_slice %arg4[%mul3A_140] : memref<327680xi32, #tpu.memory_space<hbm>> -> memref<80xi32, #tpu.memory_space<hbm>>
          tpu.enqueue_dma source(%dma_start3A_175 : memref<80xi32, #tpu.memory_space<hbm>>) target(%dma_start3A_174 : memref<80xi32, #tpu.memory_space<vmem>>) target_semaphore(%run_scoped3A_167 : memref<!tpu.dma_semaphore, #tpu.memory_space<semaphore_mem>>)
          %dma_wait3A_176 = arith.constant 0 : i32
          %dma_wait3A_177 = tpu.memref_slice %arg8[%run_scoped3A_141, %dma_wait3A_176] : memref<2x80xi32, #tpu.memory_space<vmem>> -> memref<1x80xi32, #tpu.memory_space<vmem>>
          %dma_wait3A_178 = tpu.memref_squeeze %dma_wait3A_177 : memref<1x80xi32, #tpu.memory_space<vmem>> -> memref<80xi32, #tpu.memory_space<vmem>>
          %dma_wait3A_179 = tpu.memref_slice %arg4[%mul3A_140] : memref<327680xi32, #tpu.memory_space<hbm>> -> memref<80xi32, #tpu.memory_space<hbm>>
          %dma_wait3A_180 = arith.constant 0 : i32
          %dma_wait3A_181 = tpu.memref_slice %arg8[%run_scoped3A_141, %dma_wait3A_180] : memref<2x80xi32, #tpu.memory_space<vmem>> -> memref<1x80xi32, #tpu.memory_space<vmem>>
          %dma_wait3A_182 = tpu.memref_squeeze %dma_wait3A_181 : memref<1x80xi32, #tpu.memory_space<vmem>> -> memref<80xi32, #tpu.memory_space<vmem>>
          %dma_wait3A_183 = tpu.memref_slice %arg4[%mul3A_140] : memref<327680xi32, #tpu.memory_space<hbm>> -> memref<80xi32, #tpu.memory_space<hbm>>
          tpu.wait_dma2 semaphore(%run_scoped3A_167 : memref<!tpu.dma_semaphore, #tpu.memory_space<semaphore_mem>>) src(%dma_wait3A_183 : memref<80xi32, #tpu.memory_space<hbm>>) dst(%dma_wait3A_182 : memref<80xi32, #tpu.memory_space<vmem>>)
          tpu.yield
        }) : () -> ()
        %run_scoped3A_142 = arith.constant 1 : i32
        "tpu.region"() ({
          %run_scoped3A_167 = tpu.sem_alloc : memref<!tpu.dma_semaphore, #tpu.memory_space<semaphore_mem>>
          %dma_start3A_168 = arith.constant 0 : i32
          %dma_start3A_169 = tpu.memref_slice %arg9[%run_scoped3A_142, %dma_start3A_168] : memref<2x80xi32, #tpu.memory_space<vmem>> -> memref<1x80xi32, #tpu.memory_space<vmem>>
          %dma_start3A_170 = tpu.memref_squeeze %dma_start3A_169 : memref<1x80xi32, #tpu.memory_space<vmem>> -> memref<80xi32, #tpu.memory_space<vmem>>
          %dma_start3A_171 = tpu.memref_slice %arg5[%mul3A_140] : memref<327680xi32, #tpu.memory_space<hbm>> -> memref<80xi32, #tpu.memory_space<hbm>>
          %dma_start3A_172 = arith.constant 0 : i32
          %dma_start3A_173 = tpu.memref_slice %arg9[%run_scoped3A_142, %dma_start3A_172] : memref<2x80xi32, #tpu.memory_space<vmem>> -> memref<1x80xi32, #tpu.memory_space<vmem>>
          %dma_start3A_174 = tpu.memref_squeeze %dma_start3A_173 : memref<1x80xi32, #tpu.memory_space<vmem>> -> memref<80xi32, #tpu.memory_space<vmem>>
          %dma_start3A_175 = tpu.memref_slice %arg5[%mul3A_140] : memref<327680xi32, #tpu.memory_space<hbm>> -> memref<80xi32, #tpu.memory_space<hbm>>
          tpu.enqueue_dma source(%dma_start3A_175 : memref<80xi32, #tpu.memory_space<hbm>>) target(%dma_start3A_174 : memref<80xi32, #tpu.memory_space<vmem>>) target_semaphore(%run_scoped3A_167 : memref<!tpu.dma_semaphore, #tpu.memory_space<semaphore_mem>>)
          %dma_wait3A_176 = arith.constant 0 : i32
          %dma_wait3A_177 = tpu.memref_slice %arg9[%run_scoped3A_142, %dma_wait3A_176] : memref<2x80xi32, #tpu.memory_space<vmem>> -> memref<1x80xi32, #tpu.memory_space<vmem>>
          %dma_wait3A_178 = tpu.memref_squeeze %dma_wait3A_177 : memref<1x80xi32, #tpu.memory_space<vmem>> -> memref<80xi32, #tpu.memory_space<vmem>>
          %dma_wait3A_179 = tpu.memref_slice %arg5[%mul3A_140] : memref<327680xi32, #tpu.memory_space<hbm>> -> memref<80xi32, #tpu.memory_space<hbm>>
          %dma_wait3A_180 = arith.constant 0 : i32
          %dma_wait3A_181 = tpu.memref_slice %arg9[%run_scoped3A_142, %dma_wait3A_180] : memref<2x80xi32, #tpu.memory_space<vmem>> -> memref<1x80xi32, #tpu.memory_space<vmem>>
          %dma_wait3A_182 = tpu.memref_squeeze %dma_wait3A_181 : memref<1x80xi32, #tpu.memory_space<vmem>> -> memref<80xi32, #tpu.memory_space<vmem>>
          %dma_wait3A_183 = tpu.memref_slice %arg5[%mul3A_140] : memref<327680xi32, #tpu.memory_space<hbm>> -> memref<80xi32, #tpu.memory_space<hbm>>
          tpu.wait_dma2 semaphore(%run_scoped3A_167 : memref<!tpu.dma_semaphore, #tpu.memory_space<semaphore_mem>>) src(%dma_wait3A_183 : memref<80xi32, #tpu.memory_space<hbm>>) dst(%dma_wait3A_182 : memref<80xi32, #tpu.memory_space<vmem>>)
          tpu.yield
        }) : () -> ()
        %dma_start3A_143 = arith.constant 1 : i32
        %dma_start3A_144 = arith.constant 1 : i32
        %dma_start3A_145 = arith.constant 0 : i32
        %dma_start3A_146 = arith.constant 0 : i32
        %dma_start3A_147 = tpu.memref_slice %arg10[%dma_start3A_144, %dma_start3A_145, %dma_start3A_146] : memref<2x80x256xi32, #tpu.memory_space<vmem>> -> memref<1x80x256xi32, #tpu.memory_space<vmem>>
        %dma_start3A_148 = tpu.memref_squeeze %dma_start3A_147 : memref<1x80x256xi32, #tpu.memory_space<vmem>> -> memref<80x256xi32, #tpu.memory_space<vmem>>
        %dma_start3A_149 = arith.constant 0 : i32
        %dma_start3A_150 = tpu.memref_slice %arg8[%dma_start3A_143, %dma_start3A_149] : memref<2x80xi32, #tpu.memory_space<vmem>> -> memref<1x80xi32, #tpu.memory_space<vmem>>
        %dma_start3A_151 = tpu.memref_squeeze %dma_start3A_150 : memref<1x80xi32, #tpu.memory_space<vmem>> -> memref<80xi32, #tpu.memory_space<vmem>>
        %dma_start3A_152 = arith.constant 0 : i32
        %dma_start3A_153 = arith.constant 0 : i32
        %dma_start3A_154 = tpu.memref_slice %arg2[%dma_start3A_152, %dma_start3A_153] : memref<10000x256xi32, #tpu.memory_space<hbm>> -> memref<10000x256xi32, #tpu.memory_space<hbm>>
        tpu.enqueue_indirect_dma source(%dma_start3A_154 : memref<10000x256xi32, #tpu.memory_space<hbm>>) target(%dma_start3A_148 : memref<80x256xi32, #tpu.memory_space<vmem>>) offsets(%dma_start3A_151 : memref<80xi32, #tpu.memory_space<vmem>>) semaphore(%arg13 : memref<!tpu.dma_semaphore, #tpu.memory_space<semaphore_mem>>)
        %dma_start3A_155 = arith.constant 1 : i32
        %dma_start3A_156 = arith.constant 1 : i32
        %dma_start3A_157 = arith.constant 0 : i32
        %dma_start3A_158 = arith.constant 0 : i32
        %dma_start3A_159 = tpu.memref_slice %arg11[%dma_start3A_156, %dma_start3A_157, %dma_start3A_158] : memref<2x80x256xi32, #tpu.memory_space<vmem>> -> memref<1x80x256xi32, #tpu.memory_space<vmem>>
        %dma_start3A_160 = tpu.memref_squeeze %dma_start3A_159 : memref<1x80x256xi32, #tpu.memory_space<vmem>> -> memref<80x256xi32, #tpu.memory_space<vmem>>
        %dma_start3A_161 = arith.constant 0 : i32
        %dma_start3A_162 = tpu.memref_slice %arg9[%dma_start3A_155, %dma_start3A_161] : memref<2x80xi32, #tpu.memory_space<vmem>> -> memref<1x80xi32, #tpu.memory_space<vmem>>
        %dma_start3A_163 = tpu.memref_squeeze %dma_start3A_162 : memref<1x80xi32, #tpu.memory_space<vmem>> -> memref<80xi32, #tpu.memory_space<vmem>>
        %dma_start3A_164 = arith.constant 0 : i32
        %dma_start3A_165 = arith.constant 0 : i32
        %dma_start3A_166 = tpu.memref_slice %arg3[%dma_start3A_164, %dma_start3A_165] : memref<10000x256xi32, #tpu.memory_space<hbm>> -> memref<10000x256xi32, #tpu.memory_space<hbm>>
        tpu.enqueue_indirect_dma source(%dma_start3A_166 : memref<10000x256xi32, #tpu.memory_space<hbm>>) target(%dma_start3A_160 : memref<80x256xi32, #tpu.memory_space<vmem>>) offsets(%dma_start3A_163 : memref<80xi32, #tpu.memory_space<vmem>>) semaphore(%arg15 : memref<!tpu.dma_semaphore, #tpu.memory_space<semaphore_mem>>)
      } else {
      }
      %dma_wait3A = arith.constant 0 : i32
      %dma_wait3A_71 = arith.constant 0 : i32
      %dma_wait3A_72 = arith.constant 0 : i32
      %dma_wait3A_73 = arith.constant 0 : i32
      %dma_wait3A_74 = tpu.memref_slice %arg10[%dma_wait3A_71, %dma_wait3A_72, %dma_wait3A_73] : memref<2x80x256xi32, #tpu.memory_space<vmem>> -> memref<1x80x256xi32, #tpu.memory_space<vmem>>
      %dma_wait3A_75 = tpu.memref_squeeze %dma_wait3A_74 : memref<1x80x256xi32, #tpu.memory_space<vmem>> -> memref<80x256xi32, #tpu.memory_space<vmem>>
      %dma_wait3A_76 = arith.constant 0 : i32
      %dma_wait3A_77 = tpu.memref_slice %arg8[%dma_wait3A, %dma_wait3A_76] : memref<2x80xi32, #tpu.memory_space<vmem>> -> memref<1x80xi32, #tpu.memory_space<vmem>>
      %dma_wait3A_78 = tpu.memref_squeeze %dma_wait3A_77 : memref<1x80xi32, #tpu.memory_space<vmem>> -> memref<80xi32, #tpu.memory_space<vmem>>
      %dma_wait3A_79 = arith.constant 0 : i32
      %dma_wait3A_80 = arith.constant 0 : i32
      %dma_wait3A_81 = tpu.memref_slice %arg2[%dma_wait3A_79, %dma_wait3A_80] : memref<10000x256xi32, #tpu.memory_space<hbm>> -> memref<10000x256xi32, #tpu.memory_space<hbm>>
      tpu.wait_indirect_dma semaphore(%arg12 : memref<!tpu.dma_semaphore, #tpu.memory_space<semaphore_mem>>) src(%dma_wait3A_81 : memref<10000x256xi32, #tpu.memory_space<hbm>>) dst(%dma_wait3A_75 : memref<80x256xi32, #tpu.memory_space<vmem>>)
      %dma_wait3A_82 = arith.constant 0 : i32
      %dma_wait3A_83 = arith.constant 0 : i32
      %dma_wait3A_84 = arith.constant 0 : i32
      %dma_wait3A_85 = arith.constant 0 : i32
      %dma_wait3A_86 = tpu.memref_slice %arg11[%dma_wait3A_83, %dma_wait3A_84, %dma_wait3A_85] : memref<2x80x256xi32, #tpu.memory_space<vmem>> -> memref<1x80x256xi32, #tpu.memory_space<vmem>>
      %dma_wait3A_87 = tpu.memref_squeeze %dma_wait3A_86 : memref<1x80x256xi32, #tpu.memory_space<vmem>> -> memref<80x256xi32, #tpu.memory_space<vmem>>
      %dma_wait3A_88 = arith.constant 0 : i32
      %dma_wait3A_89 = tpu.memref_slice %arg9[%dma_wait3A_82, %dma_wait3A_88] : memref<2x80xi32, #tpu.memory_space<vmem>> -> memref<1x80xi32, #tpu.memory_space<vmem>>
      %dma_wait3A_90 = tpu.memref_squeeze %dma_wait3A_89 : memref<1x80xi32, #tpu.memory_space<vmem>> -> memref<80xi32, #tpu.memory_space<vmem>>
      %dma_wait3A_91 = arith.constant 0 : i32
      %dma_wait3A_92 = arith.constant 0 : i32
      %dma_wait3A_93 = tpu.memref_slice %arg3[%dma_wait3A_91, %dma_wait3A_92] : memref<10000x256xi32, #tpu.memory_space<hbm>> -> memref<10000x256xi32, #tpu.memory_space<hbm>>
      tpu.wait_indirect_dma semaphore(%arg14 : memref<!tpu.dma_semaphore, #tpu.memory_space<semaphore_mem>>) src(%dma_wait3A_93 : memref<10000x256xi32, #tpu.memory_space<hbm>>) dst(%dma_wait3A_87 : memref<80x256xi32, #tpu.memory_space<vmem>>)
      %add3A_94 = arith.addi %select_n3A_8, %add3A_67 : i32
      %mul3A_95 = arith.constant 80 : i32
      %mul3A_96 = arith.muli %add3A_94, %mul3A_95 : i32
      %run_scoped3A_97 = arith.constant 0 : i32
      "tpu.region"() ({
        %run_scoped3A_138 = tpu.sem_alloc : memref<!tpu.dma_semaphore, #tpu.memory_space<semaphore_mem>>
        %dma_start3A_139 = arith.constant 0 : i32
        %dma_start3A_140 = arith.constant 0 : i32
        %dma_start3A_141 = tpu.memref_slice %arg10[%run_scoped3A_97, %dma_start3A_139, %dma_start3A_140] : memref<2x80x256xi32, #tpu.memory_space<vmem>> -> memref<1x80x256xi32, #tpu.memory_space<vmem>>
        %dma_start3A_142 = tpu.memref_squeeze %dma_start3A_141 : memref<1x80x256xi32, #tpu.memory_space<vmem>> -> memref<80x256xi32, #tpu.memory_space<vmem>>
        %dma_start3A_143 = arith.constant 0 : i32
        %dma_start3A_144 = tpu.memref_slice %arg6[%mul3A_96, %dma_start3A_143] : memref<327680x256xi32, #tpu.memory_space<hbm>> -> memref<80x256xi32, #tpu.memory_space<hbm>>
        %dma_start3A_145 = arith.constant 0 : i32
        %dma_start3A_146 = tpu.memref_slice %arg6[%mul3A_96, %dma_start3A_145] : memref<327680x256xi32, #tpu.memory_space<hbm>> -> memref<80x256xi32, #tpu.memory_space<hbm>>
        %dma_start3A_147 = arith.constant 0 : i32
        %dma_start3A_148 = arith.constant 0 : i32
        %dma_start3A_149 = tpu.memref_slice %arg10[%run_scoped3A_97, %dma_start3A_147, %dma_start3A_148] : memref<2x80x256xi32, #tpu.memory_space<vmem>> -> memref<1x80x256xi32, #tpu.memory_space<vmem>>
        %dma_start3A_150 = tpu.memref_squeeze %dma_start3A_149 : memref<1x80x256xi32, #tpu.memory_space<vmem>> -> memref<80x256xi32, #tpu.memory_space<vmem>>
        tpu.enqueue_dma source(%dma_start3A_150 : memref<80x256xi32, #tpu.memory_space<vmem>>) target(%dma_start3A_146 : memref<80x256xi32, #tpu.memory_space<hbm>>) target_semaphore(%run_scoped3A_138 : memref<!tpu.dma_semaphore, #tpu.memory_space<semaphore_mem>>)
        %dma_wait3A_151 = arith.constant 0 : i32
        %dma_wait3A_152 = arith.constant 0 : i32
        %dma_wait3A_153 = tpu.memref_slice %arg10[%run_scoped3A_97, %dma_wait3A_151, %dma_wait3A_152] : memref<2x80x256xi32, #tpu.memory_space<vmem>> -> memref<1x80x256xi32, #tpu.memory_space<vmem>>
        %dma_wait3A_154 = tpu.memref_squeeze %dma_wait3A_153 : memref<1x80x256xi32, #tpu.memory_space<vmem>> -> memref<80x256xi32, #tpu.memory_space<vmem>>
        %dma_wait3A_155 = arith.constant 0 : i32
        %dma_wait3A_156 = tpu.memref_slice %arg6[%mul3A_96, %dma_wait3A_155] : memref<327680x256xi32, #tpu.memory_space<hbm>> -> memref<80x256xi32, #tpu.memory_space<hbm>>
        %dma_wait3A_157 = arith.constant 0 : i32
        %dma_wait3A_158 = tpu.memref_slice %arg6[%mul3A_96, %dma_wait3A_157] : memref<327680x256xi32, #tpu.memory_space<hbm>> -> memref<80x256xi32, #tpu.memory_space<hbm>>
        %dma_wait3A_159 = arith.constant 0 : i32
        %dma_wait3A_160 = arith.constant 0 : i32
        %dma_wait3A_161 = tpu.memref_slice %arg10[%run_scoped3A_97, %dma_wait3A_159, %dma_wait3A_160] : memref<2x80x256xi32, #tpu.memory_space<vmem>> -> memref<1x80x256xi32, #tpu.memory_space<vmem>>
        %dma_wait3A_162 = tpu.memref_squeeze %dma_wait3A_161 : memref<1x80x256xi32, #tpu.memory_space<vmem>> -> memref<80x256xi32, #tpu.memory_space<vmem>>
        tpu.wait_dma2 semaphore(%run_scoped3A_138 : memref<!tpu.dma_semaphore, #tpu.memory_space<semaphore_mem>>) src(%dma_wait3A_162 : memref<80x256xi32, #tpu.memory_space<vmem>>) dst(%dma_wait3A_158 : memref<80x256xi32, #tpu.memory_space<hbm>>)
        tpu.yield
      }) : () -> ()
      %run_scoped3A_98 = arith.constant 0 : i32
      "tpu.region"() ({
        %run_scoped3A_138 = tpu.sem_alloc : memref<!tpu.dma_semaphore, #tpu.memory_space<semaphore_mem>>
        %dma_start3A_139 = arith.constant 0 : i32
        %dma_start3A_140 = arith.constant 0 : i32
        %dma_start3A_141 = tpu.memref_slice %arg11[%run_scoped3A_98, %dma_start3A_139, %dma_start3A_140] : memref<2x80x256xi32, #tpu.memory_space<vmem>> -> memref<1x80x256xi32, #tpu.memory_space<vmem>>
        %dma_start3A_142 = tpu.memref_squeeze %dma_start3A_141 : memref<1x80x256xi32, #tpu.memory_space<vmem>> -> memref<80x256xi32, #tpu.memory_space<vmem>>
        %dma_start3A_143 = arith.constant 0 : i32
        %dma_start3A_144 = tpu.memref_slice %arg7[%mul3A_96, %dma_start3A_143] : memref<327680x256xi32, #tpu.memory_space<hbm>> -> memref<80x256xi32, #tpu.memory_space<hbm>>
        %dma_start3A_145 = arith.constant 0 : i32
        %dma_start3A_146 = tpu.memref_slice %arg7[%mul3A_96, %dma_start3A_145] : memref<327680x256xi32, #tpu.memory_space<hbm>> -> memref<80x256xi32, #tpu.memory_space<hbm>>
        %dma_start3A_147 = arith.constant 0 : i32
        %dma_start3A_148 = arith.constant 0 : i32
        %dma_start3A_149 = tpu.memref_slice %arg11[%run_scoped3A_98, %dma_start3A_147, %dma_start3A_148] : memref<2x80x256xi32, #tpu.memory_space<vmem>> -> memref<1x80x256xi32, #tpu.memory_space<vmem>>
        %dma_start3A_150 = tpu.memref_squeeze %dma_start3A_149 : memref<1x80x256xi32, #tpu.memory_space<vmem>> -> memref<80x256xi32, #tpu.memory_space<vmem>>
        tpu.enqueue_dma source(%dma_start3A_150 : memref<80x256xi32, #tpu.memory_space<vmem>>) target(%dma_start3A_146 : memref<80x256xi32, #tpu.memory_space<hbm>>) target_semaphore(%run_scoped3A_138 : memref<!tpu.dma_semaphore, #tpu.memory_space<semaphore_mem>>)
        %dma_wait3A_151 = arith.constant 0 : i32
        %dma_wait3A_152 = arith.constant 0 : i32
        %dma_wait3A_153 = tpu.memref_slice %arg11[%run_scoped3A_98, %dma_wait3A_151, %dma_wait3A_152] : memref<2x80x256xi32, #tpu.memory_space<vmem>> -> memref<1x80x256xi32, #tpu.memory_space<vmem>>
        %dma_wait3A_154 = tpu.memref_squeeze %dma_wait3A_153 : memref<1x80x256xi32, #tpu.memory_space<vmem>> -> memref<80x256xi32, #tpu.memory_space<vmem>>
        %dma_wait3A_155 = arith.constant 0 : i32
        %dma_wait3A_156 = tpu.memref_slice %arg7[%mul3A_96, %dma_wait3A_155] : memref<327680x256xi32, #tpu.memory_space<hbm>> -> memref<80x256xi32, #tpu.memory_space<hbm>>
        %dma_wait3A_157 = arith.constant 0 : i32
        %dma_wait3A_158 = tpu.memref_slice %arg7[%mul3A_96, %dma_wait3A_157] : memref<327680x256xi32, #tpu.memory_space<hbm>> -> memref<80x256xi32, #tpu.memory_space<hbm>>
        %dma_wait3A_159 = arith.constant 0 : i32
        %dma_wait3A_160 = arith.constant 0 : i32
        %dma_wait3A_161 = tpu.memref_slice %arg11[%run_scoped3A_98, %dma_wait3A_159, %dma_wait3A_160] : memref<2x80x256xi32, #tpu.memory_space<vmem>> -> memref<1x80x256xi32, #tpu.memory_space<vmem>>
        %dma_wait3A_162 = tpu.memref_squeeze %dma_wait3A_161 : memref<1x80x256xi32, #tpu.memory_space<vmem>> -> memref<80x256xi32, #tpu.memory_space<vmem>>
        tpu.wait_dma2 semaphore(%run_scoped3A_138 : memref<!tpu.dma_semaphore, #tpu.memory_space<semaphore_mem>>) src(%dma_wait3A_162 : memref<80x256xi32, #tpu.memory_space<vmem>>) dst(%dma_wait3A_158 : memref<80x256xi32, #tpu.memory_space<hbm>>)
        tpu.yield
      }) : () -> ()
      %mul3A_99 = arith.constant 2 : i32
      %mul3A_100 = arith.muli %while3A_63, %mul3A_99 : i32
      %add3A_101 = arith.constant 1 : i32
      %add3A_102 = arith.addi %mul3A_100, %add3A_101 : i32
      %add3A_103 = arith.constant 1 : i32
      %add3A_104 = arith.addi %add3A_102, %add3A_103 : i32
      %lt3A_105 = arith.cmpi slt, %add3A_104, %select_n3A : i32
      %convert_element_type3A_106 = arith.extui %lt3A_105 : i1 to i32
      %cond3A_107 = arith.constant 0 : i32
      %cond3A_108 = arith.cmpi ne, %convert_element_type3A_106, %cond3A_107 : i32
      scf.if %cond3A_108 {
        %add3A_138 = arith.addi %select_n3A_8, %add3A_104 : i32
        %mul3A_139 = arith.constant 80 : i32
        %mul3A_140 = arith.muli %add3A_138, %mul3A_139 : i32
        %run_scoped3A_141 = arith.constant 0 : i32
        "tpu.region"() ({
          %run_scoped3A_167 = tpu.sem_alloc : memref<!tpu.dma_semaphore, #tpu.memory_space<semaphore_mem>>
          %dma_start3A_168 = arith.constant 0 : i32
          %dma_start3A_169 = tpu.memref_slice %arg8[%run_scoped3A_141, %dma_start3A_168] : memref<2x80xi32, #tpu.memory_space<vmem>> -> memref<1x80xi32, #tpu.memory_space<vmem>>
          %dma_start3A_170 = tpu.memref_squeeze %dma_start3A_169 : memref<1x80xi32, #tpu.memory_space<vmem>> -> memref<80xi32, #tpu.memory_space<vmem>>
          %dma_start3A_171 = tpu.memref_slice %arg4[%mul3A_140] : memref<327680xi32, #tpu.memory_space<hbm>> -> memref<80xi32, #tpu.memory_space<hbm>>
          %dma_start3A_172 = arith.constant 0 : i32
          %dma_start3A_173 = tpu.memref_slice %arg8[%run_scoped3A_141, %dma_start3A_172] : memref<2x80xi32, #tpu.memory_space<vmem>> -> memref<1x80xi32, #tpu.memory_space<vmem>>
          %dma_start3A_174 = tpu.memref_squeeze %dma_start3A_173 : memref<1x80xi32, #tpu.memory_space<vmem>> -> memref<80xi32, #tpu.memory_space<vmem>>
          %dma_start3A_175 = tpu.memref_slice %arg4[%mul3A_140] : memref<327680xi32, #tpu.memory_space<hbm>> -> memref<80xi32, #tpu.memory_space<hbm>>
          tpu.enqueue_dma source(%dma_start3A_175 : memref<80xi32, #tpu.memory_space<hbm>>) target(%dma_start3A_174 : memref<80xi32, #tpu.memory_space<vmem>>) target_semaphore(%run_scoped3A_167 : memref<!tpu.dma_semaphore, #tpu.memory_space<semaphore_mem>>)
          %dma_wait3A_176 = arith.constant 0 : i32
          %dma_wait3A_177 = tpu.memref_slice %arg8[%run_scoped3A_141, %dma_wait3A_176] : memref<2x80xi32, #tpu.memory_space<vmem>> -> memref<1x80xi32, #tpu.memory_space<vmem>>
          %dma_wait3A_178 = tpu.memref_squeeze %dma_wait3A_177 : memref<1x80xi32, #tpu.memory_space<vmem>> -> memref<80xi32, #tpu.memory_space<vmem>>
          %dma_wait3A_179 = tpu.memref_slice %arg4[%mul3A_140] : memref<327680xi32, #tpu.memory_space<hbm>> -> memref<80xi32, #tpu.memory_space<hbm>>
          %dma_wait3A_180 = arith.constant 0 : i32
          %dma_wait3A_181 = tpu.memref_slice %arg8[%run_scoped3A_141, %dma_wait3A_180] : memref<2x80xi32, #tpu.memory_space<vmem>> -> memref<1x80xi32, #tpu.memory_space<vmem>>
          %dma_wait3A_182 = tpu.memref_squeeze %dma_wait3A_181 : memref<1x80xi32, #tpu.memory_space<vmem>> -> memref<80xi32, #tpu.memory_space<vmem>>
          %dma_wait3A_183 = tpu.memref_slice %arg4[%mul3A_140] : memref<327680xi32, #tpu.memory_space<hbm>> -> memref<80xi32, #tpu.memory_space<hbm>>
          tpu.wait_dma2 semaphore(%run_scoped3A_167 : memref<!tpu.dma_semaphore, #tpu.memory_space<semaphore_mem>>) src(%dma_wait3A_183 : memref<80xi32, #tpu.memory_space<hbm>>) dst(%dma_wait3A_182 : memref<80xi32, #tpu.memory_space<vmem>>)
          tpu.yield
        }) : () -> ()
        %run_scoped3A_142 = arith.constant 0 : i32
        "tpu.region"() ({
          %run_scoped3A_167 = tpu.sem_alloc : memref<!tpu.dma_semaphore, #tpu.memory_space<semaphore_mem>>
          %dma_start3A_168 = arith.constant 0 : i32
          %dma_start3A_169 = tpu.memref_slice %arg9[%run_scoped3A_142, %dma_start3A_168] : memref<2x80xi32, #tpu.memory_space<vmem>> -> memref<1x80xi32, #tpu.memory_space<vmem>>
          %dma_start3A_170 = tpu.memref_squeeze %dma_start3A_169 : memref<1x80xi32, #tpu.memory_space<vmem>> -> memref<80xi32, #tpu.memory_space<vmem>>
          %dma_start3A_171 = tpu.memref_slice %arg5[%mul3A_140] : memref<327680xi32, #tpu.memory_space<hbm>> -> memref<80xi32, #tpu.memory_space<hbm>>
          %dma_start3A_172 = arith.constant 0 : i32
          %dma_start3A_173 = tpu.memref_slice %arg9[%run_scoped3A_142, %dma_start3A_172] : memref<2x80xi32, #tpu.memory_space<vmem>> -> memref<1x80xi32, #tpu.memory_space<vmem>>
          %dma_start3A_174 = tpu.memref_squeeze %dma_start3A_173 : memref<1x80xi32, #tpu.memory_space<vmem>> -> memref<80xi32, #tpu.memory_space<vmem>>
          %dma_start3A_175 = tpu.memref_slice %arg5[%mul3A_140] : memref<327680xi32, #tpu.memory_space<hbm>> -> memref<80xi32, #tpu.memory_space<hbm>>
          tpu.enqueue_dma source(%dma_start3A_175 : memref<80xi32, #tpu.memory_space<hbm>>) target(%dma_start3A_174 : memref<80xi32, #tpu.memory_space<vmem>>) target_semaphore(%run_scoped3A_167 : memref<!tpu.dma_semaphore, #tpu.memory_space<semaphore_mem>>)
          %dma_wait3A_176 = arith.constant 0 : i32
          %dma_wait3A_177 = tpu.memref_slice %arg9[%run_scoped3A_142, %dma_wait3A_176] : memref<2x80xi32, #tpu.memory_space<vmem>> -> memref<1x80xi32, #tpu.memory_space<vmem>>
          %dma_wait3A_178 = tpu.memref_squeeze %dma_wait3A_177 : memref<1x80xi32, #tpu.memory_space<vmem>> -> memref<80xi32, #tpu.memory_space<vmem>>
          %dma_wait3A_179 = tpu.memref_slice %arg5[%mul3A_140] : memref<327680xi32, #tpu.memory_space<hbm>> -> memref<80xi32, #tpu.memory_space<hbm>>
          %dma_wait3A_180 = arith.constant 0 : i32
          %dma_wait3A_181 = tpu.memref_slice %arg9[%run_scoped3A_142, %dma_wait3A_180] : memref<2x80xi32, #tpu.memory_space<vmem>> -> memref<1x80xi32, #tpu.memory_space<vmem>>
          %dma_wait3A_182 = tpu.memref_squeeze %dma_wait3A_181 : memref<1x80xi32, #tpu.memory_space<vmem>> -> memref<80xi32, #tpu.memory_space<vmem>>
          %dma_wait3A_183 = tpu.memref_slice %arg5[%mul3A_140] : memref<327680xi32, #tpu.memory_space<hbm>> -> memref<80xi32, #tpu.memory_space<hbm>>
          tpu.wait_dma2 semaphore(%run_scoped3A_167 : memref<!tpu.dma_semaphore, #tpu.memory_space<semaphore_mem>>) src(%dma_wait3A_183 : memref<80xi32, #tpu.memory_space<hbm>>) dst(%dma_wait3A_182 : memref<80xi32, #tpu.memory_space<vmem>>)
          tpu.yield
        }) : () -> ()
        %dma_start3A_143 = arith.constant 0 : i32
        %dma_start3A_144 = arith.constant 0 : i32
        %dma_start3A_145 = arith.constant 0 : i32
        %dma_start3A_146 = arith.constant 0 : i32
        %dma_start3A_147 = tpu.memref_slice %arg10[%dma_start3A_144, %dma_start3A_145, %dma_start3A_146] : memref<2x80x256xi32, #tpu.memory_space<vmem>> -> memref<1x80x256xi32, #tpu.memory_space<vmem>>
        %dma_start3A_148 = tpu.memref_squeeze %dma_start3A_147 : memref<1x80x256xi32, #tpu.memory_space<vmem>> -> memref<80x256xi32, #tpu.memory_space<vmem>>
        %dma_start3A_149 = arith.constant 0 : i32
        %dma_start3A_150 = tpu.memref_slice %arg8[%dma_start3A_143, %dma_start3A_149] : memref<2x80xi32, #tpu.memory_space<vmem>> -> memref<1x80xi32, #tpu.memory_space<vmem>>
        %dma_start3A_151 = tpu.memref_squeeze %dma_start3A_150 : memref<1x80xi32, #tpu.memory_space<vmem>> -> memref<80xi32, #tpu.memory_space<vmem>>
        %dma_start3A_152 = arith.constant 0 : i32
        %dma_start3A_153 = arith.constant 0 : i32
        %dma_start3A_154 = tpu.memref_slice %arg2[%dma_start3A_152, %dma_start3A_153] : memref<10000x256xi32, #tpu.memory_space<hbm>> -> memref<10000x256xi32, #tpu.memory_space<hbm>>
        tpu.enqueue_indirect_dma source(%dma_start3A_154 : memref<10000x256xi32, #tpu.memory_space<hbm>>) target(%dma_start3A_148 : memref<80x256xi32, #tpu.memory_space<vmem>>) offsets(%dma_start3A_151 : memref<80xi32, #tpu.memory_space<vmem>>) semaphore(%arg12 : memref<!tpu.dma_semaphore, #tpu.memory_space<semaphore_mem>>)
        %dma_start3A_155 = arith.constant 0 : i32
        %dma_start3A_156 = arith.constant 0 : i32
        %dma_start3A_157 = arith.constant 0 : i32
        %dma_start3A_158 = arith.constant 0 : i32
        %dma_start3A_159 = tpu.memref_slice %arg11[%dma_start3A_156, %dma_start3A_157, %dma_start3A_158] : memref<2x80x256xi32, #tpu.memory_space<vmem>> -> memref<1x80x256xi32, #tpu.memory_space<vmem>>
        %dma_start3A_160 = tpu.memref_squeeze %dma_start3A_159 : memref<1x80x256xi32, #tpu.memory_space<vmem>> -> memref<80x256xi32, #tpu.memory_space<vmem>>
        %dma_start3A_161 = arith.constant 0 : i32
        %dma_start3A_162 = tpu.memref_slice %arg9[%dma_start3A_155, %dma_start3A_161] : memref<2x80xi32, #tpu.memory_space<vmem>> -> memref<1x80xi32, #tpu.memory_space<vmem>>
        %dma_start3A_163 = tpu.memref_squeeze %dma_start3A_162 : memref<1x80xi32, #tpu.memory_space<vmem>> -> memref<80xi32, #tpu.memory_space<vmem>>
        %dma_start3A_164 = arith.constant 0 : i32
        %dma_start3A_165 = arith.constant 0 : i32
        %dma_start3A_166 = tpu.memref_slice %arg3[%dma_start3A_164, %dma_start3A_165] : memref<10000x256xi32, #tpu.memory_space<hbm>> -> memref<10000x256xi32, #tpu.memory_space<hbm>>
        tpu.enqueue_indirect_dma source(%dma_start3A_166 : memref<10000x256xi32, #tpu.memory_space<hbm>>) target(%dma_start3A_160 : memref<80x256xi32, #tpu.memory_space<vmem>>) offsets(%dma_start3A_163 : memref<80xi32, #tpu.memory_space<vmem>>) semaphore(%arg14 : memref<!tpu.dma_semaphore, #tpu.memory_space<semaphore_mem>>)
      } else {
      }
      %dma_wait3A_109 = arith.constant 1 : i32
      %dma_wait3A_110 = arith.constant 1 : i32
      %dma_wait3A_111 = arith.constant 0 : i32
      %dma_wait3A_112 = arith.constant 0 : i32
      %dma_wait3A_113 = tpu.memref_slice %arg10[%dma_wait3A_110, %dma_wait3A_111, %dma_wait3A_112] : memref<2x80x256xi32, #tpu.memory_space<vmem>> -> memref<1x80x256xi32, #tpu.memory_space<vmem>>
      %dma_wait3A_114 = tpu.memref_squeeze %dma_wait3A_113 : memref<1x80x256xi32, #tpu.memory_space<vmem>> -> memref<80x256xi32, #tpu.memory_space<vmem>>
      %dma_wait3A_115 = arith.constant 0 : i32
      %dma_wait3A_116 = tpu.memref_slice %arg8[%dma_wait3A_109, %dma_wait3A_115] : memref<2x80xi32, #tpu.memory_space<vmem>> -> memref<1x80xi32, #tpu.memory_space<vmem>>
      %dma_wait3A_117 = tpu.memref_squeeze %dma_wait3A_116 : memref<1x80xi32, #tpu.memory_space<vmem>> -> memref<80xi32, #tpu.memory_space<vmem>>
      %dma_wait3A_118 = arith.constant 0 : i32
      %dma_wait3A_119 = arith.constant 0 : i32
      %dma_wait3A_120 = tpu.memref_slice %arg2[%dma_wait3A_118, %dma_wait3A_119] : memref<10000x256xi32, #tpu.memory_space<hbm>> -> memref<10000x256xi32, #tpu.memory_space<hbm>>
      tpu.wait_indirect_dma semaphore(%arg13 : memref<!tpu.dma_semaphore, #tpu.memory_space<semaphore_mem>>) src(%dma_wait3A_120 : memref<10000x256xi32, #tpu.memory_space<hbm>>) dst(%dma_wait3A_114 : memref<80x256xi32, #tpu.memory_space<vmem>>)
      %dma_wait3A_121 = arith.constant 1 : i32
      %dma_wait3A_122 = arith.constant 1 : i32
      %dma_wait3A_123 = arith.constant 0 : i32
      %dma_wait3A_124 = arith.constant 0 : i32
      %dma_wait3A_125 = tpu.memref_slice %arg11[%dma_wait3A_122, %dma_wait3A_123, %dma_wait3A_124] : memref<2x80x256xi32, #tpu.memory_space<vmem>> -> memref<1x80x256xi32, #tpu.memory_space<vmem>>
      %dma_wait3A_126 = tpu.memref_squeeze %dma_wait3A_125 : memref<1x80x256xi32, #tpu.memory_space<vmem>> -> memref<80x256xi32, #tpu.memory_space<vmem>>
      %dma_wait3A_127 = arith.constant 0 : i32
      %dma_wait3A_128 = tpu.memref_slice %arg9[%dma_wait3A_121, %dma_wait3A_127] : memref<2x80xi32, #tpu.memory_space<vmem>> -> memref<1x80xi32, #tpu.memory_space<vmem>>
      %dma_wait3A_129 = tpu.memref_squeeze %dma_wait3A_128 : memref<1x80xi32, #tpu.memory_space<vmem>> -> memref<80xi32, #tpu.memory_space<vmem>>
      %dma_wait3A_130 = arith.constant 0 : i32
      %dma_wait3A_131 = arith.constant 0 : i32
      %dma_wait3A_132 = tpu.memref_slice %arg3[%dma_wait3A_130, %dma_wait3A_131] : memref<10000x256xi32, #tpu.memory_space<hbm>> -> memref<10000x256xi32, #tpu.memory_space<hbm>>
      tpu.wait_indirect_dma semaphore(%arg15 : memref<!tpu.dma_semaphore, #tpu.memory_space<semaphore_mem>>) src(%dma_wait3A_132 : memref<10000x256xi32, #tpu.memory_space<hbm>>) dst(%dma_wait3A_126 : memref<80x256xi32, #tpu.memory_space<vmem>>)
      %add3A_133 = arith.addi %select_n3A_8, %add3A_102 : i32
      %mul3A_134 = arith.constant 80 : i32
      %mul3A_135 = arith.muli %add3A_133, %mul3A_134 : i32
      %run_scoped3A_136 = arith.constant 1 : i32
      "tpu.region"() ({
        %run_scoped3A_138 = tpu.sem_alloc : memref<!tpu.dma_semaphore, #tpu.memory_space<semaphore_mem>>
        %dma_start3A_139 = arith.constant 0 : i32
        %dma_start3A_140 = arith.constant 0 : i32
        %dma_start3A_141 = tpu.memref_slice %arg10[%run_scoped3A_136, %dma_start3A_139, %dma_start3A_140] : memref<2x80x256xi32, #tpu.memory_space<vmem>> -> memref<1x80x256xi32, #tpu.memory_space<vmem>>
        %dma_start3A_142 = tpu.memref_squeeze %dma_start3A_141 : memref<1x80x256xi32, #tpu.memory_space<vmem>> -> memref<80x256xi32, #tpu.memory_space<vmem>>
        %dma_start3A_143 = arith.constant 0 : i32
        %dma_start3A_144 = tpu.memref_slice %arg6[%mul3A_135, %dma_start3A_143] : memref<327680x256xi32, #tpu.memory_space<hbm>> -> memref<80x256xi32, #tpu.memory_space<hbm>>
        %dma_start3A_145 = arith.constant 0 : i32
        %dma_start3A_146 = tpu.memref_slice %arg6[%mul3A_135, %dma_start3A_145] : memref<327680x256xi32, #tpu.memory_space<hbm>> -> memref<80x256xi32, #tpu.memory_space<hbm>>
        %dma_start3A_147 = arith.constant 0 : i32
        %dma_start3A_148 = arith.constant 0 : i32
        %dma_start3A_149 = tpu.memref_slice %arg10[%run_scoped3A_136, %dma_start3A_147, %dma_start3A_148] : memref<2x80x256xi32, #tpu.memory_space<vmem>> -> memref<1x80x256xi32, #tpu.memory_space<vmem>>
        %dma_start3A_150 = tpu.memref_squeeze %dma_start3A_149 : memref<1x80x256xi32, #tpu.memory_space<vmem>> -> memref<80x256xi32, #tpu.memory_space<vmem>>
        tpu.enqueue_dma source(%dma_start3A_150 : memref<80x256xi32, #tpu.memory_space<vmem>>) target(%dma_start3A_146 : memref<80x256xi32, #tpu.memory_space<hbm>>) target_semaphore(%run_scoped3A_138 : memref<!tpu.dma_semaphore, #tpu.memory_space<semaphore_mem>>)
        %dma_wait3A_151 = arith.constant 0 : i32
        %dma_wait3A_152 = arith.constant 0 : i32
        %dma_wait3A_153 = tpu.memref_slice %arg10[%run_scoped3A_136, %dma_wait3A_151, %dma_wait3A_152] : memref<2x80x256xi32, #tpu.memory_space<vmem>> -> memref<1x80x256xi32, #tpu.memory_space<vmem>>
        %dma_wait3A_154 = tpu.memref_squeeze %dma_wait3A_153 : memref<1x80x256xi32, #tpu.memory_space<vmem>> -> memref<80x256xi32, #tpu.memory_space<vmem>>
        %dma_wait3A_155 = arith.constant 0 : i32
        %dma_wait3A_156 = tpu.memref_slice %arg6[%mul3A_135, %dma_wait3A_155] : memref<327680x256xi32, #tpu.memory_space<hbm>> -> memref<80x256xi32, #tpu.memory_space<hbm>>
        %dma_wait3A_157 = arith.constant 0 : i32
        %dma_wait3A_158 = tpu.memref_slice %arg6[%mul3A_135, %dma_wait3A_157] : memref<327680x256xi32, #tpu.memory_space<hbm>> -> memref<80x256xi32, #tpu.memory_space<hbm>>
        %dma_wait3A_159 = arith.constant 0 : i32
        %dma_wait3A_160 = arith.constant 0 : i32
        %dma_wait3A_161 = tpu.memref_slice %arg10[%run_scoped3A_136, %dma_wait3A_159, %dma_wait3A_160] : memref<2x80x256xi32, #tpu.memory_space<vmem>> -> memref<1x80x256xi32, #tpu.memory_space<vmem>>
        %dma_wait3A_162 = tpu.memref_squeeze %dma_wait3A_161 : memref<1x80x256xi32, #tpu.memory_space<vmem>> -> memref<80x256xi32, #tpu.memory_space<vmem>>
        tpu.wait_dma2 semaphore(%run_scoped3A_138 : memref<!tpu.dma_semaphore, #tpu.memory_space<semaphore_mem>>) src(%dma_wait3A_162 : memref<80x256xi32, #tpu.memory_space<vmem>>) dst(%dma_wait3A_158 : memref<80x256xi32, #tpu.memory_space<hbm>>)
        tpu.yield
      }) : () -> ()
      %run_scoped3A_137 = arith.constant 1 : i32
      "tpu.region"() ({
        %run_scoped3A_138 = tpu.sem_alloc : memref<!tpu.dma_semaphore, #tpu.memory_space<semaphore_mem>>
        %dma_start3A_139 = arith.constant 0 : i32
        %dma_start3A_140 = arith.constant 0 : i32
        %dma_start3A_141 = tpu.memref_slice %arg11[%run_scoped3A_137, %dma_start3A_139, %dma_start3A_140] : memref<2x80x256xi32, #tpu.memory_space<vmem>> -> memref<1x80x256xi32, #tpu.memory_space<vmem>>
        %dma_start3A_142 = tpu.memref_squeeze %dma_start3A_141 : memref<1x80x256xi32, #tpu.memory_space<vmem>> -> memref<80x256xi32, #tpu.memory_space<vmem>>
        %dma_start3A_143 = arith.constant 0 : i32
        %dma_start3A_144 = tpu.memref_slice %arg7[%mul3A_135, %dma_start3A_143] : memref<327680x256xi32, #tpu.memory_space<hbm>> -> memref<80x256xi32, #tpu.memory_space<hbm>>
        %dma_start3A_145 = arith.constant 0 : i32
        %dma_start3A_146 = tpu.memref_slice %arg7[%mul3A_135, %dma_start3A_145] : memref<327680x256xi32, #tpu.memory_space<hbm>> -> memref<80x256xi32, #tpu.memory_space<hbm>>
        %dma_start3A_147 = arith.constant 0 : i32
        %dma_start3A_148 = arith.constant 0 : i32
        %dma_start3A_149 = tpu.memref_slice %arg11[%run_scoped3A_137, %dma_start3A_147, %dma_start3A_148] : memref<2x80x256xi32, #tpu.memory_space<vmem>> -> memref<1x80x256xi32, #tpu.memory_space<vmem>>
        %dma_start3A_150 = tpu.memref_squeeze %dma_start3A_149 : memref<1x80x256xi32, #tpu.memory_space<vmem>> -> memref<80x256xi32, #tpu.memory_space<vmem>>
        tpu.enqueue_dma source(%dma_start3A_150 : memref<80x256xi32, #tpu.memory_space<vmem>>) target(%dma_start3A_146 : memref<80x256xi32, #tpu.memory_space<hbm>>) target_semaphore(%run_scoped3A_138 : memref<!tpu.dma_semaphore, #tpu.memory_space<semaphore_mem>>)
        %dma_wait3A_151 = arith.constant 0 : i32
        %dma_wait3A_152 = arith.constant 0 : i32
        %dma_wait3A_153 = tpu.memref_slice %arg11[%run_scoped3A_137, %dma_wait3A_151, %dma_wait3A_152] : memref<2x80x256xi32, #tpu.memory_space<vmem>> -> memref<1x80x256xi32, #tpu.memory_space<vmem>>
        %dma_wait3A_154 = tpu.memref_squeeze %dma_wait3A_153 : memref<1x80x256xi32, #tpu.memory_space<vmem>> -> memref<80x256xi32, #tpu.memory_space<vmem>>
        %dma_wait3A_155 = arith.constant 0 : i32
        %dma_wait3A_156 = tpu.memref_slice %arg7[%mul3A_135, %dma_wait3A_155] : memref<327680x256xi32, #tpu.memory_space<hbm>> -> memref<80x256xi32, #tpu.memory_space<hbm>>
        %dma_wait3A_157 = arith.constant 0 : i32
        %dma_wait3A_158 = tpu.memref_slice %arg7[%mul3A_135, %dma_wait3A_157] : memref<327680x256xi32, #tpu.memory_space<hbm>> -> memref<80x256xi32, #tpu.memory_space<hbm>>
        %dma_wait3A_159 = arith.constant 0 : i32
        %dma_wait3A_160 = arith.constant 0 : i32
        %dma_wait3A_161 = tpu.memref_slice %arg11[%run_scoped3A_137, %dma_wait3A_159, %dma_wait3A_160] : memref<2x80x256xi32, #tpu.memory_space<vmem>> -> memref<1x80x256xi32, #tpu.memory_space<vmem>>
        %dma_wait3A_162 = tpu.memref_squeeze %dma_wait3A_161 : memref<1x80x256xi32, #tpu.memory_space<vmem>> -> memref<80x256xi32, #tpu.memory_space<vmem>>
        tpu.wait_dma2 semaphore(%run_scoped3A_138 : memref<!tpu.dma_semaphore, #tpu.memory_space<semaphore_mem>>) src(%dma_wait3A_162 : memref<80x256xi32, #tpu.memory_space<vmem>>) dst(%dma_wait3A_158 : memref<80x256xi32, #tpu.memory_space<hbm>>)
        tpu.yield
      }) : () -> ()
    }
    return
  }
}

#map = affine_map<(d0, d1) -> (0, 0, 0)>
#map1 = affine_map<(d0, d1) -> (0)>
#map2 = affine_map<(d0, d1) -> (0, 0)>
module attributes {stable_mosaic.version = 14 : i64} {
  func.func @_segsum_body(%arg0: i32, %arg1: i32, %arg2: memref<2x10000x128xf32, #tpu.memory_space<hbm>>, %arg3: memref<327680xi32, #tpu.memory_space<hbm>>, %arg4: memref<327680xi32, #tpu.memory_space<hbm>>, %arg5: memref<10240x128xf32, #tpu.memory_space<hbm>>, %arg6: memref<2x10240x128xf32, #tpu.memory_space<hbm>>, %arg7: memref<10240x128xf32, #tpu.memory_space<vmem_shared>>, %arg8: memref<2x128xi32, #tpu.memory_space<vmem>>, %arg9: memref<2x128xi32, #tpu.memory_space<vmem>>, %arg10: memref<2x128x128xf32, #tpu.memory_space<vmem>>, %arg11: memref<!tpu.dma_semaphore, #tpu.memory_space<semaphore_mem>>, %arg12: memref<!tpu.dma_semaphore, #tpu.memory_space<semaphore_mem>>) attributes {dimension_semantics = [#tpu.dimension_semantics<core_parallel>, #tpu.dimension_semantics<subcore_parallel>], iteration_bounds = array<i64: 2, 16>, scalar_prefetch = 0 : i64, scratch_operands = 6 : i64, tpu.core_type = #tpu.core_type<sc_vector_subcore>, window_params = [{transform_indices = #map}, {transform_indices = #map1}, {transform_indices = #map1}, {transform_indices = #map2}, {transform_indices = #map}]} {
    %mul3A = arith.constant 640 : i32
    %mul3A_0 = arith.muli %arg1, %mul3A : i32
    "tpu.region"() ({
      %run_scoped3A = tpu.sem_alloc : memref<!tpu.dma_semaphore, #tpu.memory_space<semaphore_mem>>
      %dma_start3A = arith.constant 0 : i32
      %dma_start3A_9 = tpu.memref_slice %arg7[%mul3A_0, %dma_start3A] : memref<10240x128xf32, #tpu.memory_space<vmem_shared>> -> memref<640x128xf32, #tpu.memory_space<vmem_shared>>
      %dma_start3A_10 = arith.constant 0 : i32
      %dma_start3A_11 = tpu.memref_slice %arg5[%mul3A_0, %dma_start3A_10] : memref<10240x128xf32, #tpu.memory_space<hbm>> -> memref<640x128xf32, #tpu.memory_space<hbm>>
      tpu.enqueue_dma source(%dma_start3A_11 : memref<640x128xf32, #tpu.memory_space<hbm>>) target(%dma_start3A_9 : memref<640x128xf32, #tpu.memory_space<vmem_shared>>) target_semaphore(%run_scoped3A : memref<!tpu.dma_semaphore, #tpu.memory_space<semaphore_mem>>)
      %dma_wait3A = arith.constant 0 : i32
      %dma_wait3A_12 = tpu.memref_slice %arg7[%mul3A_0, %dma_wait3A] : memref<10240x128xf32, #tpu.memory_space<vmem_shared>> -> memref<640x128xf32, #tpu.memory_space<vmem_shared>>
      %dma_wait3A_13 = arith.constant 0 : i32
      %dma_wait3A_14 = tpu.memref_slice %arg5[%mul3A_0, %dma_wait3A_13] : memref<10240x128xf32, #tpu.memory_space<hbm>> -> memref<640x128xf32, #tpu.memory_space<hbm>>
      tpu.wait_dma2 semaphore(%run_scoped3A : memref<!tpu.dma_semaphore, #tpu.memory_space<semaphore_mem>>) src(%dma_wait3A_14 : memref<640x128xf32, #tpu.memory_space<hbm>>) dst(%dma_wait3A_12 : memref<640x128xf32, #tpu.memory_space<vmem_shared>>)
      tpu.yield
    }) : () -> ()
    %barrier3A = arith.constant 0 : index
    tpu.barrier barrier_id(%barrier3A)
    %eq3A = arith.constant 0 : i32
    %eq3A_1 = arith.cmpi eq, %arg0, %eq3A : i32
    %convert_element_type3A = arith.extui %eq3A_1 : i1 to i32
    %cond3A = arith.constant 0 : i32
    %cond3A_2 = arith.cmpi ne, %convert_element_type3A, %cond3A : i32
    scf.if %cond3A_2 {
      %mul3A_9 = arith.constant 20480 : i32
      %mul3A_10 = arith.muli %arg1, %mul3A_9 : i32
      %add3A = arith.constant 0 : i32
      %add3A_11 = arith.addi %mul3A_10, %add3A : i32
      %run_scoped3A = arith.constant 0 : i32
      "tpu.region"() ({
        %run_scoped3A_34 = tpu.sem_alloc : memref<!tpu.dma_semaphore, #tpu.memory_space<semaphore_mem>>
        %dma_start3A_35 = arith.constant 0 : i32
        %dma_start3A_36 = tpu.memref_slice %arg8[%run_scoped3A, %dma_start3A_35] : memref<2x128xi32, #tpu.memory_space<vmem>> -> memref<1x128xi32, #tpu.memory_space<vmem>>
        %dma_start3A_37 = tpu.memref_squeeze %dma_start3A_36 : memref<1x128xi32, #tpu.memory_space<vmem>> -> memref<128xi32, #tpu.memory_space<vmem>>
        %dma_start3A_38 = tpu.memref_slice %arg3[%add3A_11] : memref<327680xi32, #tpu.memory_space<hbm>> -> memref<128xi32, #tpu.memory_space<hbm>>
        %dma_start3A_39 = arith.constant 0 : i32
        %dma_start3A_40 = tpu.memref_slice %arg8[%run_scoped3A, %dma_start3A_39] : memref<2x128xi32, #tpu.memory_space<vmem>> -> memref<1x128xi32, #tpu.memory_space<vmem>>
        %dma_start3A_41 = tpu.memref_squeeze %dma_start3A_40 : memref<1x128xi32, #tpu.memory_space<vmem>> -> memref<128xi32, #tpu.memory_space<vmem>>
        %dma_start3A_42 = tpu.memref_slice %arg3[%add3A_11] : memref<327680xi32, #tpu.memory_space<hbm>> -> memref<128xi32, #tpu.memory_space<hbm>>
        tpu.enqueue_dma source(%dma_start3A_42 : memref<128xi32, #tpu.memory_space<hbm>>) target(%dma_start3A_41 : memref<128xi32, #tpu.memory_space<vmem>>) target_semaphore(%run_scoped3A_34 : memref<!tpu.dma_semaphore, #tpu.memory_space<semaphore_mem>>)
        %dma_wait3A = arith.constant 0 : i32
        %dma_wait3A_43 = tpu.memref_slice %arg8[%run_scoped3A, %dma_wait3A] : memref<2x128xi32, #tpu.memory_space<vmem>> -> memref<1x128xi32, #tpu.memory_space<vmem>>
        %dma_wait3A_44 = tpu.memref_squeeze %dma_wait3A_43 : memref<1x128xi32, #tpu.memory_space<vmem>> -> memref<128xi32, #tpu.memory_space<vmem>>
        %dma_wait3A_45 = tpu.memref_slice %arg3[%add3A_11] : memref<327680xi32, #tpu.memory_space<hbm>> -> memref<128xi32, #tpu.memory_space<hbm>>
        %dma_wait3A_46 = arith.constant 0 : i32
        %dma_wait3A_47 = tpu.memref_slice %arg8[%run_scoped3A, %dma_wait3A_46] : memref<2x128xi32, #tpu.memory_space<vmem>> -> memref<1x128xi32, #tpu.memory_space<vmem>>
        %dma_wait3A_48 = tpu.memref_squeeze %dma_wait3A_47 : memref<1x128xi32, #tpu.memory_space<vmem>> -> memref<128xi32, #tpu.memory_space<vmem>>
        %dma_wait3A_49 = tpu.memref_slice %arg3[%add3A_11] : memref<327680xi32, #tpu.memory_space<hbm>> -> memref<128xi32, #tpu.memory_space<hbm>>
        tpu.wait_dma2 semaphore(%run_scoped3A_34 : memref<!tpu.dma_semaphore, #tpu.memory_space<semaphore_mem>>) src(%dma_wait3A_49 : memref<128xi32, #tpu.memory_space<hbm>>) dst(%dma_wait3A_48 : memref<128xi32, #tpu.memory_space<vmem>>)
        tpu.yield
      }) : () -> ()
      %run_scoped3A_12 = arith.constant 0 : i32
      "tpu.region"() ({
        %run_scoped3A_34 = tpu.sem_alloc : memref<!tpu.dma_semaphore, #tpu.memory_space<semaphore_mem>>
        %dma_start3A_35 = arith.constant 0 : i32
        %dma_start3A_36 = tpu.memref_slice %arg9[%run_scoped3A_12, %dma_start3A_35] : memref<2x128xi32, #tpu.memory_space<vmem>> -> memref<1x128xi32, #tpu.memory_space<vmem>>
        %dma_start3A_37 = tpu.memref_squeeze %dma_start3A_36 : memref<1x128xi32, #tpu.memory_space<vmem>> -> memref<128xi32, #tpu.memory_space<vmem>>
        %dma_start3A_38 = tpu.memref_slice %arg4[%add3A_11] : memref<327680xi32, #tpu.memory_space<hbm>> -> memref<128xi32, #tpu.memory_space<hbm>>
        %dma_start3A_39 = arith.constant 0 : i32
        %dma_start3A_40 = tpu.memref_slice %arg9[%run_scoped3A_12, %dma_start3A_39] : memref<2x128xi32, #tpu.memory_space<vmem>> -> memref<1x128xi32, #tpu.memory_space<vmem>>
        %dma_start3A_41 = tpu.memref_squeeze %dma_start3A_40 : memref<1x128xi32, #tpu.memory_space<vmem>> -> memref<128xi32, #tpu.memory_space<vmem>>
        %dma_start3A_42 = tpu.memref_slice %arg4[%add3A_11] : memref<327680xi32, #tpu.memory_space<hbm>> -> memref<128xi32, #tpu.memory_space<hbm>>
        tpu.enqueue_dma source(%dma_start3A_42 : memref<128xi32, #tpu.memory_space<hbm>>) target(%dma_start3A_41 : memref<128xi32, #tpu.memory_space<vmem>>) target_semaphore(%run_scoped3A_34 : memref<!tpu.dma_semaphore, #tpu.memory_space<semaphore_mem>>)
        %dma_wait3A = arith.constant 0 : i32
        %dma_wait3A_43 = tpu.memref_slice %arg9[%run_scoped3A_12, %dma_wait3A] : memref<2x128xi32, #tpu.memory_space<vmem>> -> memref<1x128xi32, #tpu.memory_space<vmem>>
        %dma_wait3A_44 = tpu.memref_squeeze %dma_wait3A_43 : memref<1x128xi32, #tpu.memory_space<vmem>> -> memref<128xi32, #tpu.memory_space<vmem>>
        %dma_wait3A_45 = tpu.memref_slice %arg4[%add3A_11] : memref<327680xi32, #tpu.memory_space<hbm>> -> memref<128xi32, #tpu.memory_space<hbm>>
        %dma_wait3A_46 = arith.constant 0 : i32
        %dma_wait3A_47 = tpu.memref_slice %arg9[%run_scoped3A_12, %dma_wait3A_46] : memref<2x128xi32, #tpu.memory_space<vmem>> -> memref<1x128xi32, #tpu.memory_space<vmem>>
        %dma_wait3A_48 = tpu.memref_squeeze %dma_wait3A_47 : memref<1x128xi32, #tpu.memory_space<vmem>> -> memref<128xi32, #tpu.memory_space<vmem>>
        %dma_wait3A_49 = tpu.memref_slice %arg4[%add3A_11] : memref<327680xi32, #tpu.memory_space<hbm>> -> memref<128xi32, #tpu.memory_space<hbm>>
        tpu.wait_dma2 semaphore(%run_scoped3A_34 : memref<!tpu.dma_semaphore, #tpu.memory_space<semaphore_mem>>) src(%dma_wait3A_49 : memref<128xi32, #tpu.memory_space<hbm>>) dst(%dma_wait3A_48 : memref<128xi32, #tpu.memory_space<vmem>>)
        tpu.yield
      }) : () -> ()
      %dma_start3A = arith.constant 0 : i32
      %dma_start3A_13 = arith.constant 0 : i32
      %dma_start3A_14 = arith.constant 0 : i32
      %dma_start3A_15 = arith.constant 0 : i32
      %dma_start3A_16 = arith.constant 0 : i32
      %dma_start3A_17 = tpu.memref_slice %arg10[%dma_start3A_14, %dma_start3A_15, %dma_start3A_16] : memref<2x128x128xf32, #tpu.memory_space<vmem>> -> memref<1x128x128xf32, #tpu.memory_space<vmem>>
      %dma_start3A_18 = tpu.memref_squeeze %dma_start3A_17 : memref<1x128x128xf32, #tpu.memory_space<vmem>> -> memref<128x128xf32, #tpu.memory_space<vmem>>
      %dma_start3A_19 = arith.constant 0 : i32
      %dma_start3A_20 = tpu.memref_slice %arg8[%dma_start3A_13, %dma_start3A_19] : memref<2x128xi32, #tpu.memory_space<vmem>> -> memref<1x128xi32, #tpu.memory_space<vmem>>
      %dma_start3A_21 = tpu.memref_squeeze %dma_start3A_20 : memref<1x128xi32, #tpu.memory_space<vmem>> -> memref<128xi32, #tpu.memory_space<vmem>>
      %dma_start3A_22 = arith.constant 0 : i32
      %dma_start3A_23 = arith.constant 0 : i32
      %dma_start3A_24 = tpu.memref_slice %arg2[%dma_start3A, %dma_start3A_22, %dma_start3A_23] : memref<2x10000x128xf32, #tpu.memory_space<hbm>> -> memref<1x10000x128xf32, #tpu.memory_space<hbm>>
      %dma_start3A_25 = tpu.memref_squeeze %dma_start3A_24 : memref<1x10000x128xf32, #tpu.memory_space<hbm>> -> memref<10000x128xf32, #tpu.memory_space<hbm>>
      %dma_start3A_26 = arith.constant 0 : i32
      %dma_start3A_27 = arith.constant 0 : i32
      %dma_start3A_28 = tpu.memref_slice %dma_start3A_25[%dma_start3A_26, %dma_start3A_27] : memref<10000x128xf32, #tpu.memory_space<hbm>> -> memref<10000x128xf32, #tpu.memory_space<hbm>>
      tpu.enqueue_indirect_dma source(%dma_start3A_28 : memref<10000x128xf32, #tpu.memory_space<hbm>>) target(%dma_start3A_18 : memref<128x128xf32, #tpu.memory_space<vmem>>) offsets(%dma_start3A_21 : memref<128xi32, #tpu.memory_space<vmem>>) semaphore(%arg11 : memref<!tpu.dma_semaphore, #tpu.memory_space<semaphore_mem>>)
      %scan3A = arith.constant 0 : i32
      %scan3A_29 = arith.constant 0 : i32
      %scan3A_30 = arith.constant 80 : i32
      %scan3A_31 = arith.addi %scan3A_29, %scan3A_30 : i32
      %scan3A_32 = arith.constant 1 : i32
      scf.for %scan3A_34 = %scan3A_29 to %scan3A_31 step %scan3A_32  : i32 {
        %mul3A_35 = arith.constant 2 : i32
        %mul3A_36 = arith.muli %scan3A_34, %mul3A_35 : i32
        %add3A_37 = arith.constant 0 : i32
        %add3A_38 = arith.addi %mul3A_36, %add3A_37 : i32
        %dma_wait3A = arith.constant 0 : i32
        %dma_wait3A_39 = arith.constant 0 : i32
        %dma_wait3A_40 = arith.constant 0 : i32
        %dma_wait3A_41 = arith.constant 0 : i32
        %dma_wait3A_42 = tpu.memref_slice %arg10[%dma_wait3A_39, %dma_wait3A_40, %dma_wait3A_41] : memref<2x128x128xf32, #tpu.memory_space<vmem>> -> memref<1x128x128xf32, #tpu.memory_space<vmem>>
        %dma_wait3A_43 = tpu.memref_squeeze %dma_wait3A_42 : memref<1x128x128xf32, #tpu.memory_space<vmem>> -> memref<128x128xf32, #tpu.memory_space<vmem>>
        %dma_wait3A_44 = arith.constant 0 : i32
        %dma_wait3A_45 = tpu.memref_slice %arg8[%dma_wait3A, %dma_wait3A_44] : memref<2x128xi32, #tpu.memory_space<vmem>> -> memref<1x128xi32, #tpu.memory_space<vmem>>
        %dma_wait3A_46 = tpu.memref_squeeze %dma_wait3A_45 : memref<1x128xi32, #tpu.memory_space<vmem>> -> memref<128xi32, #tpu.memory_space<vmem>>
        %dma_wait3A_47 = arith.constant 0 : i32
        %dma_wait3A_48 = arith.constant 0 : i32
        %dma_wait3A_49 = tpu.memref_slice %arg2[%scan3A, %dma_wait3A_47, %dma_wait3A_48] : memref<2x10000x128xf32, #tpu.memory_space<hbm>> -> memref<1x10000x128xf32, #tpu.memory_space<hbm>>
        %dma_wait3A_50 = tpu.memref_squeeze %dma_wait3A_49 : memref<1x10000x128xf32, #tpu.memory_space<hbm>> -> memref<10000x128xf32, #tpu.memory_space<hbm>>
        %dma_wait3A_51 = arith.constant 0 : i32
        %dma_wait3A_52 = arith.constant 0 : i32
        %dma_wait3A_53 = tpu.memref_slice %dma_wait3A_50[%dma_wait3A_51, %dma_wait3A_52] : memref<10000x128xf32, #tpu.memory_space<hbm>> -> memref<10000x128xf32, #tpu.memory_space<hbm>>
        tpu.wait_indirect_dma semaphore(%arg11 : memref<!tpu.dma_semaphore, #tpu.memory_space<semaphore_mem>>) src(%dma_wait3A_53 : memref<10000x128xf32, #tpu.memory_space<hbm>>) dst(%dma_wait3A_43 : memref<128x128xf32, #tpu.memory_space<vmem>>)
        %add3A_54 = arith.constant 1 : i32
        %add3A_55 = arith.addi %add3A_38, %add3A_54 : i32
        %lt3A = arith.constant 160 : i32
        %lt3A_56 = arith.cmpi slt, %add3A_55, %lt3A : i32
        %convert_element_type3A_57 = arith.extui %lt3A_56 : i1 to i32
        %cond3A_58 = arith.constant 0 : i32
        %cond3A_59 = arith.cmpi ne, %convert_element_type3A_57, %cond3A_58 : i32
        scf.if %cond3A_59 {
          %mul3A_91 = arith.constant 20480 : i32
          %mul3A_92 = arith.muli %arg1, %mul3A_91 : i32
          %mul3A_93 = arith.constant 128 : i32
          %mul3A_94 = arith.muli %add3A_55, %mul3A_93 : i32
          %add3A_95 = arith.addi %mul3A_92, %mul3A_94 : i32
          %run_scoped3A_96 = arith.constant 1 : i32
          "tpu.region"() ({
            %run_scoped3A_114 = tpu.sem_alloc : memref<!tpu.dma_semaphore, #tpu.memory_space<semaphore_mem>>
            %dma_start3A_115 = arith.constant 0 : i32
            %dma_start3A_116 = tpu.memref_slice %arg8[%run_scoped3A_96, %dma_start3A_115] : memref<2x128xi32, #tpu.memory_space<vmem>> -> memref<1x128xi32, #tpu.memory_space<vmem>>
            %dma_start3A_117 = tpu.memref_squeeze %dma_start3A_116 : memref<1x128xi32, #tpu.memory_space<vmem>> -> memref<128xi32, #tpu.memory_space<vmem>>
            %dma_start3A_118 = tpu.memref_slice %arg3[%add3A_95] : memref<327680xi32, #tpu.memory_space<hbm>> -> memref<128xi32, #tpu.memory_space<hbm>>
            %dma_start3A_119 = arith.constant 0 : i32
            %dma_start3A_120 = tpu.memref_slice %arg8[%run_scoped3A_96, %dma_start3A_119] : memref<2x128xi32, #tpu.memory_space<vmem>> -> memref<1x128xi32, #tpu.memory_space<vmem>>
            %dma_start3A_121 = tpu.memref_squeeze %dma_start3A_120 : memref<1x128xi32, #tpu.memory_space<vmem>> -> memref<128xi32, #tpu.memory_space<vmem>>
            %dma_start3A_122 = tpu.memref_slice %arg3[%add3A_95] : memref<327680xi32, #tpu.memory_space<hbm>> -> memref<128xi32, #tpu.memory_space<hbm>>
            tpu.enqueue_dma source(%dma_start3A_122 : memref<128xi32, #tpu.memory_space<hbm>>) target(%dma_start3A_121 : memref<128xi32, #tpu.memory_space<vmem>>) target_semaphore(%run_scoped3A_114 : memref<!tpu.dma_semaphore, #tpu.memory_space<semaphore_mem>>)
            %dma_wait3A_123 = arith.constant 0 : i32
            %dma_wait3A_124 = tpu.memref_slice %arg8[%run_scoped3A_96, %dma_wait3A_123] : memref<2x128xi32, #tpu.memory_space<vmem>> -> memref<1x128xi32, #tpu.memory_space<vmem>>
            %dma_wait3A_125 = tpu.memref_squeeze %dma_wait3A_124 : memref<1x128xi32, #tpu.memory_space<vmem>> -> memref<128xi32, #tpu.memory_space<vmem>>
            %dma_wait3A_126 = tpu.memref_slice %arg3[%add3A_95] : memref<327680xi32, #tpu.memory_space<hbm>> -> memref<128xi32, #tpu.memory_space<hbm>>
            %dma_wait3A_127 = arith.constant 0 : i32
            %dma_wait3A_128 = tpu.memref_slice %arg8[%run_scoped3A_96, %dma_wait3A_127] : memref<2x128xi32, #tpu.memory_space<vmem>> -> memref<1x128xi32, #tpu.memory_space<vmem>>
            %dma_wait3A_129 = tpu.memref_squeeze %dma_wait3A_128 : memref<1x128xi32, #tpu.memory_space<vmem>> -> memref<128xi32, #tpu.memory_space<vmem>>
            %dma_wait3A_130 = tpu.memref_slice %arg3[%add3A_95] : memref<327680xi32, #tpu.memory_space<hbm>> -> memref<128xi32, #tpu.memory_space<hbm>>
            tpu.wait_dma2 semaphore(%run_scoped3A_114 : memref<!tpu.dma_semaphore, #tpu.memory_space<semaphore_mem>>) src(%dma_wait3A_130 : memref<128xi32, #tpu.memory_space<hbm>>) dst(%dma_wait3A_129 : memref<128xi32, #tpu.memory_space<vmem>>)
            tpu.yield
          }) : () -> ()
          %run_scoped3A_97 = arith.constant 1 : i32
          "tpu.region"() ({
            %run_scoped3A_114 = tpu.sem_alloc : memref<!tpu.dma_semaphore, #tpu.memory_space<semaphore_mem>>
            %dma_start3A_115 = arith.constant 0 : i32
            %dma_start3A_116 = tpu.memref_slice %arg9[%run_scoped3A_97, %dma_start3A_115] : memref<2x128xi32, #tpu.memory_space<vmem>> -> memref<1x128xi32, #tpu.memory_space<vmem>>
            %dma_start3A_117 = tpu.memref_squeeze %dma_start3A_116 : memref<1x128xi32, #tpu.memory_space<vmem>> -> memref<128xi32, #tpu.memory_space<vmem>>
            %dma_start3A_118 = tpu.memref_slice %arg4[%add3A_95] : memref<327680xi32, #tpu.memory_space<hbm>> -> memref<128xi32, #tpu.memory_space<hbm>>
            %dma_start3A_119 = arith.constant 0 : i32
            %dma_start3A_120 = tpu.memref_slice %arg9[%run_scoped3A_97, %dma_start3A_119] : memref<2x128xi32, #tpu.memory_space<vmem>> -> memref<1x128xi32, #tpu.memory_space<vmem>>
            %dma_start3A_121 = tpu.memref_squeeze %dma_start3A_120 : memref<1x128xi32, #tpu.memory_space<vmem>> -> memref<128xi32, #tpu.memory_space<vmem>>
            %dma_start3A_122 = tpu.memref_slice %arg4[%add3A_95] : memref<327680xi32, #tpu.memory_space<hbm>> -> memref<128xi32, #tpu.memory_space<hbm>>
            tpu.enqueue_dma source(%dma_start3A_122 : memref<128xi32, #tpu.memory_space<hbm>>) target(%dma_start3A_121 : memref<128xi32, #tpu.memory_space<vmem>>) target_semaphore(%run_scoped3A_114 : memref<!tpu.dma_semaphore, #tpu.memory_space<semaphore_mem>>)
            %dma_wait3A_123 = arith.constant 0 : i32
            %dma_wait3A_124 = tpu.memref_slice %arg9[%run_scoped3A_97, %dma_wait3A_123] : memref<2x128xi32, #tpu.memory_space<vmem>> -> memref<1x128xi32, #tpu.memory_space<vmem>>
            %dma_wait3A_125 = tpu.memref_squeeze %dma_wait3A_124 : memref<1x128xi32, #tpu.memory_space<vmem>> -> memref<128xi32, #tpu.memory_space<vmem>>
            %dma_wait3A_126 = tpu.memref_slice %arg4[%add3A_95] : memref<327680xi32, #tpu.memory_space<hbm>> -> memref<128xi32, #tpu.memory_space<hbm>>
            %dma_wait3A_127 = arith.constant 0 : i32
            %dma_wait3A_128 = tpu.memref_slice %arg9[%run_scoped3A_97, %dma_wait3A_127] : memref<2x128xi32, #tpu.memory_space<vmem>> -> memref<1x128xi32, #tpu.memory_space<vmem>>
            %dma_wait3A_129 = tpu.memref_squeeze %dma_wait3A_128 : memref<1x128xi32, #tpu.memory_space<vmem>> -> memref<128xi32, #tpu.memory_space<vmem>>
            %dma_wait3A_130 = tpu.memref_slice %arg4[%add3A_95] : memref<327680xi32, #tpu.memory_space<hbm>> -> memref<128xi32, #tpu.memory_space<hbm>>
            tpu.wait_dma2 semaphore(%run_scoped3A_114 : memref<!tpu.dma_semaphore, #tpu.memory_space<semaphore_mem>>) src(%dma_wait3A_130 : memref<128xi32, #tpu.memory_space<hbm>>) dst(%dma_wait3A_129 : memref<128xi32, #tpu.memory_space<vmem>>)
            tpu.yield
          }) : () -> ()
          %dma_start3A_98 = arith.constant 1 : i32
          %dma_start3A_99 = arith.constant 1 : i32
          %dma_start3A_100 = arith.constant 0 : i32
          %dma_start3A_101 = arith.constant 0 : i32
          %dma_start3A_102 = tpu.memref_slice %arg10[%dma_start3A_99, %dma_start3A_100, %dma_start3A_101] : memref<2x128x128xf32, #tpu.memory_space<vmem>> -> memref<1x128x128xf32, #tpu.memory_space<vmem>>
          %dma_start3A_103 = tpu.memref_squeeze %dma_start3A_102 : memref<1x128x128xf32, #tpu.memory_space<vmem>> -> memref<128x128xf32, #tpu.memory_space<vmem>>
          %dma_start3A_104 = arith.constant 0 : i32
          %dma_start3A_105 = tpu.memref_slice %arg8[%dma_start3A_98, %dma_start3A_104] : memref<2x128xi32, #tpu.memory_space<vmem>> -> memref<1x128xi32, #tpu.memory_space<vmem>>
          %dma_start3A_106 = tpu.memref_squeeze %dma_start3A_105 : memref<1x128xi32, #tpu.memory_space<vmem>> -> memref<128xi32, #tpu.memory_space<vmem>>
          %dma_start3A_107 = arith.constant 0 : i32
          %dma_start3A_108 = arith.constant 0 : i32
          %dma_start3A_109 = tpu.memref_slice %arg2[%scan3A, %dma_start3A_107, %dma_start3A_108] : memref<2x10000x128xf32, #tpu.memory_space<hbm>> -> memref<1x10000x128xf32, #tpu.memory_space<hbm>>
          %dma_start3A_110 = tpu.memref_squeeze %dma_start3A_109 : memref<1x10000x128xf32, #tpu.memory_space<hbm>> -> memref<10000x128xf32, #tpu.memory_space<hbm>>
          %dma_start3A_111 = arith.constant 0 : i32
          %dma_start3A_112 = arith.constant 0 : i32
          %dma_start3A_113 = tpu.memref_slice %dma_start3A_110[%dma_start3A_111, %dma_start3A_112] : memref<10000x128xf32, #tpu.memory_space<hbm>> -> memref<10000x128xf32, #tpu.memory_space<hbm>>
          tpu.enqueue_indirect_dma source(%dma_start3A_113 : memref<10000x128xf32, #tpu.memory_space<hbm>>) target(%dma_start3A_103 : memref<128x128xf32, #tpu.memory_space<vmem>>) offsets(%dma_start3A_106 : memref<128xi32, #tpu.memory_space<vmem>>) semaphore(%arg12 : memref<!tpu.dma_semaphore, #tpu.memory_space<semaphore_mem>>)
        } else {
        }
        %run_scoped3A_60 = arith.constant 0 : i32
        %run_scoped3A_61 = arith.constant 0 : i32
        "tpu.region"() ({
          %run_scoped3A_91 = tpu.sem_alloc : memref<!tpu.dma_semaphore, #tpu.memory_space<semaphore_mem>>
          %dma_start3A_92 = arith.constant 0 : i32
          %dma_start3A_93 = arith.constant 0 : i32
          %dma_start3A_94 = tpu.memref_slice %arg10[%run_scoped3A_60, %dma_start3A_92, %dma_start3A_93] : memref<2x128x128xf32, #tpu.memory_space<vmem>> -> memref<1x128x128xf32, #tpu.memory_space<vmem>>
          %dma_start3A_95 = tpu.memref_squeeze %dma_start3A_94 : memref<1x128x128xf32, #tpu.memory_space<vmem>> -> memref<128x128xf32, #tpu.memory_space<vmem>>
          %dma_start3A_96 = arith.constant 0 : i32
          %dma_start3A_97 = tpu.memref_slice %arg9[%run_scoped3A_61, %dma_start3A_96] : memref<2x128xi32, #tpu.memory_space<vmem>> -> memref<1x128xi32, #tpu.memory_space<vmem>>
          %dma_start3A_98 = tpu.memref_squeeze %dma_start3A_97 : memref<1x128xi32, #tpu.memory_space<vmem>> -> memref<128xi32, #tpu.memory_space<vmem>>
          %dma_start3A_99 = arith.constant 0 : i32
          %dma_start3A_100 = arith.constant 0 : i32
          %dma_start3A_101 = tpu.memref_slice %arg7[%dma_start3A_99, %dma_start3A_100] : memref<10240x128xf32, #tpu.memory_space<vmem_shared>> -> memref<10240x128xf32, #tpu.memory_space<vmem_shared>>
          tpu.enqueue_indirect_dma source(%dma_start3A_95 : memref<128x128xf32, #tpu.memory_space<vmem>>) target(%dma_start3A_101 : memref<10240x128xf32, #tpu.memory_space<vmem_shared>>) offsets(%dma_start3A_98 : memref<128xi32, #tpu.memory_space<vmem>>) semaphore(%run_scoped3A_91 : memref<!tpu.dma_semaphore, #tpu.memory_space<semaphore_mem>>) {add = true}
          %dma_wait3A_102 = arith.constant 0 : i32
          %dma_wait3A_103 = arith.constant 0 : i32
          %dma_wait3A_104 = tpu.memref_slice %arg10[%run_scoped3A_60, %dma_wait3A_102, %dma_wait3A_103] : memref<2x128x128xf32, #tpu.memory_space<vmem>> -> memref<1x128x128xf32, #tpu.memory_space<vmem>>
          %dma_wait3A_105 = tpu.memref_squeeze %dma_wait3A_104 : memref<1x128x128xf32, #tpu.memory_space<vmem>> -> memref<128x128xf32, #tpu.memory_space<vmem>>
          %dma_wait3A_106 = arith.constant 0 : i32
          %dma_wait3A_107 = tpu.memref_slice %arg9[%run_scoped3A_61, %dma_wait3A_106] : memref<2x128xi32, #tpu.memory_space<vmem>> -> memref<1x128xi32, #tpu.memory_space<vmem>>
          %dma_wait3A_108 = tpu.memref_squeeze %dma_wait3A_107 : memref<1x128xi32, #tpu.memory_space<vmem>> -> memref<128xi32, #tpu.memory_space<vmem>>
          %dma_wait3A_109 = arith.constant 0 : i32
          %dma_wait3A_110 = arith.constant 0 : i32
          %dma_wait3A_111 = tpu.memref_slice %arg7[%dma_wait3A_109, %dma_wait3A_110] : memref<10240x128xf32, #tpu.memory_space<vmem_shared>> -> memref<10240x128xf32, #tpu.memory_space<vmem_shared>>
          tpu.wait_indirect_dma semaphore(%run_scoped3A_91 : memref<!tpu.dma_semaphore, #tpu.memory_space<semaphore_mem>>) src(%dma_wait3A_105 : memref<128x128xf32, #tpu.memory_space<vmem>>) dst(%dma_wait3A_111 : memref<10240x128xf32, #tpu.memory_space<vmem_shared>>)
          tpu.yield
        }) : () -> ()
        %mul3A_62 = arith.constant 2 : i32
        %mul3A_63 = arith.muli %scan3A_34, %mul3A_62 : i32
        %add3A_64 = arith.constant 1 : i32
        %add3A_65 = arith.addi %mul3A_63, %add3A_64 : i32
        %dma_wait3A_66 = arith.constant 1 : i32
        %dma_wait3A_67 = arith.constant 1 : i32
        %dma_wait3A_68 = arith.constant 0 : i32
        %dma_wait3A_69 = arith.constant 0 : i32
        %dma_wait3A_70 = tpu.memref_slice %arg10[%dma_wait3A_67, %dma_wait3A_68, %dma_wait3A_69] : memref<2x128x128xf32, #tpu.memory_space<vmem>> -> memref<1x128x128xf32, #tpu.memory_space<vmem>>
        %dma_wait3A_71 = tpu.memref_squeeze %dma_wait3A_70 : memref<1x128x128xf32, #tpu.memory_space<vmem>> -> memref<128x128xf32, #tpu.memory_space<vmem>>
        %dma_wait3A_72 = arith.constant 0 : i32
        %dma_wait3A_73 = tpu.memref_slice %arg8[%dma_wait3A_66, %dma_wait3A_72] : memref<2x128xi32, #tpu.memory_space<vmem>> -> memref<1x128xi32, #tpu.memory_space<vmem>>
        %dma_wait3A_74 = tpu.memref_squeeze %dma_wait3A_73 : memref<1x128xi32, #tpu.memory_space<vmem>> -> memref<128xi32, #tpu.memory_space<vmem>>
        %dma_wait3A_75 = arith.constant 0 : i32
        %dma_wait3A_76 = arith.constant 0 : i32
        %dma_wait3A_77 = tpu.memref_slice %arg2[%scan3A, %dma_wait3A_75, %dma_wait3A_76] : memref<2x10000x128xf32, #tpu.memory_space<hbm>> -> memref<1x10000x128xf32, #tpu.memory_space<hbm>>
        %dma_wait3A_78 = tpu.memref_squeeze %dma_wait3A_77 : memref<1x10000x128xf32, #tpu.memory_space<hbm>> -> memref<10000x128xf32, #tpu.memory_space<hbm>>
        %dma_wait3A_79 = arith.constant 0 : i32
        %dma_wait3A_80 = arith.constant 0 : i32
        %dma_wait3A_81 = tpu.memref_slice %dma_wait3A_78[%dma_wait3A_79, %dma_wait3A_80] : memref<10000x128xf32, #tpu.memory_space<hbm>> -> memref<10000x128xf32, #tpu.memory_space<hbm>>
        tpu.wait_indirect_dma semaphore(%arg12 : memref<!tpu.dma_semaphore, #tpu.memory_space<semaphore_mem>>) src(%dma_wait3A_81 : memref<10000x128xf32, #tpu.memory_space<hbm>>) dst(%dma_wait3A_71 : memref<128x128xf32, #tpu.memory_space<vmem>>)
        %add3A_82 = arith.constant 1 : i32
        %add3A_83 = arith.addi %add3A_65, %add3A_82 : i32
        %lt3A_84 = arith.constant 160 : i32
        %lt3A_85 = arith.cmpi slt, %add3A_83, %lt3A_84 : i32
        %convert_element_type3A_86 = arith.extui %lt3A_85 : i1 to i32
        %cond3A_87 = arith.constant 0 : i32
        %cond3A_88 = arith.cmpi ne, %convert_element_type3A_86, %cond3A_87 : i32
        scf.if %cond3A_88 {
          %mul3A_91 = arith.constant 20480 : i32
          %mul3A_92 = arith.muli %arg1, %mul3A_91 : i32
          %mul3A_93 = arith.constant 128 : i32
          %mul3A_94 = arith.muli %add3A_83, %mul3A_93 : i32
          %add3A_95 = arith.addi %mul3A_92, %mul3A_94 : i32
          %run_scoped3A_96 = arith.constant 0 : i32
          "tpu.region"() ({
            %run_scoped3A_114 = tpu.sem_alloc : memref<!tpu.dma_semaphore, #tpu.memory_space<semaphore_mem>>
            %dma_start3A_115 = arith.constant 0 : i32
            %dma_start3A_116 = tpu.memref_slice %arg8[%run_scoped3A_96, %dma_start3A_115] : memref<2x128xi32, #tpu.memory_space<vmem>> -> memref<1x128xi32, #tpu.memory_space<vmem>>
            %dma_start3A_117 = tpu.memref_squeeze %dma_start3A_116 : memref<1x128xi32, #tpu.memory_space<vmem>> -> memref<128xi32, #tpu.memory_space<vmem>>
            %dma_start3A_118 = tpu.memref_slice %arg3[%add3A_95] : memref<327680xi32, #tpu.memory_space<hbm>> -> memref<128xi32, #tpu.memory_space<hbm>>
            %dma_start3A_119 = arith.constant 0 : i32
            %dma_start3A_120 = tpu.memref_slice %arg8[%run_scoped3A_96, %dma_start3A_119] : memref<2x128xi32, #tpu.memory_space<vmem>> -> memref<1x128xi32, #tpu.memory_space<vmem>>
            %dma_start3A_121 = tpu.memref_squeeze %dma_start3A_120 : memref<1x128xi32, #tpu.memory_space<vmem>> -> memref<128xi32, #tpu.memory_space<vmem>>
            %dma_start3A_122 = tpu.memref_slice %arg3[%add3A_95] : memref<327680xi32, #tpu.memory_space<hbm>> -> memref<128xi32, #tpu.memory_space<hbm>>
            tpu.enqueue_dma source(%dma_start3A_122 : memref<128xi32, #tpu.memory_space<hbm>>) target(%dma_start3A_121 : memref<128xi32, #tpu.memory_space<vmem>>) target_semaphore(%run_scoped3A_114 : memref<!tpu.dma_semaphore, #tpu.memory_space<semaphore_mem>>)
            %dma_wait3A_123 = arith.constant 0 : i32
            %dma_wait3A_124 = tpu.memref_slice %arg8[%run_scoped3A_96, %dma_wait3A_123] : memref<2x128xi32, #tpu.memory_space<vmem>> -> memref<1x128xi32, #tpu.memory_space<vmem>>
            %dma_wait3A_125 = tpu.memref_squeeze %dma_wait3A_124 : memref<1x128xi32, #tpu.memory_space<vmem>> -> memref<128xi32, #tpu.memory_space<vmem>>
            %dma_wait3A_126 = tpu.memref_slice %arg3[%add3A_95] : memref<327680xi32, #tpu.memory_space<hbm>> -> memref<128xi32, #tpu.memory_space<hbm>>
            %dma_wait3A_127 = arith.constant 0 : i32
            %dma_wait3A_128 = tpu.memref_slice %arg8[%run_scoped3A_96, %dma_wait3A_127] : memref<2x128xi32, #tpu.memory_space<vmem>> -> memref<1x128xi32, #tpu.memory_space<vmem>>
            %dma_wait3A_129 = tpu.memref_squeeze %dma_wait3A_128 : memref<1x128xi32, #tpu.memory_space<vmem>> -> memref<128xi32, #tpu.memory_space<vmem>>
            %dma_wait3A_130 = tpu.memref_slice %arg3[%add3A_95] : memref<327680xi32, #tpu.memory_space<hbm>> -> memref<128xi32, #tpu.memory_space<hbm>>
            tpu.wait_dma2 semaphore(%run_scoped3A_114 : memref<!tpu.dma_semaphore, #tpu.memory_space<semaphore_mem>>) src(%dma_wait3A_130 : memref<128xi32, #tpu.memory_space<hbm>>) dst(%dma_wait3A_129 : memref<128xi32, #tpu.memory_space<vmem>>)
            tpu.yield
          }) : () -> ()
          %run_scoped3A_97 = arith.constant 0 : i32
          "tpu.region"() ({
            %run_scoped3A_114 = tpu.sem_alloc : memref<!tpu.dma_semaphore, #tpu.memory_space<semaphore_mem>>
            %dma_start3A_115 = arith.constant 0 : i32
            %dma_start3A_116 = tpu.memref_slice %arg9[%run_scoped3A_97, %dma_start3A_115] : memref<2x128xi32, #tpu.memory_space<vmem>> -> memref<1x128xi32, #tpu.memory_space<vmem>>
            %dma_start3A_117 = tpu.memref_squeeze %dma_start3A_116 : memref<1x128xi32, #tpu.memory_space<vmem>> -> memref<128xi32, #tpu.memory_space<vmem>>
            %dma_start3A_118 = tpu.memref_slice %arg4[%add3A_95] : memref<327680xi32, #tpu.memory_space<hbm>> -> memref<128xi32, #tpu.memory_space<hbm>>
            %dma_start3A_119 = arith.constant 0 : i32
            %dma_start3A_120 = tpu.memref_slice %arg9[%run_scoped3A_97, %dma_start3A_119] : memref<2x128xi32, #tpu.memory_space<vmem>> -> memref<1x128xi32, #tpu.memory_space<vmem>>
            %dma_start3A_121 = tpu.memref_squeeze %dma_start3A_120 : memref<1x128xi32, #tpu.memory_space<vmem>> -> memref<128xi32, #tpu.memory_space<vmem>>
            %dma_start3A_122 = tpu.memref_slice %arg4[%add3A_95] : memref<327680xi32, #tpu.memory_space<hbm>> -> memref<128xi32, #tpu.memory_space<hbm>>
            tpu.enqueue_dma source(%dma_start3A_122 : memref<128xi32, #tpu.memory_space<hbm>>) target(%dma_start3A_121 : memref<128xi32, #tpu.memory_space<vmem>>) target_semaphore(%run_scoped3A_114 : memref<!tpu.dma_semaphore, #tpu.memory_space<semaphore_mem>>)
            %dma_wait3A_123 = arith.constant 0 : i32
            %dma_wait3A_124 = tpu.memref_slice %arg9[%run_scoped3A_97, %dma_wait3A_123] : memref<2x128xi32, #tpu.memory_space<vmem>> -> memref<1x128xi32, #tpu.memory_space<vmem>>
            %dma_wait3A_125 = tpu.memref_squeeze %dma_wait3A_124 : memref<1x128xi32, #tpu.memory_space<vmem>> -> memref<128xi32, #tpu.memory_space<vmem>>
            %dma_wait3A_126 = tpu.memref_slice %arg4[%add3A_95] : memref<327680xi32, #tpu.memory_space<hbm>> -> memref<128xi32, #tpu.memory_space<hbm>>
            %dma_wait3A_127 = arith.constant 0 : i32
            %dma_wait3A_128 = tpu.memref_slice %arg9[%run_scoped3A_97, %dma_wait3A_127] : memref<2x128xi32, #tpu.memory_space<vmem>> -> memref<1x128xi32, #tpu.memory_space<vmem>>
            %dma_wait3A_129 = tpu.memref_squeeze %dma_wait3A_128 : memref<1x128xi32, #tpu.memory_space<vmem>> -> memref<128xi32, #tpu.memory_space<vmem>>
            %dma_wait3A_130 = tpu.memref_slice %arg4[%add3A_95] : memref<327680xi32, #tpu.memory_space<hbm>> -> memref<128xi32, #tpu.memory_space<hbm>>
            tpu.wait_dma2 semaphore(%run_scoped3A_114 : memref<!tpu.dma_semaphore, #tpu.memory_space<semaphore_mem>>) src(%dma_wait3A_130 : memref<128xi32, #tpu.memory_space<hbm>>) dst(%dma_wait3A_129 : memref<128xi32, #tpu.memory_space<vmem>>)
            tpu.yield
          }) : () -> ()
          %dma_start3A_98 = arith.constant 0 : i32
          %dma_start3A_99 = arith.constant 0 : i32
          %dma_start3A_100 = arith.constant 0 : i32
          %dma_start3A_101 = arith.constant 0 : i32
          %dma_start3A_102 = tpu.memref_slice %arg10[%dma_start3A_99, %dma_start3A_100, %dma_start3A_101] : memref<2x128x128xf32, #tpu.memory_space<vmem>> -> memref<1x128x128xf32, #tpu.memory_space<vmem>>
          %dma_start3A_103 = tpu.memref_squeeze %dma_start3A_102 : memref<1x128x128xf32, #tpu.memory_space<vmem>> -> memref<128x128xf32, #tpu.memory_space<vmem>>
          %dma_start3A_104 = arith.constant 0 : i32
          %dma_start3A_105 = tpu.memref_slice %arg8[%dma_start3A_98, %dma_start3A_104] : memref<2x128xi32, #tpu.memory_space<vmem>> -> memref<1x128xi32, #tpu.memory_space<vmem>>
          %dma_start3A_106 = tpu.memref_squeeze %dma_start3A_105 : memref<1x128xi32, #tpu.memory_space<vmem>> -> memref<128xi32, #tpu.memory_space<vmem>>
          %dma_start3A_107 = arith.constant 0 : i32
          %dma_start3A_108 = arith.constant 0 : i32
          %dma_start3A_109 = tpu.memref_slice %arg2[%scan3A, %dma_start3A_107, %dma_start3A_108] : memref<2x10000x128xf32, #tpu.memory_space<hbm>> -> memref<1x10000x128xf32, #tpu.memory_space<hbm>>
          %dma_start3A_110 = tpu.memref_squeeze %dma_start3A_109 : memref<1x10000x128xf32, #tpu.memory_space<hbm>> -> memref<10000x128xf32, #tpu.memory_space<hbm>>
          %dma_start3A_111 = arith.constant 0 : i32
          %dma_start3A_112 = arith.constant 0 : i32
          %dma_start3A_113 = tpu.memref_slice %dma_start3A_110[%dma_start3A_111, %dma_start3A_112] : memref<10000x128xf32, #tpu.memory_space<hbm>> -> memref<10000x128xf32, #tpu.memory_space<hbm>>
          tpu.enqueue_indirect_dma source(%dma_start3A_113 : memref<10000x128xf32, #tpu.memory_space<hbm>>) target(%dma_start3A_103 : memref<128x128xf32, #tpu.memory_space<vmem>>) offsets(%dma_start3A_106 : memref<128xi32, #tpu.memory_space<vmem>>) semaphore(%arg11 : memref<!tpu.dma_semaphore, #tpu.memory_space<semaphore_mem>>)
        } else {
        }
        %run_scoped3A_89 = arith.constant 1 : i32
        %run_scoped3A_90 = arith.constant 1 : i32
        "tpu.region"() ({
          %run_scoped3A_91 = tpu.sem_alloc : memref<!tpu.dma_semaphore, #tpu.memory_space<semaphore_mem>>
          %dma_start3A_92 = arith.constant 0 : i32
          %dma_start3A_93 = arith.constant 0 : i32
          %dma_start3A_94 = tpu.memref_slice %arg10[%run_scoped3A_89, %dma_start3A_92, %dma_start3A_93] : memref<2x128x128xf32, #tpu.memory_space<vmem>> -> memref<1x128x128xf32, #tpu.memory_space<vmem>>
          %dma_start3A_95 = tpu.memref_squeeze %dma_start3A_94 : memref<1x128x128xf32, #tpu.memory_space<vmem>> -> memref<128x128xf32, #tpu.memory_space<vmem>>
          %dma_start3A_96 = arith.constant 0 : i32
          %dma_start3A_97 = tpu.memref_slice %arg9[%run_scoped3A_90, %dma_start3A_96] : memref<2x128xi32, #tpu.memory_space<vmem>> -> memref<1x128xi32, #tpu.memory_space<vmem>>
          %dma_start3A_98 = tpu.memref_squeeze %dma_start3A_97 : memref<1x128xi32, #tpu.memory_space<vmem>> -> memref<128xi32, #tpu.memory_space<vmem>>
          %dma_start3A_99 = arith.constant 0 : i32
          %dma_start3A_100 = arith.constant 0 : i32
          %dma_start3A_101 = tpu.memref_slice %arg7[%dma_start3A_99, %dma_start3A_100] : memref<10240x128xf32, #tpu.memory_space<vmem_shared>> -> memref<10240x128xf32, #tpu.memory_space<vmem_shared>>
          tpu.enqueue_indirect_dma source(%dma_start3A_95 : memref<128x128xf32, #tpu.memory_space<vmem>>) target(%dma_start3A_101 : memref<10240x128xf32, #tpu.memory_space<vmem_shared>>) offsets(%dma_start3A_98 : memref<128xi32, #tpu.memory_space<vmem>>) semaphore(%run_scoped3A_91 : memref<!tpu.dma_semaphore, #tpu.memory_space<semaphore_mem>>) {add = true}
          %dma_wait3A_102 = arith.constant 0 : i32
          %dma_wait3A_103 = arith.constant 0 : i32
          %dma_wait3A_104 = tpu.memref_slice %arg10[%run_scoped3A_89, %dma_wait3A_102, %dma_wait3A_103] : memref<2x128x128xf32, #tpu.memory_space<vmem>> -> memref<1x128x128xf32, #tpu.memory_space<vmem>>
          %dma_wait3A_105 = tpu.memref_squeeze %dma_wait3A_104 : memref<1x128x128xf32, #tpu.memory_space<vmem>> -> memref<128x128xf32, #tpu.memory_space<vmem>>
          %dma_wait3A_106 = arith.constant 0 : i32
          %dma_wait3A_107 = tpu.memref_slice %arg9[%run_scoped3A_90, %dma_wait3A_106] : memref<2x128xi32, #tpu.memory_space<vmem>> -> memref<1x128xi32, #tpu.memory_space<vmem>>
          %dma_wait3A_108 = tpu.memref_squeeze %dma_wait3A_107 : memref<1x128xi32, #tpu.memory_space<vmem>> -> memref<128xi32, #tpu.memory_space<vmem>>
          %dma_wait3A_109 = arith.constant 0 : i32
          %dma_wait3A_110 = arith.constant 0 : i32
          %dma_wait3A_111 = tpu.memref_slice %arg7[%dma_wait3A_109, %dma_wait3A_110] : memref<10240x128xf32, #tpu.memory_space<vmem_shared>> -> memref<10240x128xf32, #tpu.memory_space<vmem_shared>>
          tpu.wait_indirect_dma semaphore(%run_scoped3A_91 : memref<!tpu.dma_semaphore, #tpu.memory_space<semaphore_mem>>) src(%dma_wait3A_105 : memref<128x128xf32, #tpu.memory_space<vmem>>) dst(%dma_wait3A_111 : memref<10240x128xf32, #tpu.memory_space<vmem_shared>>)
          tpu.yield
        }) : () -> ()
      }
      %scan3A_33 = arith.constant 80 : i32
    } else {
    }
    %eq3A_3 = arith.constant 1 : i32
    %eq3A_4 = arith.cmpi eq, %arg0, %eq3A_3 : i32
    %convert_element_type3A_5 = arith.extui %eq3A_4 : i1 to i32
    %cond3A_6 = arith.constant 0 : i32
    %cond3A_7 = arith.cmpi ne, %convert_element_type3A_5, %cond3A_6 : i32
    scf.if %cond3A_7 {
      %mul3A_9 = arith.constant 20480 : i32
      %mul3A_10 = arith.muli %arg1, %mul3A_9 : i32
      %add3A = arith.constant 0 : i32
      %add3A_11 = arith.addi %mul3A_10, %add3A : i32
      %run_scoped3A = arith.constant 0 : i32
      "tpu.region"() ({
        %run_scoped3A_34 = tpu.sem_alloc : memref<!tpu.dma_semaphore, #tpu.memory_space<semaphore_mem>>
        %dma_start3A_35 = arith.constant 0 : i32
        %dma_start3A_36 = tpu.memref_slice %arg8[%run_scoped3A, %dma_start3A_35] : memref<2x128xi32, #tpu.memory_space<vmem>> -> memref<1x128xi32, #tpu.memory_space<vmem>>
        %dma_start3A_37 = tpu.memref_squeeze %dma_start3A_36 : memref<1x128xi32, #tpu.memory_space<vmem>> -> memref<128xi32, #tpu.memory_space<vmem>>
        %dma_start3A_38 = tpu.memref_slice %arg3[%add3A_11] : memref<327680xi32, #tpu.memory_space<hbm>> -> memref<128xi32, #tpu.memory_space<hbm>>
        %dma_start3A_39 = arith.constant 0 : i32
        %dma_start3A_40 = tpu.memref_slice %arg8[%run_scoped3A, %dma_start3A_39] : memref<2x128xi32, #tpu.memory_space<vmem>> -> memref<1x128xi32, #tpu.memory_space<vmem>>
        %dma_start3A_41 = tpu.memref_squeeze %dma_start3A_40 : memref<1x128xi32, #tpu.memory_space<vmem>> -> memref<128xi32, #tpu.memory_space<vmem>>
        %dma_start3A_42 = tpu.memref_slice %arg3[%add3A_11] : memref<327680xi32, #tpu.memory_space<hbm>> -> memref<128xi32, #tpu.memory_space<hbm>>
        tpu.enqueue_dma source(%dma_start3A_42 : memref<128xi32, #tpu.memory_space<hbm>>) target(%dma_start3A_41 : memref<128xi32, #tpu.memory_space<vmem>>) target_semaphore(%run_scoped3A_34 : memref<!tpu.dma_semaphore, #tpu.memory_space<semaphore_mem>>)
        %dma_wait3A = arith.constant 0 : i32
        %dma_wait3A_43 = tpu.memref_slice %arg8[%run_scoped3A, %dma_wait3A] : memref<2x128xi32, #tpu.memory_space<vmem>> -> memref<1x128xi32, #tpu.memory_space<vmem>>
        %dma_wait3A_44 = tpu.memref_squeeze %dma_wait3A_43 : memref<1x128xi32, #tpu.memory_space<vmem>> -> memref<128xi32, #tpu.memory_space<vmem>>
        %dma_wait3A_45 = tpu.memref_slice %arg3[%add3A_11] : memref<327680xi32, #tpu.memory_space<hbm>> -> memref<128xi32, #tpu.memory_space<hbm>>
        %dma_wait3A_46 = arith.constant 0 : i32
        %dma_wait3A_47 = tpu.memref_slice %arg8[%run_scoped3A, %dma_wait3A_46] : memref<2x128xi32, #tpu.memory_space<vmem>> -> memref<1x128xi32, #tpu.memory_space<vmem>>
        %dma_wait3A_48 = tpu.memref_squeeze %dma_wait3A_47 : memref<1x128xi32, #tpu.memory_space<vmem>> -> memref<128xi32, #tpu.memory_space<vmem>>
        %dma_wait3A_49 = tpu.memref_slice %arg3[%add3A_11] : memref<327680xi32, #tpu.memory_space<hbm>> -> memref<128xi32, #tpu.memory_space<hbm>>
        tpu.wait_dma2 semaphore(%run_scoped3A_34 : memref<!tpu.dma_semaphore, #tpu.memory_space<semaphore_mem>>) src(%dma_wait3A_49 : memref<128xi32, #tpu.memory_space<hbm>>) dst(%dma_wait3A_48 : memref<128xi32, #tpu.memory_space<vmem>>)
        tpu.yield
      }) : () -> ()
      %run_scoped3A_12 = arith.constant 0 : i32
      "tpu.region"() ({
        %run_scoped3A_34 = tpu.sem_alloc : memref<!tpu.dma_semaphore, #tpu.memory_space<semaphore_mem>>
        %dma_start3A_35 = arith.constant 0 : i32
        %dma_start3A_36 = tpu.memref_slice %arg9[%run_scoped3A_12, %dma_start3A_35] : memref<2x128xi32, #tpu.memory_space<vmem>> -> memref<1x128xi32, #tpu.memory_space<vmem>>
        %dma_start3A_37 = tpu.memref_squeeze %dma_start3A_36 : memref<1x128xi32, #tpu.memory_space<vmem>> -> memref<128xi32, #tpu.memory_space<vmem>>
        %dma_start3A_38 = tpu.memref_slice %arg4[%add3A_11] : memref<327680xi32, #tpu.memory_space<hbm>> -> memref<128xi32, #tpu.memory_space<hbm>>
        %dma_start3A_39 = arith.constant 0 : i32
        %dma_start3A_40 = tpu.memref_slice %arg9[%run_scoped3A_12, %dma_start3A_39] : memref<2x128xi32, #tpu.memory_space<vmem>> -> memref<1x128xi32, #tpu.memory_space<vmem>>
        %dma_start3A_41 = tpu.memref_squeeze %dma_start3A_40 : memref<1x128xi32, #tpu.memory_space<vmem>> -> memref<128xi32, #tpu.memory_space<vmem>>
        %dma_start3A_42 = tpu.memref_slice %arg4[%add3A_11] : memref<327680xi32, #tpu.memory_space<hbm>> -> memref<128xi32, #tpu.memory_space<hbm>>
        tpu.enqueue_dma source(%dma_start3A_42 : memref<128xi32, #tpu.memory_space<hbm>>) target(%dma_start3A_41 : memref<128xi32, #tpu.memory_space<vmem>>) target_semaphore(%run_scoped3A_34 : memref<!tpu.dma_semaphore, #tpu.memory_space<semaphore_mem>>)
        %dma_wait3A = arith.constant 0 : i32
        %dma_wait3A_43 = tpu.memref_slice %arg9[%run_scoped3A_12, %dma_wait3A] : memref<2x128xi32, #tpu.memory_space<vmem>> -> memref<1x128xi32, #tpu.memory_space<vmem>>
        %dma_wait3A_44 = tpu.memref_squeeze %dma_wait3A_43 : memref<1x128xi32, #tpu.memory_space<vmem>> -> memref<128xi32, #tpu.memory_space<vmem>>
        %dma_wait3A_45 = tpu.memref_slice %arg4[%add3A_11] : memref<327680xi32, #tpu.memory_space<hbm>> -> memref<128xi32, #tpu.memory_space<hbm>>
        %dma_wait3A_46 = arith.constant 0 : i32
        %dma_wait3A_47 = tpu.memref_slice %arg9[%run_scoped3A_12, %dma_wait3A_46] : memref<2x128xi32, #tpu.memory_space<vmem>> -> memref<1x128xi32, #tpu.memory_space<vmem>>
        %dma_wait3A_48 = tpu.memref_squeeze %dma_wait3A_47 : memref<1x128xi32, #tpu.memory_space<vmem>> -> memref<128xi32, #tpu.memory_space<vmem>>
        %dma_wait3A_49 = tpu.memref_slice %arg4[%add3A_11] : memref<327680xi32, #tpu.memory_space<hbm>> -> memref<128xi32, #tpu.memory_space<hbm>>
        tpu.wait_dma2 semaphore(%run_scoped3A_34 : memref<!tpu.dma_semaphore, #tpu.memory_space<semaphore_mem>>) src(%dma_wait3A_49 : memref<128xi32, #tpu.memory_space<hbm>>) dst(%dma_wait3A_48 : memref<128xi32, #tpu.memory_space<vmem>>)
        tpu.yield
      }) : () -> ()
      %dma_start3A = arith.constant 1 : i32
      %dma_start3A_13 = arith.constant 0 : i32
      %dma_start3A_14 = arith.constant 0 : i32
      %dma_start3A_15 = arith.constant 0 : i32
      %dma_start3A_16 = arith.constant 0 : i32
      %dma_start3A_17 = tpu.memref_slice %arg10[%dma_start3A_14, %dma_start3A_15, %dma_start3A_16] : memref<2x128x128xf32, #tpu.memory_space<vmem>> -> memref<1x128x128xf32, #tpu.memory_space<vmem>>
      %dma_start3A_18 = tpu.memref_squeeze %dma_start3A_17 : memref<1x128x128xf32, #tpu.memory_space<vmem>> -> memref<128x128xf32, #tpu.memory_space<vmem>>
      %dma_start3A_19 = arith.constant 0 : i32
      %dma_start3A_20 = tpu.memref_slice %arg8[%dma_start3A_13, %dma_start3A_19] : memref<2x128xi32, #tpu.memory_space<vmem>> -> memref<1x128xi32, #tpu.memory_space<vmem>>
      %dma_start3A_21 = tpu.memref_squeeze %dma_start3A_20 : memref<1x128xi32, #tpu.memory_space<vmem>> -> memref<128xi32, #tpu.memory_space<vmem>>
      %dma_start3A_22 = arith.constant 0 : i32
      %dma_start3A_23 = arith.constant 0 : i32
      %dma_start3A_24 = tpu.memref_slice %arg2[%dma_start3A, %dma_start3A_22, %dma_start3A_23] : memref<2x10000x128xf32, #tpu.memory_space<hbm>> -> memref<1x10000x128xf32, #tpu.memory_space<hbm>>
      %dma_start3A_25 = tpu.memref_squeeze %dma_start3A_24 : memref<1x10000x128xf32, #tpu.memory_space<hbm>> -> memref<10000x128xf32, #tpu.memory_space<hbm>>
      %dma_start3A_26 = arith.constant 0 : i32
      %dma_start3A_27 = arith.constant 0 : i32
      %dma_start3A_28 = tpu.memref_slice %dma_start3A_25[%dma_start3A_26, %dma_start3A_27] : memref<10000x128xf32, #tpu.memory_space<hbm>> -> memref<10000x128xf32, #tpu.memory_space<hbm>>
      tpu.enqueue_indirect_dma source(%dma_start3A_28 : memref<10000x128xf32, #tpu.memory_space<hbm>>) target(%dma_start3A_18 : memref<128x128xf32, #tpu.memory_space<vmem>>) offsets(%dma_start3A_21 : memref<128xi32, #tpu.memory_space<vmem>>) semaphore(%arg11 : memref<!tpu.dma_semaphore, #tpu.memory_space<semaphore_mem>>)
      %scan3A = arith.constant 1 : i32
      %scan3A_29 = arith.constant 0 : i32
      %scan3A_30 = arith.constant 80 : i32
      %scan3A_31 = arith.addi %scan3A_29, %scan3A_30 : i32
      %scan3A_32 = arith.constant 1 : i32
      scf.for %scan3A_34 = %scan3A_29 to %scan3A_31 step %scan3A_32  : i32 {
        %mul3A_35 = arith.constant 2 : i32
        %mul3A_36 = arith.muli %scan3A_34, %mul3A_35 : i32
        %add3A_37 = arith.constant 0 : i32
        %add3A_38 = arith.addi %mul3A_36, %add3A_37 : i32
        %dma_wait3A = arith.constant 0 : i32
        %dma_wait3A_39 = arith.constant 0 : i32
        %dma_wait3A_40 = arith.constant 0 : i32
        %dma_wait3A_41 = arith.constant 0 : i32
        %dma_wait3A_42 = tpu.memref_slice %arg10[%dma_wait3A_39, %dma_wait3A_40, %dma_wait3A_41] : memref<2x128x128xf32, #tpu.memory_space<vmem>> -> memref<1x128x128xf32, #tpu.memory_space<vmem>>
        %dma_wait3A_43 = tpu.memref_squeeze %dma_wait3A_42 : memref<1x128x128xf32, #tpu.memory_space<vmem>> -> memref<128x128xf32, #tpu.memory_space<vmem>>
        %dma_wait3A_44 = arith.constant 0 : i32
        %dma_wait3A_45 = tpu.memref_slice %arg8[%dma_wait3A, %dma_wait3A_44] : memref<2x128xi32, #tpu.memory_space<vmem>> -> memref<1x128xi32, #tpu.memory_space<vmem>>
        %dma_wait3A_46 = tpu.memref_squeeze %dma_wait3A_45 : memref<1x128xi32, #tpu.memory_space<vmem>> -> memref<128xi32, #tpu.memory_space<vmem>>
        %dma_wait3A_47 = arith.constant 0 : i32
        %dma_wait3A_48 = arith.constant 0 : i32
        %dma_wait3A_49 = tpu.memref_slice %arg2[%scan3A, %dma_wait3A_47, %dma_wait3A_48] : memref<2x10000x128xf32, #tpu.memory_space<hbm>> -> memref<1x10000x128xf32, #tpu.memory_space<hbm>>
        %dma_wait3A_50 = tpu.memref_squeeze %dma_wait3A_49 : memref<1x10000x128xf32, #tpu.memory_space<hbm>> -> memref<10000x128xf32, #tpu.memory_space<hbm>>
        %dma_wait3A_51 = arith.constant 0 : i32
        %dma_wait3A_52 = arith.constant 0 : i32
        %dma_wait3A_53 = tpu.memref_slice %dma_wait3A_50[%dma_wait3A_51, %dma_wait3A_52] : memref<10000x128xf32, #tpu.memory_space<hbm>> -> memref<10000x128xf32, #tpu.memory_space<hbm>>
        tpu.wait_indirect_dma semaphore(%arg11 : memref<!tpu.dma_semaphore, #tpu.memory_space<semaphore_mem>>) src(%dma_wait3A_53 : memref<10000x128xf32, #tpu.memory_space<hbm>>) dst(%dma_wait3A_43 : memref<128x128xf32, #tpu.memory_space<vmem>>)
        %add3A_54 = arith.constant 1 : i32
        %add3A_55 = arith.addi %add3A_38, %add3A_54 : i32
        %lt3A = arith.constant 160 : i32
        %lt3A_56 = arith.cmpi slt, %add3A_55, %lt3A : i32
        %convert_element_type3A_57 = arith.extui %lt3A_56 : i1 to i32
        %cond3A_58 = arith.constant 0 : i32
        %cond3A_59 = arith.cmpi ne, %convert_element_type3A_57, %cond3A_58 : i32
        scf.if %cond3A_59 {
          %mul3A_91 = arith.constant 20480 : i32
          %mul3A_92 = arith.muli %arg1, %mul3A_91 : i32
          %mul3A_93 = arith.constant 128 : i32
          %mul3A_94 = arith.muli %add3A_55, %mul3A_93 : i32
          %add3A_95 = arith.addi %mul3A_92, %mul3A_94 : i32
          %run_scoped3A_96 = arith.constant 1 : i32
          "tpu.region"() ({
            %run_scoped3A_114 = tpu.sem_alloc : memref<!tpu.dma_semaphore, #tpu.memory_space<semaphore_mem>>
            %dma_start3A_115 = arith.constant 0 : i32
            %dma_start3A_116 = tpu.memref_slice %arg8[%run_scoped3A_96, %dma_start3A_115] : memref<2x128xi32, #tpu.memory_space<vmem>> -> memref<1x128xi32, #tpu.memory_space<vmem>>
            %dma_start3A_117 = tpu.memref_squeeze %dma_start3A_116 : memref<1x128xi32, #tpu.memory_space<vmem>> -> memref<128xi32, #tpu.memory_space<vmem>>
            %dma_start3A_118 = tpu.memref_slice %arg3[%add3A_95] : memref<327680xi32, #tpu.memory_space<hbm>> -> memref<128xi32, #tpu.memory_space<hbm>>
            %dma_start3A_119 = arith.constant 0 : i32
            %dma_start3A_120 = tpu.memref_slice %arg8[%run_scoped3A_96, %dma_start3A_119] : memref<2x128xi32, #tpu.memory_space<vmem>> -> memref<1x128xi32, #tpu.memory_space<vmem>>
            %dma_start3A_121 = tpu.memref_squeeze %dma_start3A_120 : memref<1x128xi32, #tpu.memory_space<vmem>> -> memref<128xi32, #tpu.memory_space<vmem>>
            %dma_start3A_122 = tpu.memref_slice %arg3[%add3A_95] : memref<327680xi32, #tpu.memory_space<hbm>> -> memref<128xi32, #tpu.memory_space<hbm>>
            tpu.enqueue_dma source(%dma_start3A_122 : memref<128xi32, #tpu.memory_space<hbm>>) target(%dma_start3A_121 : memref<128xi32, #tpu.memory_space<vmem>>) target_semaphore(%run_scoped3A_114 : memref<!tpu.dma_semaphore, #tpu.memory_space<semaphore_mem>>)
            %dma_wait3A_123 = arith.constant 0 : i32
            %dma_wait3A_124 = tpu.memref_slice %arg8[%run_scoped3A_96, %dma_wait3A_123] : memref<2x128xi32, #tpu.memory_space<vmem>> -> memref<1x128xi32, #tpu.memory_space<vmem>>
            %dma_wait3A_125 = tpu.memref_squeeze %dma_wait3A_124 : memref<1x128xi32, #tpu.memory_space<vmem>> -> memref<128xi32, #tpu.memory_space<vmem>>
            %dma_wait3A_126 = tpu.memref_slice %arg3[%add3A_95] : memref<327680xi32, #tpu.memory_space<hbm>> -> memref<128xi32, #tpu.memory_space<hbm>>
            %dma_wait3A_127 = arith.constant 0 : i32
            %dma_wait3A_128 = tpu.memref_slice %arg8[%run_scoped3A_96, %dma_wait3A_127] : memref<2x128xi32, #tpu.memory_space<vmem>> -> memref<1x128xi32, #tpu.memory_space<vmem>>
            %dma_wait3A_129 = tpu.memref_squeeze %dma_wait3A_128 : memref<1x128xi32, #tpu.memory_space<vmem>> -> memref<128xi32, #tpu.memory_space<vmem>>
            %dma_wait3A_130 = tpu.memref_slice %arg3[%add3A_95] : memref<327680xi32, #tpu.memory_space<hbm>> -> memref<128xi32, #tpu.memory_space<hbm>>
            tpu.wait_dma2 semaphore(%run_scoped3A_114 : memref<!tpu.dma_semaphore, #tpu.memory_space<semaphore_mem>>) src(%dma_wait3A_130 : memref<128xi32, #tpu.memory_space<hbm>>) dst(%dma_wait3A_129 : memref<128xi32, #tpu.memory_space<vmem>>)
            tpu.yield
          }) : () -> ()
          %run_scoped3A_97 = arith.constant 1 : i32
          "tpu.region"() ({
            %run_scoped3A_114 = tpu.sem_alloc : memref<!tpu.dma_semaphore, #tpu.memory_space<semaphore_mem>>
            %dma_start3A_115 = arith.constant 0 : i32
            %dma_start3A_116 = tpu.memref_slice %arg9[%run_scoped3A_97, %dma_start3A_115] : memref<2x128xi32, #tpu.memory_space<vmem>> -> memref<1x128xi32, #tpu.memory_space<vmem>>
            %dma_start3A_117 = tpu.memref_squeeze %dma_start3A_116 : memref<1x128xi32, #tpu.memory_space<vmem>> -> memref<128xi32, #tpu.memory_space<vmem>>
            %dma_start3A_118 = tpu.memref_slice %arg4[%add3A_95] : memref<327680xi32, #tpu.memory_space<hbm>> -> memref<128xi32, #tpu.memory_space<hbm>>
            %dma_start3A_119 = arith.constant 0 : i32
            %dma_start3A_120 = tpu.memref_slice %arg9[%run_scoped3A_97, %dma_start3A_119] : memref<2x128xi32, #tpu.memory_space<vmem>> -> memref<1x128xi32, #tpu.memory_space<vmem>>
            %dma_start3A_121 = tpu.memref_squeeze %dma_start3A_120 : memref<1x128xi32, #tpu.memory_space<vmem>> -> memref<128xi32, #tpu.memory_space<vmem>>
            %dma_start3A_122 = tpu.memref_slice %arg4[%add3A_95] : memref<327680xi32, #tpu.memory_space<hbm>> -> memref<128xi32, #tpu.memory_space<hbm>>
            tpu.enqueue_dma source(%dma_start3A_122 : memref<128xi32, #tpu.memory_space<hbm>>) target(%dma_start3A_121 : memref<128xi32, #tpu.memory_space<vmem>>) target_semaphore(%run_scoped3A_114 : memref<!tpu.dma_semaphore, #tpu.memory_space<semaphore_mem>>)
            %dma_wait3A_123 = arith.constant 0 : i32
            %dma_wait3A_124 = tpu.memref_slice %arg9[%run_scoped3A_97, %dma_wait3A_123] : memref<2x128xi32, #tpu.memory_space<vmem>> -> memref<1x128xi32, #tpu.memory_space<vmem>>
            %dma_wait3A_125 = tpu.memref_squeeze %dma_wait3A_124 : memref<1x128xi32, #tpu.memory_space<vmem>> -> memref<128xi32, #tpu.memory_space<vmem>>
            %dma_wait3A_126 = tpu.memref_slice %arg4[%add3A_95] : memref<327680xi32, #tpu.memory_space<hbm>> -> memref<128xi32, #tpu.memory_space<hbm>>
            %dma_wait3A_127 = arith.constant 0 : i32
            %dma_wait3A_128 = tpu.memref_slice %arg9[%run_scoped3A_97, %dma_wait3A_127] : memref<2x128xi32, #tpu.memory_space<vmem>> -> memref<1x128xi32, #tpu.memory_space<vmem>>
            %dma_wait3A_129 = tpu.memref_squeeze %dma_wait3A_128 : memref<1x128xi32, #tpu.memory_space<vmem>> -> memref<128xi32, #tpu.memory_space<vmem>>
            %dma_wait3A_130 = tpu.memref_slice %arg4[%add3A_95] : memref<327680xi32, #tpu.memory_space<hbm>> -> memref<128xi32, #tpu.memory_space<hbm>>
            tpu.wait_dma2 semaphore(%run_scoped3A_114 : memref<!tpu.dma_semaphore, #tpu.memory_space<semaphore_mem>>) src(%dma_wait3A_130 : memref<128xi32, #tpu.memory_space<hbm>>) dst(%dma_wait3A_129 : memref<128xi32, #tpu.memory_space<vmem>>)
            tpu.yield
          }) : () -> ()
          %dma_start3A_98 = arith.constant 1 : i32
          %dma_start3A_99 = arith.constant 1 : i32
          %dma_start3A_100 = arith.constant 0 : i32
          %dma_start3A_101 = arith.constant 0 : i32
          %dma_start3A_102 = tpu.memref_slice %arg10[%dma_start3A_99, %dma_start3A_100, %dma_start3A_101] : memref<2x128x128xf32, #tpu.memory_space<vmem>> -> memref<1x128x128xf32, #tpu.memory_space<vmem>>
          %dma_start3A_103 = tpu.memref_squeeze %dma_start3A_102 : memref<1x128x128xf32, #tpu.memory_space<vmem>> -> memref<128x128xf32, #tpu.memory_space<vmem>>
          %dma_start3A_104 = arith.constant 0 : i32
          %dma_start3A_105 = tpu.memref_slice %arg8[%dma_start3A_98, %dma_start3A_104] : memref<2x128xi32, #tpu.memory_space<vmem>> -> memref<1x128xi32, #tpu.memory_space<vmem>>
          %dma_start3A_106 = tpu.memref_squeeze %dma_start3A_105 : memref<1x128xi32, #tpu.memory_space<vmem>> -> memref<128xi32, #tpu.memory_space<vmem>>
          %dma_start3A_107 = arith.constant 0 : i32
          %dma_start3A_108 = arith.constant 0 : i32
          %dma_start3A_109 = tpu.memref_slice %arg2[%scan3A, %dma_start3A_107, %dma_start3A_108] : memref<2x10000x128xf32, #tpu.memory_space<hbm>> -> memref<1x10000x128xf32, #tpu.memory_space<hbm>>
          %dma_start3A_110 = tpu.memref_squeeze %dma_start3A_109 : memref<1x10000x128xf32, #tpu.memory_space<hbm>> -> memref<10000x128xf32, #tpu.memory_space<hbm>>
          %dma_start3A_111 = arith.constant 0 : i32
          %dma_start3A_112 = arith.constant 0 : i32
          %dma_start3A_113 = tpu.memref_slice %dma_start3A_110[%dma_start3A_111, %dma_start3A_112] : memref<10000x128xf32, #tpu.memory_space<hbm>> -> memref<10000x128xf32, #tpu.memory_space<hbm>>
          tpu.enqueue_indirect_dma source(%dma_start3A_113 : memref<10000x128xf32, #tpu.memory_space<hbm>>) target(%dma_start3A_103 : memref<128x128xf32, #tpu.memory_space<vmem>>) offsets(%dma_start3A_106 : memref<128xi32, #tpu.memory_space<vmem>>) semaphore(%arg12 : memref<!tpu.dma_semaphore, #tpu.memory_space<semaphore_mem>>)
        } else {
        }
        %run_scoped3A_60 = arith.constant 0 : i32
        %run_scoped3A_61 = arith.constant 0 : i32
        "tpu.region"() ({
          %run_scoped3A_91 = tpu.sem_alloc : memref<!tpu.dma_semaphore, #tpu.memory_space<semaphore_mem>>
          %dma_start3A_92 = arith.constant 0 : i32
          %dma_start3A_93 = arith.constant 0 : i32
          %dma_start3A_94 = tpu.memref_slice %arg10[%run_scoped3A_60, %dma_start3A_92, %dma_start3A_93] : memref<2x128x128xf32, #tpu.memory_space<vmem>> -> memref<1x128x128xf32, #tpu.memory_space<vmem>>
          %dma_start3A_95 = tpu.memref_squeeze %dma_start3A_94 : memref<1x128x128xf32, #tpu.memory_space<vmem>> -> memref<128x128xf32, #tpu.memory_space<vmem>>
          %dma_start3A_96 = arith.constant 0 : i32
          %dma_start3A_97 = tpu.memref_slice %arg9[%run_scoped3A_61, %dma_start3A_96] : memref<2x128xi32, #tpu.memory_space<vmem>> -> memref<1x128xi32, #tpu.memory_space<vmem>>
          %dma_start3A_98 = tpu.memref_squeeze %dma_start3A_97 : memref<1x128xi32, #tpu.memory_space<vmem>> -> memref<128xi32, #tpu.memory_space<vmem>>
          %dma_start3A_99 = arith.constant 0 : i32
          %dma_start3A_100 = arith.constant 0 : i32
          %dma_start3A_101 = tpu.memref_slice %arg7[%dma_start3A_99, %dma_start3A_100] : memref<10240x128xf32, #tpu.memory_space<vmem_shared>> -> memref<10240x128xf32, #tpu.memory_space<vmem_shared>>
          tpu.enqueue_indirect_dma source(%dma_start3A_95 : memref<128x128xf32, #tpu.memory_space<vmem>>) target(%dma_start3A_101 : memref<10240x128xf32, #tpu.memory_space<vmem_shared>>) offsets(%dma_start3A_98 : memref<128xi32, #tpu.memory_space<vmem>>) semaphore(%run_scoped3A_91 : memref<!tpu.dma_semaphore, #tpu.memory_space<semaphore_mem>>) {add = true}
          %dma_wait3A_102 = arith.constant 0 : i32
          %dma_wait3A_103 = arith.constant 0 : i32
          %dma_wait3A_104 = tpu.memref_slice %arg10[%run_scoped3A_60, %dma_wait3A_102, %dma_wait3A_103] : memref<2x128x128xf32, #tpu.memory_space<vmem>> -> memref<1x128x128xf32, #tpu.memory_space<vmem>>
          %dma_wait3A_105 = tpu.memref_squeeze %dma_wait3A_104 : memref<1x128x128xf32, #tpu.memory_space<vmem>> -> memref<128x128xf32, #tpu.memory_space<vmem>>
          %dma_wait3A_106 = arith.constant 0 : i32
          %dma_wait3A_107 = tpu.memref_slice %arg9[%run_scoped3A_61, %dma_wait3A_106] : memref<2x128xi32, #tpu.memory_space<vmem>> -> memref<1x128xi32, #tpu.memory_space<vmem>>
          %dma_wait3A_108 = tpu.memref_squeeze %dma_wait3A_107 : memref<1x128xi32, #tpu.memory_space<vmem>> -> memref<128xi32, #tpu.memory_space<vmem>>
          %dma_wait3A_109 = arith.constant 0 : i32
          %dma_wait3A_110 = arith.constant 0 : i32
          %dma_wait3A_111 = tpu.memref_slice %arg7[%dma_wait3A_109, %dma_wait3A_110] : memref<10240x128xf32, #tpu.memory_space<vmem_shared>> -> memref<10240x128xf32, #tpu.memory_space<vmem_shared>>
          tpu.wait_indirect_dma semaphore(%run_scoped3A_91 : memref<!tpu.dma_semaphore, #tpu.memory_space<semaphore_mem>>) src(%dma_wait3A_105 : memref<128x128xf32, #tpu.memory_space<vmem>>) dst(%dma_wait3A_111 : memref<10240x128xf32, #tpu.memory_space<vmem_shared>>)
          tpu.yield
        }) : () -> ()
        %mul3A_62 = arith.constant 2 : i32
        %mul3A_63 = arith.muli %scan3A_34, %mul3A_62 : i32
        %add3A_64 = arith.constant 1 : i32
        %add3A_65 = arith.addi %mul3A_63, %add3A_64 : i32
        %dma_wait3A_66 = arith.constant 1 : i32
        %dma_wait3A_67 = arith.constant 1 : i32
        %dma_wait3A_68 = arith.constant 0 : i32
        %dma_wait3A_69 = arith.constant 0 : i32
        %dma_wait3A_70 = tpu.memref_slice %arg10[%dma_wait3A_67, %dma_wait3A_68, %dma_wait3A_69] : memref<2x128x128xf32, #tpu.memory_space<vmem>> -> memref<1x128x128xf32, #tpu.memory_space<vmem>>
        %dma_wait3A_71 = tpu.memref_squeeze %dma_wait3A_70 : memref<1x128x128xf32, #tpu.memory_space<vmem>> -> memref<128x128xf32, #tpu.memory_space<vmem>>
        %dma_wait3A_72 = arith.constant 0 : i32
        %dma_wait3A_73 = tpu.memref_slice %arg8[%dma_wait3A_66, %dma_wait3A_72] : memref<2x128xi32, #tpu.memory_space<vmem>> -> memref<1x128xi32, #tpu.memory_space<vmem>>
        %dma_wait3A_74 = tpu.memref_squeeze %dma_wait3A_73 : memref<1x128xi32, #tpu.memory_space<vmem>> -> memref<128xi32, #tpu.memory_space<vmem>>
        %dma_wait3A_75 = arith.constant 0 : i32
        %dma_wait3A_76 = arith.constant 0 : i32
        %dma_wait3A_77 = tpu.memref_slice %arg2[%scan3A, %dma_wait3A_75, %dma_wait3A_76] : memref<2x10000x128xf32, #tpu.memory_space<hbm>> -> memref<1x10000x128xf32, #tpu.memory_space<hbm>>
        %dma_wait3A_78 = tpu.memref_squeeze %dma_wait3A_77 : memref<1x10000x128xf32, #tpu.memory_space<hbm>> -> memref<10000x128xf32, #tpu.memory_space<hbm>>
        %dma_wait3A_79 = arith.constant 0 : i32
        %dma_wait3A_80 = arith.constant 0 : i32
        %dma_wait3A_81 = tpu.memref_slice %dma_wait3A_78[%dma_wait3A_79, %dma_wait3A_80] : memref<10000x128xf32, #tpu.memory_space<hbm>> -> memref<10000x128xf32, #tpu.memory_space<hbm>>
        tpu.wait_indirect_dma semaphore(%arg12 : memref<!tpu.dma_semaphore, #tpu.memory_space<semaphore_mem>>) src(%dma_wait3A_81 : memref<10000x128xf32, #tpu.memory_space<hbm>>) dst(%dma_wait3A_71 : memref<128x128xf32, #tpu.memory_space<vmem>>)
        %add3A_82 = arith.constant 1 : i32
        %add3A_83 = arith.addi %add3A_65, %add3A_82 : i32
        %lt3A_84 = arith.constant 160 : i32
        %lt3A_85 = arith.cmpi slt, %add3A_83, %lt3A_84 : i32
        %convert_element_type3A_86 = arith.extui %lt3A_85 : i1 to i32
        %cond3A_87 = arith.constant 0 : i32
        %cond3A_88 = arith.cmpi ne, %convert_element_type3A_86, %cond3A_87 : i32
        scf.if %cond3A_88 {
          %mul3A_91 = arith.constant 20480 : i32
          %mul3A_92 = arith.muli %arg1, %mul3A_91 : i32
          %mul3A_93 = arith.constant 128 : i32
          %mul3A_94 = arith.muli %add3A_83, %mul3A_93 : i32
          %add3A_95 = arith.addi %mul3A_92, %mul3A_94 : i32
          %run_scoped3A_96 = arith.constant 0 : i32
          "tpu.region"() ({
            %run_scoped3A_114 = tpu.sem_alloc : memref<!tpu.dma_semaphore, #tpu.memory_space<semaphore_mem>>
            %dma_start3A_115 = arith.constant 0 : i32
            %dma_start3A_116 = tpu.memref_slice %arg8[%run_scoped3A_96, %dma_start3A_115] : memref<2x128xi32, #tpu.memory_space<vmem>> -> memref<1x128xi32, #tpu.memory_space<vmem>>
            %dma_start3A_117 = tpu.memref_squeeze %dma_start3A_116 : memref<1x128xi32, #tpu.memory_space<vmem>> -> memref<128xi32, #tpu.memory_space<vmem>>
            %dma_start3A_118 = tpu.memref_slice %arg3[%add3A_95] : memref<327680xi32, #tpu.memory_space<hbm>> -> memref<128xi32, #tpu.memory_space<hbm>>
            %dma_start3A_119 = arith.constant 0 : i32
            %dma_start3A_120 = tpu.memref_slice %arg8[%run_scoped3A_96, %dma_start3A_119] : memref<2x128xi32, #tpu.memory_space<vmem>> -> memref<1x128xi32, #tpu.memory_space<vmem>>
            %dma_start3A_121 = tpu.memref_squeeze %dma_start3A_120 : memref<1x128xi32, #tpu.memory_space<vmem>> -> memref<128xi32, #tpu.memory_space<vmem>>
            %dma_start3A_122 = tpu.memref_slice %arg3[%add3A_95] : memref<327680xi32, #tpu.memory_space<hbm>> -> memref<128xi32, #tpu.memory_space<hbm>>
            tpu.enqueue_dma source(%dma_start3A_122 : memref<128xi32, #tpu.memory_space<hbm>>) target(%dma_start3A_121 : memref<128xi32, #tpu.memory_space<vmem>>) target_semaphore(%run_scoped3A_114 : memref<!tpu.dma_semaphore, #tpu.memory_space<semaphore_mem>>)
            %dma_wait3A_123 = arith.constant 0 : i32
            %dma_wait3A_124 = tpu.memref_slice %arg8[%run_scoped3A_96, %dma_wait3A_123] : memref<2x128xi32, #tpu.memory_space<vmem>> -> memref<1x128xi32, #tpu.memory_space<vmem>>
            %dma_wait3A_125 = tpu.memref_squeeze %dma_wait3A_124 : memref<1x128xi32, #tpu.memory_space<vmem>> -> memref<128xi32, #tpu.memory_space<vmem>>
            %dma_wait3A_126 = tpu.memref_slice %arg3[%add3A_95] : memref<327680xi32, #tpu.memory_space<hbm>> -> memref<128xi32, #tpu.memory_space<hbm>>
            %dma_wait3A_127 = arith.constant 0 : i32
            %dma_wait3A_128 = tpu.memref_slice %arg8[%run_scoped3A_96, %dma_wait3A_127] : memref<2x128xi32, #tpu.memory_space<vmem>> -> memref<1x128xi32, #tpu.memory_space<vmem>>
            %dma_wait3A_129 = tpu.memref_squeeze %dma_wait3A_128 : memref<1x128xi32, #tpu.memory_space<vmem>> -> memref<128xi32, #tpu.memory_space<vmem>>
            %dma_wait3A_130 = tpu.memref_slice %arg3[%add3A_95] : memref<327680xi32, #tpu.memory_space<hbm>> -> memref<128xi32, #tpu.memory_space<hbm>>
            tpu.wait_dma2 semaphore(%run_scoped3A_114 : memref<!tpu.dma_semaphore, #tpu.memory_space<semaphore_mem>>) src(%dma_wait3A_130 : memref<128xi32, #tpu.memory_space<hbm>>) dst(%dma_wait3A_129 : memref<128xi32, #tpu.memory_space<vmem>>)
            tpu.yield
          }) : () -> ()
          %run_scoped3A_97 = arith.constant 0 : i32
          "tpu.region"() ({
            %run_scoped3A_114 = tpu.sem_alloc : memref<!tpu.dma_semaphore, #tpu.memory_space<semaphore_mem>>
            %dma_start3A_115 = arith.constant 0 : i32
            %dma_start3A_116 = tpu.memref_slice %arg9[%run_scoped3A_97, %dma_start3A_115] : memref<2x128xi32, #tpu.memory_space<vmem>> -> memref<1x128xi32, #tpu.memory_space<vmem>>
            %dma_start3A_117 = tpu.memref_squeeze %dma_start3A_116 : memref<1x128xi32, #tpu.memory_space<vmem>> -> memref<128xi32, #tpu.memory_space<vmem>>
            %dma_start3A_118 = tpu.memref_slice %arg4[%add3A_95] : memref<327680xi32, #tpu.memory_space<hbm>> -> memref<128xi32, #tpu.memory_space<hbm>>
            %dma_start3A_119 = arith.constant 0 : i32
            %dma_start3A_120 = tpu.memref_slice %arg9[%run_scoped3A_97, %dma_start3A_119] : memref<2x128xi32, #tpu.memory_space<vmem>> -> memref<1x128xi32, #tpu.memory_space<vmem>>
            %dma_start3A_121 = tpu.memref_squeeze %dma_start3A_120 : memref<1x128xi32, #tpu.memory_space<vmem>> -> memref<128xi32, #tpu.memory_space<vmem>>
            %dma_start3A_122 = tpu.memref_slice %arg4[%add3A_95] : memref<327680xi32, #tpu.memory_space<hbm>> -> memref<128xi32, #tpu.memory_space<hbm>>
            tpu.enqueue_dma source(%dma_start3A_122 : memref<128xi32, #tpu.memory_space<hbm>>) target(%dma_start3A_121 : memref<128xi32, #tpu.memory_space<vmem>>) target_semaphore(%run_scoped3A_114 : memref<!tpu.dma_semaphore, #tpu.memory_space<semaphore_mem>>)
            %dma_wait3A_123 = arith.constant 0 : i32
            %dma_wait3A_124 = tpu.memref_slice %arg9[%run_scoped3A_97, %dma_wait3A_123] : memref<2x128xi32, #tpu.memory_space<vmem>> -> memref<1x128xi32, #tpu.memory_space<vmem>>
            %dma_wait3A_125 = tpu.memref_squeeze %dma_wait3A_124 : memref<1x128xi32, #tpu.memory_space<vmem>> -> memref<128xi32, #tpu.memory_space<vmem>>
            %dma_wait3A_126 = tpu.memref_slice %arg4[%add3A_95] : memref<327680xi32, #tpu.memory_space<hbm>> -> memref<128xi32, #tpu.memory_space<hbm>>
            %dma_wait3A_127 = arith.constant 0 : i32
            %dma_wait3A_128 = tpu.memref_slice %arg9[%run_scoped3A_97, %dma_wait3A_127] : memref<2x128xi32, #tpu.memory_space<vmem>> -> memref<1x128xi32, #tpu.memory_space<vmem>>
            %dma_wait3A_129 = tpu.memref_squeeze %dma_wait3A_128 : memref<1x128xi32, #tpu.memory_space<vmem>> -> memref<128xi32, #tpu.memory_space<vmem>>
            %dma_wait3A_130 = tpu.memref_slice %arg4[%add3A_95] : memref<327680xi32, #tpu.memory_space<hbm>> -> memref<128xi32, #tpu.memory_space<hbm>>
            tpu.wait_dma2 semaphore(%run_scoped3A_114 : memref<!tpu.dma_semaphore, #tpu.memory_space<semaphore_mem>>) src(%dma_wait3A_130 : memref<128xi32, #tpu.memory_space<hbm>>) dst(%dma_wait3A_129 : memref<128xi32, #tpu.memory_space<vmem>>)
            tpu.yield
          }) : () -> ()
          %dma_start3A_98 = arith.constant 0 : i32
          %dma_start3A_99 = arith.constant 0 : i32
          %dma_start3A_100 = arith.constant 0 : i32
          %dma_start3A_101 = arith.constant 0 : i32
          %dma_start3A_102 = tpu.memref_slice %arg10[%dma_start3A_99, %dma_start3A_100, %dma_start3A_101] : memref<2x128x128xf32, #tpu.memory_space<vmem>> -> memref<1x128x128xf32, #tpu.memory_space<vmem>>
          %dma_start3A_103 = tpu.memref_squeeze %dma_start3A_102 : memref<1x128x128xf32, #tpu.memory_space<vmem>> -> memref<128x128xf32, #tpu.memory_space<vmem>>
          %dma_start3A_104 = arith.constant 0 : i32
          %dma_start3A_105 = tpu.memref_slice %arg8[%dma_start3A_98, %dma_start3A_104] : memref<2x128xi32, #tpu.memory_space<vmem>> -> memref<1x128xi32, #tpu.memory_space<vmem>>
          %dma_start3A_106 = tpu.memref_squeeze %dma_start3A_105 : memref<1x128xi32, #tpu.memory_space<vmem>> -> memref<128xi32, #tpu.memory_space<vmem>>
          %dma_start3A_107 = arith.constant 0 : i32
          %dma_start3A_108 = arith.constant 0 : i32
          %dma_start3A_109 = tpu.memref_slice %arg2[%scan3A, %dma_start3A_107, %dma_start3A_108] : memref<2x10000x128xf32, #tpu.memory_space<hbm>> -> memref<1x10000x128xf32, #tpu.memory_space<hbm>>
          %dma_start3A_110 = tpu.memref_squeeze %dma_start3A_109 : memref<1x10000x128xf32, #tpu.memory_space<hbm>> -> memref<10000x128xf32, #tpu.memory_space<hbm>>
          %dma_start3A_111 = arith.constant 0 : i32
          %dma_start3A_112 = arith.constant 0 : i32
          %dma_start3A_113 = tpu.memref_slice %dma_start3A_110[%dma_start3A_111, %dma_start3A_112] : memref<10000x128xf32, #tpu.memory_space<hbm>> -> memref<10000x128xf32, #tpu.memory_space<hbm>>
          tpu.enqueue_indirect_dma source(%dma_start3A_113 : memref<10000x128xf32, #tpu.memory_space<hbm>>) target(%dma_start3A_103 : memref<128x128xf32, #tpu.memory_space<vmem>>) offsets(%dma_start3A_106 : memref<128xi32, #tpu.memory_space<vmem>>) semaphore(%arg11 : memref<!tpu.dma_semaphore, #tpu.memory_space<semaphore_mem>>)
        } else {
        }
        %run_scoped3A_89 = arith.constant 1 : i32
        %run_scoped3A_90 = arith.constant 1 : i32
        "tpu.region"() ({
          %run_scoped3A_91 = tpu.sem_alloc : memref<!tpu.dma_semaphore, #tpu.memory_space<semaphore_mem>>
          %dma_start3A_92 = arith.constant 0 : i32
          %dma_start3A_93 = arith.constant 0 : i32
          %dma_start3A_94 = tpu.memref_slice %arg10[%run_scoped3A_89, %dma_start3A_92, %dma_start3A_93] : memref<2x128x128xf32, #tpu.memory_space<vmem>> -> memref<1x128x128xf32, #tpu.memory_space<vmem>>
          %dma_start3A_95 = tpu.memref_squeeze %dma_start3A_94 : memref<1x128x128xf32, #tpu.memory_space<vmem>> -> memref<128x128xf32, #tpu.memory_space<vmem>>
          %dma_start3A_96 = arith.constant 0 : i32
          %dma_start3A_97 = tpu.memref_slice %arg9[%run_scoped3A_90, %dma_start3A_96] : memref<2x128xi32, #tpu.memory_space<vmem>> -> memref<1x128xi32, #tpu.memory_space<vmem>>
          %dma_start3A_98 = tpu.memref_squeeze %dma_start3A_97 : memref<1x128xi32, #tpu.memory_space<vmem>> -> memref<128xi32, #tpu.memory_space<vmem>>
          %dma_start3A_99 = arith.constant 0 : i32
          %dma_start3A_100 = arith.constant 0 : i32
          %dma_start3A_101 = tpu.memref_slice %arg7[%dma_start3A_99, %dma_start3A_100] : memref<10240x128xf32, #tpu.memory_space<vmem_shared>> -> memref<10240x128xf32, #tpu.memory_space<vmem_shared>>
          tpu.enqueue_indirect_dma source(%dma_start3A_95 : memref<128x128xf32, #tpu.memory_space<vmem>>) target(%dma_start3A_101 : memref<10240x128xf32, #tpu.memory_space<vmem_shared>>) offsets(%dma_start3A_98 : memref<128xi32, #tpu.memory_space<vmem>>) semaphore(%run_scoped3A_91 : memref<!tpu.dma_semaphore, #tpu.memory_space<semaphore_mem>>) {add = true}
          %dma_wait3A_102 = arith.constant 0 : i32
          %dma_wait3A_103 = arith.constant 0 : i32
          %dma_wait3A_104 = tpu.memref_slice %arg10[%run_scoped3A_89, %dma_wait3A_102, %dma_wait3A_103] : memref<2x128x128xf32, #tpu.memory_space<vmem>> -> memref<1x128x128xf32, #tpu.memory_space<vmem>>
          %dma_wait3A_105 = tpu.memref_squeeze %dma_wait3A_104 : memref<1x128x128xf32, #tpu.memory_space<vmem>> -> memref<128x128xf32, #tpu.memory_space<vmem>>
          %dma_wait3A_106 = arith.constant 0 : i32
          %dma_wait3A_107 = tpu.memref_slice %arg9[%run_scoped3A_90, %dma_wait3A_106] : memref<2x128xi32, #tpu.memory_space<vmem>> -> memref<1x128xi32, #tpu.memory_space<vmem>>
          %dma_wait3A_108 = tpu.memref_squeeze %dma_wait3A_107 : memref<1x128xi32, #tpu.memory_space<vmem>> -> memref<128xi32, #tpu.memory_space<vmem>>
          %dma_wait3A_109 = arith.constant 0 : i32
          %dma_wait3A_110 = arith.constant 0 : i32
          %dma_wait3A_111 = tpu.memref_slice %arg7[%dma_wait3A_109, %dma_wait3A_110] : memref<10240x128xf32, #tpu.memory_space<vmem_shared>> -> memref<10240x128xf32, #tpu.memory_space<vmem_shared>>
          tpu.wait_indirect_dma semaphore(%run_scoped3A_91 : memref<!tpu.dma_semaphore, #tpu.memory_space<semaphore_mem>>) src(%dma_wait3A_105 : memref<128x128xf32, #tpu.memory_space<vmem>>) dst(%dma_wait3A_111 : memref<10240x128xf32, #tpu.memory_space<vmem_shared>>)
          tpu.yield
        }) : () -> ()
      }
      %scan3A_33 = arith.constant 80 : i32
    } else {
    }
    %barrier3A_8 = arith.constant 0 : index
    tpu.barrier barrier_id(%barrier3A_8)
    "tpu.region"() ({
      %run_scoped3A = tpu.sem_alloc : memref<!tpu.dma_semaphore, #tpu.memory_space<semaphore_mem>>
      %dma_start3A = arith.constant 0 : i32
      %dma_start3A_9 = tpu.memref_slice %arg6[%arg0, %mul3A_0, %dma_start3A] : memref<2x10240x128xf32, #tpu.memory_space<hbm>> -> memref<1x640x128xf32, #tpu.memory_space<hbm>>
      %dma_start3A_10 = tpu.memref_squeeze %dma_start3A_9 : memref<1x640x128xf32, #tpu.memory_space<hbm>> -> memref<640x128xf32, #tpu.memory_space<hbm>>
      %dma_start3A_11 = arith.constant 0 : i32
      %dma_start3A_12 = tpu.memref_slice %arg7[%mul3A_0, %dma_start3A_11] : memref<10240x128xf32, #tpu.memory_space<vmem_shared>> -> memref<640x128xf32, #tpu.memory_space<vmem_shared>>
      tpu.enqueue_dma source(%dma_start3A_12 : memref<640x128xf32, #tpu.memory_space<vmem_shared>>) target(%dma_start3A_10 : memref<640x128xf32, #tpu.memory_space<hbm>>) target_semaphore(%run_scoped3A : memref<!tpu.dma_semaphore, #tpu.memory_space<semaphore_mem>>)
      %dma_wait3A = arith.constant 0 : i32
      %dma_wait3A_13 = tpu.memref_slice %arg6[%arg0, %mul3A_0, %dma_wait3A] : memref<2x10240x128xf32, #tpu.memory_space<hbm>> -> memref<1x640x128xf32, #tpu.memory_space<hbm>>
      %dma_wait3A_14 = tpu.memref_squeeze %dma_wait3A_13 : memref<1x640x128xf32, #tpu.memory_space<hbm>> -> memref<640x128xf32, #tpu.memory_space<hbm>>
      %dma_wait3A_15 = arith.constant 0 : i32
      %dma_wait3A_16 = tpu.memref_slice %arg7[%mul3A_0, %dma_wait3A_15] : memref<10240x128xf32, #tpu.memory_space<vmem_shared>> -> memref<640x128xf32, #tpu.memory_space<vmem_shared>>
      tpu.wait_dma2 semaphore(%run_scoped3A : memref<!tpu.dma_semaphore, #tpu.memory_space<semaphore_mem>>) src(%dma_wait3A_16 : memref<640x128xf32, #tpu.memory_space<vmem_shared>>) dst(%dma_wait3A_14 : memref<640x128xf32, #tpu.memory_space<hbm>>)
      tpu.yield
    }) : () -> ()
    return
  }
}

module attributes {stable_mosaic.version = 14 : i64} {
  func.func @_xw_body(%arg0: i32, %arg1: memref<1000x128xf32, #tpu.memory_space<vmem>>, %arg2: memref<128x256xf32, #tpu.memory_space<vmem>>, %arg3: memref<2x1000x128xf32, #tpu.memory_space<vmem>>, %arg4: memref<2x1000x128xf32, #tpu.memory_space<vmem>>) attributes {dimension_semantics = [#tpu.dimension_semantics<arbitrary>], iteration_bounds = array<i64: 10>, scalar_prefetch = 0 : i64, scratch_operands = 0 : i64, tpu.core_type = #tpu.core_type<tc>, window_params = [{transform_indices = @transform_0, window_bounds = array<i64: 1000, 128>}, {pipeline_mode = #tpu.pipeline_mode<synchronous>, transform_indices = @transform_1, window_bounds = array<i64: 128, 256>}, {transform_indices = @transform_2, window_bounds = array<i64: 2, 1000, 128>}, {transform_indices = @transform_3, window_bounds = array<i64: 2, 1000, 128>}]} {
    %get3A = arith.constant 0 : index
    %get3A_0 = arith.constant 0 : index
    %get3A_1 = arith.constant 0 : index
    %get3A_2 = vector.load %arg3[%get3A, %get3A_0, %get3A_1] : memref<2x1000x128xf32, #tpu.memory_space<vmem>>, vector<1x1000x1xf32>
    %get3A_3 = vector.shape_cast %get3A_2 : vector<1x1000x1xf32> to vector<1000xf32>
    %get3A_4 = arith.constant 1 : index
    %get3A_5 = arith.constant 0 : index
    %get3A_6 = arith.constant 0 : index
    %get3A_7 = vector.load %arg3[%get3A_4, %get3A_5, %get3A_6] : memref<2x1000x128xf32, #tpu.memory_space<vmem>>, vector<1x1000x1xf32>
    %get3A_8 = vector.shape_cast %get3A_7 : vector<1x1000x1xf32> to vector<1000xf32>
    %add3A = arith.addf %get3A_3, %get3A_8 : vector<1000xf32>
    %add3A_9 = arith.constant 1.000000e+00 : f32
    %add3A_10 = vector.broadcast %add3A_9 : f32 to vector<1000xf32>
    %add3A_11 = arith.addf %add3A, %add3A_10 : vector<1000xf32>
    %rsqrt3A = math.rsqrt %add3A_11 : vector<1000xf32>
    %get3A_12 = arith.constant 0 : index
    %get3A_13 = arith.constant 0 : index
    %get3A_14 = vector.load %arg1[%get3A_12, %get3A_13] : memref<1000x128xf32, #tpu.memory_space<vmem>>, vector<1000x128xf32>
    %get3A_15 = arith.constant 0 : index
    %get3A_16 = arith.constant 0 : index
    %get3A_17 = vector.load %arg2[%get3A_15, %get3A_16] : memref<128x256xf32, #tpu.memory_space<vmem>>, vector<128x256xf32>
    %dot_general3A = arith.constant dense<0.000000e+00> : vector<1000x256xf32>
    %dot_general3A_18 = tpu.matmul %get3A_14, %get3A_17, %dot_general3A {dimension_numbers = #tpu.dot_dimension_numbers<[1], [0], [0], [1], [0, 0, 1, 1], [], []>, transpose_lhs_hint = false} : vector<1000x128xf32>, vector<128x256xf32>, vector<1000x256xf32> -> vector<1000x256xf32>
    %broadcast_in_dim3A = vector.shape_cast %rsqrt3A : vector<1000xf32> to vector<1000x1xf32>
    %mul3A = vector.broadcast %broadcast_in_dim3A : vector<1000x1xf32> to vector<1000x256xf32>
    %mul3A_19 = arith.mulf %dot_general3A_18, %mul3A : vector<1000x256xf32>
    %slice3A = vector.extract_strided_slice %mul3A_19 {offsets = [0, 0], sizes = [1000, 128], strides = [1, 1]} : vector<1000x256xf32> to vector<1000x128xf32>
    %swap3A = arith.constant 0 : index
    %swap3A_20 = arith.constant 0 : index
    %swap3A_21 = arith.constant 0 : index
    %swap3A_22 = vector.load %arg4[%swap3A, %swap3A_20, %swap3A_21] : memref<2x1000x128xf32, #tpu.memory_space<vmem>>, vector<1x1000x128xf32>
    %swap3A_23 = vector.shape_cast %swap3A_22 : vector<1x1000x128xf32> to vector<1000x128xf32>
    %swap3A_24 = vector.shape_cast %slice3A : vector<1000x128xf32> to vector<1x1000x128xf32>
    tpu.vector_store %arg4[%swap3A, %swap3A_20, %swap3A_21], %swap3A_24 {strides = array<i32>} : memref<2x1000x128xf32, #tpu.memory_space<vmem>>, vector<1x1000x128xf32>,
    %slice3A_25 = vector.extract_strided_slice %mul3A_19 {offsets = [0, 128], sizes = [1000, 128], strides = [1, 1]} : vector<1000x256xf32> to vector<1000x128xf32>
    %swap3A_26 = arith.constant 1 : index
    %swap3A_27 = arith.constant 0 : index
    %swap3A_28 = arith.constant 0 : index
    %swap3A_29 = vector.load %arg4[%swap3A_26, %swap3A_27, %swap3A_28] : memref<2x1000x128xf32, #tpu.memory_space<vmem>>, vector<1x1000x128xf32>
    %swap3A_30 = vector.shape_cast %swap3A_29 : vector<1x1000x128xf32> to vector<1000x128xf32>
    %swap3A_31 = vector.shape_cast %slice3A_25 : vector<1000x128xf32> to vector<1x1000x128xf32>
    tpu.vector_store %arg4[%swap3A_26, %swap3A_27, %swap3A_28], %swap3A_31 {strides = array<i32>} : memref<2x1000x128xf32, #tpu.memory_space<vmem>>, vector<1x1000x128xf32>,
    return
  }
  func.func @transform_0(%arg0: i32) -> (i32, i32) {
    %c0_i32 = arith.constant 0 : i32
    %c0_i32_0 = arith.constant 0 : i32
    return %arg0, %c0_i32 : i32, i32
  }
  func.func @transform_1(%arg0: i32) -> (i32, i32) {
    %c0_i32 = arith.constant 0 : i32
    %c0_i32_0 = arith.constant 0 : i32
    %c0_i32_1 = arith.constant 0 : i32
    return %c0_i32, %c0_i32_0 : i32, i32
  }
  func.func @transform_2(%arg0: i32) -> (i32, i32, i32) {
    %c0_i32 = arith.constant 0 : i32
    %c0_i32_0 = arith.constant 0 : i32
    %c0_i32_1 = arith.constant 0 : i32
    return %c0_i32, %arg0, %c0_i32_0 : i32, i32, i32
  }
  func.func @transform_3(%arg0: i32) -> (i32, i32, i32) {
    %c0_i32 = arith.constant 0 : i32
    %c0_i32_0 = arith.constant 0 : i32
    %c0_i32_1 = arith.constant 0 : i32
    return %c0_i32, %arg0, %c0_i32_0 : i32, i32, i32
  }
}

module attributes {stable_mosaic.version = 14 : i64} {
  func.func @_emb_body(%arg0: i32, %arg1: memref<2x1000x128xf32, #tpu.memory_space<vmem>>, %arg2: memref<2x1000x128xf32, #tpu.memory_space<vmem>>, %arg3: memref<2x1000x128xf32, #tpu.memory_space<vmem>>, %arg4: memref<512x512xf32, #tpu.memory_space<vmem>>, %arg5: memref<256xf32, #tpu.memory_space<vmem>>, %arg6: memref<512xf32, #tpu.memory_space<vmem>>, %arg7: memref<1000x256xi32, #tpu.memory_space<vmem>>, %arg8: memref<1000x256xi32, #tpu.memory_space<vmem>>) attributes {dimension_semantics = [#tpu.dimension_semantics<arbitrary>], iteration_bounds = array<i64: 10>, scalar_prefetch = 0 : i64, scratch_operands = 0 : i64, tpu.core_type = #tpu.core_type<tc>, window_params = [{transform_indices = @transform_0, window_bounds = array<i64: 2, 1000, 128>}, {transform_indices = @transform_1, window_bounds = array<i64: 2, 1000, 128>}, {transform_indices = @transform_2, window_bounds = array<i64: 2, 1000, 128>}, {pipeline_mode = #tpu.pipeline_mode<synchronous>, transform_indices = @transform_3, window_bounds = array<i64: 512, 512>}, {pipeline_mode = #tpu.pipeline_mode<synchronous>, transform_indices = @transform_4, window_bounds = array<i64: 256>}, {pipeline_mode = #tpu.pipeline_mode<synchronous>, transform_indices = @transform_5, window_bounds = array<i64: 512>}, {transform_indices = @transform_6, window_bounds = array<i64: 1000, 256>}, {transform_indices = @transform_7, window_bounds = array<i64: 1000, 256>}]} {
    %get3A = arith.constant 0 : index
    %get3A_0 = arith.constant 0 : index
    %get3A_1 = arith.constant 0 : index
    %get3A_2 = vector.load %arg3[%get3A, %get3A_0, %get3A_1] : memref<2x1000x128xf32, #tpu.memory_space<vmem>>, vector<1x1000x1xf32>
    %get3A_3 = vector.shape_cast %get3A_2 : vector<1x1000x1xf32> to vector<1000xf32>
    %get3A_4 = arith.constant 1 : index
    %get3A_5 = arith.constant 0 : index
    %get3A_6 = arith.constant 0 : index
    %get3A_7 = vector.load %arg3[%get3A_4, %get3A_5, %get3A_6] : memref<2x1000x128xf32, #tpu.memory_space<vmem>>, vector<1x1000x1xf32>
    %get3A_8 = vector.shape_cast %get3A_7 : vector<1x1000x1xf32> to vector<1000xf32>
    %add3A = arith.addf %get3A_3, %get3A_8 : vector<1000xf32>
    %add3A_9 = arith.constant 1.000000e+00 : f32
    %add3A_10 = vector.broadcast %add3A_9 : f32 to vector<1000xf32>
    %add3A_11 = arith.addf %add3A, %add3A_10 : vector<1000xf32>
    %rsqrt3A = math.rsqrt %add3A_11 : vector<1000xf32>
    %get3A_12 = arith.constant 0 : index
    %get3A_13 = arith.constant 0 : index
    %get3A_14 = arith.constant 0 : index
    %get3A_15 = vector.load %arg1[%get3A_12, %get3A_13, %get3A_14] : memref<2x1000x128xf32, #tpu.memory_space<vmem>>, vector<1x1000x128xf32>
    %get3A_16 = vector.shape_cast %get3A_15 : vector<1x1000x128xf32> to vector<1000x128xf32>
    %get3A_17 = arith.constant 0 : index
    %get3A_18 = arith.constant 0 : index
    %get3A_19 = arith.constant 0 : index
    %get3A_20 = vector.load %arg2[%get3A_17, %get3A_18, %get3A_19] : memref<2x1000x128xf32, #tpu.memory_space<vmem>>, vector<1x1000x128xf32>
    %get3A_21 = vector.shape_cast %get3A_20 : vector<1x1000x128xf32> to vector<1000x128xf32>
    %add3A_22 = arith.addf %get3A_16, %get3A_21 : vector<1000x128xf32>
    %get3A_23 = arith.constant 1 : index
    %get3A_24 = arith.constant 0 : index
    %get3A_25 = arith.constant 0 : index
    %get3A_26 = vector.load %arg1[%get3A_23, %get3A_24, %get3A_25] : memref<2x1000x128xf32, #tpu.memory_space<vmem>>, vector<1x1000x128xf32>
    %get3A_27 = vector.shape_cast %get3A_26 : vector<1x1000x128xf32> to vector<1000x128xf32>
    %get3A_28 = arith.constant 1 : index
    %get3A_29 = arith.constant 0 : index
    %get3A_30 = arith.constant 0 : index
    %get3A_31 = vector.load %arg2[%get3A_28, %get3A_29, %get3A_30] : memref<2x1000x128xf32, #tpu.memory_space<vmem>>, vector<1x1000x128xf32>
    %get3A_32 = vector.shape_cast %get3A_31 : vector<1x1000x128xf32> to vector<1000x128xf32>
    %add3A_33 = arith.addf %get3A_27, %get3A_32 : vector<1000x128xf32>
    %concatenate3A = tpu.concatenate %add3A_22, %add3A_33 in 1 : vector<1000x128xf32>, vector<1000x128xf32> -> vector<1000x256xf32>
    %broadcast_in_dim3A = vector.shape_cast %rsqrt3A : vector<1000xf32> to vector<1000x1xf32>
    %mul3A = vector.broadcast %broadcast_in_dim3A : vector<1000x1xf32> to vector<1000x256xf32>
    %mul3A_34 = arith.mulf %concatenate3A, %mul3A : vector<1000x256xf32>
    %get3A_35 = arith.constant 0 : index
    %get3A_36 = vector.load %arg5[%get3A_35] : memref<256xf32, #tpu.memory_space<vmem>>, vector<256xf32>
    %broadcast_in_dim3A_37 = vector.shape_cast %get3A_36 : vector<256xf32> to vector<1x256xf32>
    %add3A_38 = vector.broadcast %broadcast_in_dim3A_37 : vector<1x256xf32> to vector<1000x256xf32>
    %add3A_39 = arith.addf %mul3A_34, %add3A_38 : vector<1000x256xf32>
    %get3A_40 = arith.constant 0 : index
    %get3A_41 = arith.constant 0 : index
    %get3A_42 = vector.load %arg4[%get3A_40, %get3A_41] : memref<512x512xf32, #tpu.memory_space<vmem>>, vector<256x512xf32>
    %dot_general3A = arith.constant dense<0.000000e+00> : vector<1000x512xf32>
    %dot_general3A_43 = tpu.matmul %add3A_39, %get3A_42, %dot_general3A {dimension_numbers = #tpu.dot_dimension_numbers<[1], [0], [0], [1], [0, 0, 1, 1], [], []>, transpose_lhs_hint = false} : vector<1000x256xf32>, vector<256x512xf32>, vector<1000x512xf32> -> vector<1000x512xf32>
    %get3A_44 = arith.constant 0 : index
    %get3A_45 = vector.load %arg6[%get3A_44] : memref<512xf32, #tpu.memory_space<vmem>>, vector<512xf32>
    %broadcast_in_dim3A_46 = vector.shape_cast %get3A_45 : vector<512xf32> to vector<1x512xf32>
    %add3A_47 = vector.broadcast %broadcast_in_dim3A_46 : vector<1x512xf32> to vector<1000x512xf32>
    %add3A_48 = arith.addf %dot_general3A_43, %add3A_47 : vector<1000x512xf32>
    %get3A_49 = arith.constant 256 : index
    %get3A_50 = arith.constant 0 : index
    %get3A_51 = vector.load %arg4[%get3A_49, %get3A_50] : memref<512x512xf32, #tpu.memory_space<vmem>>, vector<256x512xf32>
    %dot_general3A_52 = arith.constant dense<0.000000e+00> : vector<1000x512xf32>
    %dot_general3A_53 = tpu.matmul %add3A_39, %get3A_51, %dot_general3A_52 {dimension_numbers = #tpu.dot_dimension_numbers<[1], [0], [0], [1], [0, 0, 1, 1], [], []>, transpose_lhs_hint = false} : vector<1000x256xf32>, vector<256x512xf32>, vector<1000x512xf32> -> vector<1000x512xf32>
    %slice3A = vector.extract_strided_slice %add3A_48 {offsets = [0, 0], sizes = [1000, 256], strides = [1, 1]} : vector<1000x512xf32> to vector<1000x256xf32>
    %convert_element_type3A = arith.truncf %slice3A : vector<1000x256xf32> to vector<1000x256xbf16>
    %bitcast_convert_type3A = tpu.bitcast %convert_element_type3A : vector<1000x256xbf16> -> vector<1000x256xi16>
    %convert_element_type3A_54 = arith.extui %bitcast_convert_type3A : vector<1000x256xi16> to vector<1000x256xi32>
    %slice3A_55 = vector.extract_strided_slice %add3A_48 {offsets = [0, 256], sizes = [1000, 256], strides = [1, 1]} : vector<1000x512xf32> to vector<1000x256xf32>
    %convert_element_type3A_56 = arith.truncf %slice3A_55 : vector<1000x256xf32> to vector<1000x256xbf16>
    %bitcast_convert_type3A_57 = tpu.bitcast %convert_element_type3A_56 : vector<1000x256xbf16> -> vector<1000x256xi16>
    %convert_element_type3A_58 = arith.extui %bitcast_convert_type3A_57 : vector<1000x256xi16> to vector<1000x256xi32>
    %shift_left3A = arith.constant 16 : i32
    %shift_left3A_59 = vector.broadcast %shift_left3A : i32 to vector<1000x256xi32>
    %shift_left3A_60 = arith.shli %convert_element_type3A_58, %shift_left3A_59 : vector<1000x256xi32>
    %or3A = arith.ori %convert_element_type3A_54, %shift_left3A_60 : vector<1000x256xi32>
    %swap3A = arith.constant 0 : index
    %swap3A_61 = arith.constant 0 : index
    %swap3A_62 = vector.load %arg7[%swap3A, %swap3A_61] : memref<1000x256xi32, #tpu.memory_space<vmem>>, vector<1000x256xi32>
    tpu.vector_store %arg7[%swap3A, %swap3A_61], %or3A {strides = array<i32>} : memref<1000x256xi32, #tpu.memory_space<vmem>>, vector<1000x256xi32>,
    %slice3A_63 = vector.extract_strided_slice %dot_general3A_53 {offsets = [0, 0], sizes = [1000, 256], strides = [1, 1]} : vector<1000x512xf32> to vector<1000x256xf32>
    %convert_element_type3A_64 = arith.truncf %slice3A_63 : vector<1000x256xf32> to vector<1000x256xbf16>
    %bitcast_convert_type3A_65 = tpu.bitcast %convert_element_type3A_64 : vector<1000x256xbf16> -> vector<1000x256xi16>
    %convert_element_type3A_66 = arith.extui %bitcast_convert_type3A_65 : vector<1000x256xi16> to vector<1000x256xi32>
    %slice3A_67 = vector.extract_strided_slice %dot_general3A_53 {offsets = [0, 256], sizes = [1000, 256], strides = [1, 1]} : vector<1000x512xf32> to vector<1000x256xf32>
    %convert_element_type3A_68 = arith.truncf %slice3A_67 : vector<1000x256xf32> to vector<1000x256xbf16>
    %bitcast_convert_type3A_69 = tpu.bitcast %convert_element_type3A_68 : vector<1000x256xbf16> -> vector<1000x256xi16>
    %convert_element_type3A_70 = arith.extui %bitcast_convert_type3A_69 : vector<1000x256xi16> to vector<1000x256xi32>
    %shift_left3A_71 = arith.constant 16 : i32
    %shift_left3A_72 = vector.broadcast %shift_left3A_71 : i32 to vector<1000x256xi32>
    %shift_left3A_73 = arith.shli %convert_element_type3A_70, %shift_left3A_72 : vector<1000x256xi32>
    %or3A_74 = arith.ori %convert_element_type3A_66, %shift_left3A_73 : vector<1000x256xi32>
    %swap3A_75 = arith.constant 0 : index
    %swap3A_76 = arith.constant 0 : index
    %swap3A_77 = vector.load %arg8[%swap3A_75, %swap3A_76] : memref<1000x256xi32, #tpu.memory_space<vmem>>, vector<1000x256xi32>
    tpu.vector_store %arg8[%swap3A_75, %swap3A_76], %or3A_74 {strides = array<i32>} : memref<1000x256xi32, #tpu.memory_space<vmem>>, vector<1000x256xi32>,
    return
  }
  func.func @transform_0(%arg0: i32) -> (i32, i32, i32) {
    %c0_i32 = arith.constant 0 : i32
    %c0_i32_0 = arith.constant 0 : i32
    %c0_i32_1 = arith.constant 0 : i32
    return %c0_i32, %arg0, %c0_i32_0 : i32, i32, i32
  }
  func.func @transform_1(%arg0: i32) -> (i32, i32, i32) {
    %c0_i32 = arith.constant 0 : i32
    %c0_i32_0 = arith.constant 0 : i32
    %c0_i32_1 = arith.constant 0 : i32
    return %c0_i32, %arg0, %c0_i32_0 : i32, i32, i32
  }
  func.func @transform_2(%arg0: i32) -> (i32, i32, i32) {
    %c0_i32 = arith.constant 0 : i32
    %c0_i32_0 = arith.constant 0 : i32
    %c0_i32_1 = arith.constant 0 : i32
    return %c0_i32, %arg0, %c0_i32_0 : i32, i32, i32
  }
  func.func @transform_3(%arg0: i32) -> (i32, i32) {
    %c0_i32 = arith.constant 0 : i32
    %c0_i32_0 = arith.constant 0 : i32
    %c0_i32_1 = arith.constant 0 : i32
    return %c0_i32, %c0_i32_0 : i32, i32
  }
  func.func @transform_4(%arg0: i32) -> i32 {
    %c0_i32 = arith.constant 0 : i32
    %c0_i32_0 = arith.constant 0 : i32
    return %c0_i32 : i32
  }
  func.func @transform_5(%arg0: i32) -> i32 {
    %c0_i32 = arith.constant 0 : i32
    %c0_i32_0 = arith.constant 0 : i32
    return %c0_i32 : i32
  }
  func.func @transform_6(%arg0: i32) -> (i32, i32) {
    %c0_i32 = arith.constant 0 : i32
    %c0_i32_0 = arith.constant 0 : i32
    return %arg0, %c0_i32 : i32, i32
  }
  func.func @transform_7(%arg0: i32) -> (i32, i32) {
    %c0_i32 = arith.constant 0 : i32
    %c0_i32_0 = arith.constant 0 : i32
    return %arg0, %c0_i32 : i32, i32
  }
}

module attributes {stable_mosaic.version = 14 : i64} {
  func.func @_out_body(%arg0: i32, %arg1: memref<1000x256xi32, #tpu.memory_space<vmem>>, %arg2: memref<1000x256xi32, #tpu.memory_space<vmem>>, %arg3: memref<512x16xf32, #tpu.memory_space<vmem>>, %arg4: memref<16xf32, #tpu.memory_space<vmem>>, %arg5: memref<1000x16xf32, #tpu.memory_space<vmem>>) attributes {dimension_semantics = [#tpu.dimension_semantics<arbitrary>], iteration_bounds = array<i64: 320>, scalar_prefetch = 0 : i64, scratch_operands = 0 : i64, tpu.core_type = #tpu.core_type<tc>, window_params = [{transform_indices = @transform_0, window_bounds = array<i64: 1000, 256>}, {transform_indices = @transform_1, window_bounds = array<i64: 1000, 256>}, {pipeline_mode = #tpu.pipeline_mode<synchronous>, transform_indices = @transform_2, window_bounds = array<i64: 512, 16>}, {pipeline_mode = #tpu.pipeline_mode<synchronous>, transform_indices = @transform_3, window_bounds = array<i64: 16>}, {transform_indices = @transform_4, window_bounds = array<i64: 1000, 16>}]} {
    %get3A = arith.constant 0 : index
    %get3A_0 = arith.constant 0 : index
    %get3A_1 = vector.load %arg1[%get3A, %get3A_0] : memref<1000x256xi32, #tpu.memory_space<vmem>>, vector<1000x256xi32>
    %get3A_2 = arith.constant 0 : index
    %get3A_3 = arith.constant 0 : index
    %get3A_4 = vector.load %arg2[%get3A_2, %get3A_3] : memref<1000x256xi32, #tpu.memory_space<vmem>>, vector<1000x256xi32>
    %shift_left3A = arith.constant 16 : i32
    %shift_left3A_5 = vector.broadcast %shift_left3A : i32 to vector<1000x256xi32>
    %shift_left3A_6 = arith.shli %get3A_1, %shift_left3A_5 : vector<1000x256xi32>
    %bitcast_convert_type3A = tpu.bitcast %shift_left3A_6 : vector<1000x256xi32> -> vector<1000x256xf32>
    %shift_left3A_7 = arith.constant 16 : i32
    %shift_left3A_8 = vector.broadcast %shift_left3A_7 : i32 to vector<1000x256xi32>
    %shift_left3A_9 = arith.shli %get3A_4, %shift_left3A_8 : vector<1000x256xi32>
    %bitcast_convert_type3A_10 = tpu.bitcast %shift_left3A_9 : vector<1000x256xi32> -> vector<1000x256xf32>
    %add3A = arith.addf %bitcast_convert_type3A, %bitcast_convert_type3A_10 : vector<1000x256xf32>
    %max3A = arith.constant 0.000000e+00 : f32
    %max3A_11 = vector.broadcast %max3A : f32 to vector<1000x256xf32>
    %max3A_12 = arith.maximumf %add3A, %max3A_11 : vector<1000x256xf32>
    %and3A = arith.constant -65536 : i32
    %and3A_13 = vector.broadcast %and3A : i32 to vector<1000x256xi32>
    %and3A_14 = arith.andi %get3A_1, %and3A_13 : vector<1000x256xi32>
    %bitcast_convert_type3A_15 = tpu.bitcast %and3A_14 : vector<1000x256xi32> -> vector<1000x256xf32>
    %and3A_16 = arith.constant -65536 : i32
    %and3A_17 = vector.broadcast %and3A_16 : i32 to vector<1000x256xi32>
    %and3A_18 = arith.andi %get3A_4, %and3A_17 : vector<1000x256xi32>
    %bitcast_convert_type3A_19 = tpu.bitcast %and3A_18 : vector<1000x256xi32> -> vector<1000x256xf32>
    %add3A_20 = arith.addf %bitcast_convert_type3A_15, %bitcast_convert_type3A_19 : vector<1000x256xf32>
    %max3A_21 = arith.constant 0.000000e+00 : f32
    %max3A_22 = vector.broadcast %max3A_21 : f32 to vector<1000x256xf32>
    %max3A_23 = arith.maximumf %add3A_20, %max3A_22 : vector<1000x256xf32>
    %get3A_24 = arith.constant 0 : index
    %get3A_25 = arith.constant 0 : index
    %get3A_26 = vector.load %arg3[%get3A_24, %get3A_25] : memref<512x16xf32, #tpu.memory_space<vmem>>, vector<256x16xf32>
    %dot_general3A = arith.constant dense<0.000000e+00> : vector<1000x16xf32>
    %dot_general3A_27 = tpu.matmul %max3A_12, %get3A_26, %dot_general3A {dimension_numbers = #tpu.dot_dimension_numbers<[1], [0], [0], [1], [0, 0, 1, 1], [], []>, transpose_lhs_hint = false} : vector<1000x256xf32>, vector<256x16xf32>, vector<1000x16xf32> -> vector<1000x16xf32>
    %get3A_28 = arith.constant 256 : index
    %get3A_29 = arith.constant 0 : index
    %get3A_30 = vector.load %arg3[%get3A_28, %get3A_29] : memref<512x16xf32, #tpu.memory_space<vmem>>, vector<256x16xf32>
    %dot_general3A_31 = arith.constant dense<0.000000e+00> : vector<1000x16xf32>
    %dot_general3A_32 = tpu.matmul %max3A_23, %get3A_30, %dot_general3A_31 {dimension_numbers = #tpu.dot_dimension_numbers<[1], [0], [0], [1], [0, 0, 1, 1], [], []>, transpose_lhs_hint = false} : vector<1000x256xf32>, vector<256x16xf32>, vector<1000x16xf32> -> vector<1000x16xf32>
    %add3A_33 = arith.addf %dot_general3A_27, %dot_general3A_32 : vector<1000x16xf32>
    %get3A_34 = arith.constant 0 : index
    %get3A_35 = vector.load %arg4[%get3A_34] : memref<16xf32, #tpu.memory_space<vmem>>, vector<16xf32>
    %broadcast_in_dim3A = vector.shape_cast %get3A_35 : vector<16xf32> to vector<1x16xf32>
    %add3A_36 = vector.broadcast %broadcast_in_dim3A : vector<1x16xf32> to vector<1000x16xf32>
    %add3A_37 = arith.addf %add3A_33, %add3A_36 : vector<1000x16xf32>
    %swap3A = arith.constant 0 : index
    %swap3A_38 = arith.constant 0 : index
    %swap3A_39 = vector.load %arg5[%swap3A, %swap3A_38] : memref<1000x16xf32, #tpu.memory_space<vmem>>, vector<1000x16xf32>
    tpu.vector_store %arg5[%swap3A, %swap3A_38], %add3A_37 {strides = array<i32>} : memref<1000x16xf32, #tpu.memory_space<vmem>>, vector<1000x16xf32>,
    return
  }
  func.func @transform_0(%arg0: i32) -> (i32, i32) {
    %c0_i32 = arith.constant 0 : i32
    %c0_i32_0 = arith.constant 0 : i32
    return %arg0, %c0_i32 : i32, i32
  }
  func.func @transform_1(%arg0: i32) -> (i32, i32) {
    %c0_i32 = arith.constant 0 : i32
    %c0_i32_0 = arith.constant 0 : i32
    return %arg0, %c0_i32 : i32, i32
  }
  func.func @transform_2(%arg0: i32) -> (i32, i32) {
    %c0_i32 = arith.constant 0 : i32
    %c0_i32_0 = arith.constant 0 : i32
    %c0_i32_1 = arith.constant 0 : i32
    return %c0_i32, %c0_i32_0 : i32, i32
  }
  func.func @transform_3(%arg0: i32) -> i32 {
    %c0_i32 = arith.constant 0 : i32
    %c0_i32_0 = arith.constant 0 : i32
    return %c0_i32 : i32
  }
  func.func @transform_4(%arg0: i32) -> (i32, i32) {
    %c0_i32 = arith.constant 0 : i32
    %c0_i32_0 = arith.constant 0 : i32
    return %arg0, %c0_i32 : i32, i32
  }
}

</mosaic_0001>

<sc_bundles>
// kernel: kernel.11.cloned.1.call-start
scs
__scs_entry_jumppad:
0x0: {  	(pc) =	sbr.rel $0x88, $3  }
0x1: {  	(tag) =	ssettag $0x0;
	lr =	simm.s32 $0x1  }
0x2: {  	[smem:$0x3F99] =	sst lr;
	_ =	strace $0xD0000000  }
0x3: {  	_ = 	snop  }
0x4: {  	_ = 	snop  }
0x5: {  	_ = 	snop  }
0x6: {  	_ = 	snop  }
0x7: {  	_ = 	snop  }
__scs_overlays_trampoline_lowered:
0x8: {  	[smem:$0x3FA8] =	sst s0  }
0x9: {  	[smem:$0x3FA9] =	sst s1  }
0xa: {  	[smem:$0x3FAA] =	sst s2  }
0xb: {  	[smem:$0x3FAB] =	sst s3  }
0xc: {  	[smem:$0x3FAC] =	sst s4  }
0xd: {  	[smem:$0x3FAD] =	sst s5  }
0xe: {  	[smem:$0x3FAE] =	sst s6  }
0xf: {  	[smem:$0x3FAF] =	sst s7  }
0x10: {  	[smem:$0x3FB0] =	sst s8  }
0x11: {  	[smem:$0x3FB1] =	sst s9;
	s0 =	simm.s32 @!p0 $0x0  }
0x12: {  	s1 =	sld [smem:$0x3F97];
	s0 =	simm.s32 @p0 $0x1  }
0x13: {  	[smem:$0x3FB2] =	sst s0;
	s0 =	simm.s32 @!p1 $0x0  }
0x14: {  	s2 =	sld [smem:$0x3F96];
	s0 =	simm.s32 @p1 $0x1  }
0x15: {  	[smem:$0x3FB3] =	sst s0;
	s0 =	simm.s32 @!p2 $0x0  }
0x16: {  	s3 =	sld [smem:$0x3FDB];
	s0 =	simm.s32 @p2 $0x1  }
0x17: {  	s4 =	simm.s32 $0x1BF5;
	[smem:$0x3FB5] =	sst s0  }
0x18: {  	s0 =	sld [smem:$0x3F98];
	_ =	swait.ge [sflag:s4], $0x0  }
0x19: {  	s7 =	sld [smem:$0x3F99]  }
0x1a: {  	s8 =	sadd.s32 $0xFFFFE003, lr  }
0x1b: {  	s9 =	sadd.s32 $0xFFFFFEF7, lr;
	s5 =	simm.s32 $0xFFFFFFFF;
	p2 =	slt.u32 s8, $0xFFFFF086  }
0x1c: {  	p1 =	slt.u32 s9, $0xF7A;
	s5 =	simm.s32 @!p2 $0x0  }
0x1d: {  	s5 =	simm.s32 @p1 $0x1;
	p0 =	seq.s32 s7, s2  }
0x1e: {  	s7 =	smul.u32 @!p0 $0xF7A, s2;
	p2 =	seq.s32 @!p0 s5, $0x0  }
0x1f: {  	s9 =	smul.u32 $0xF7A, s1;
	s8 =	simm.s32 @!p0 $0x1BF5;
	p2 =	por !p2, p0  }
0x20: {  	[sflag:s8] =	ssyncset.s32 @!p0 $0xFFFFF086;
	s6 =	sadd.s32 @!p0 s3, s7;
	s7 =	simm.s32 @!p0 $0x108  }
0x21: {  	s3 =	sadd.s32 s3, s9;
	s6 =	sadd.s32 @!p0 $0x88, s6;
	s7 =	simm.s32 @p2 $0x1082  }
0x22: {  	[simem:s7], [sflag:s8] =	dma.local @!p0 [hbm:s6], $0xF7A  }
0x23: {  	s9 =	sor.u32 $0xD0000000, s2;
	s6 =	simm.s32 $0x108;
	_ =	swait.ge @!p0 [sflag:s8], $0x0  }
0x24: {  	s3 =	sadd.s32 $0x88, s3;
	s6 =	simm.s32 @!p1 $0x1082;
	[sflag:s4] =	ssyncset.s32 $0xFFFFF086  }
0x25: {  	[simem:s6], [sflag:s4] =	dma.local [hbm:s3], $0xF7A  }
0x26: {  	[smem:$0x3F99] =	sst s1;
	(tag) =	ssettag s2;
	_ =	strace s9  }
0x27: {  	s1 =	sld [smem:$0x3FA9]  }
0x28: {  	s2 =	sld [smem:$0x3FAA]  }
0x29: {  	s4 =	sld [smem:$0x3FAC]  }
0x2a: {  	p0 =	seq.s32 s5, $0x0;
	s5 =	sld [smem:$0x3FAD]  }
0x2b: {  	s6 =	sld [smem:$0x3FAE]  }
0x2c: {  	s7 =	sld [smem:$0x3FAF]  }
0x2d: {  	s3 =	simm.s32 $0x108;
	s8 =	sld [smem:$0x3FB0]  }
0x2e: {  	s3 =	simm.s32 @!p0 $0x1082;
	s9 =	sld [smem:$0x3FB1]  }
0x2f: {  	lr =	sadd.s32 s0, s3;
	s0 =	sld [smem:$0x3FA8]  }
0x30: {  	s3 =	sld [smem:$0x3FAB]  }
0x31: {  	[smem:$0x3FB4] =	sst s10  }
0x32: {  	s10 =	sld [smem:$0x3FB2];
	_ =	sdelay $0x3  }
0x33: {  	p0 =	seq.s32 s10, $0x1;
	s10 =	sld [smem:$0x3FB4];
	_ =	sdelay $0x3  }
0x34: {  	[smem:$0x3FB4] =	sst s10  }
0x35: {  	s10 =	sld [smem:$0x3FB3];
	_ =	sdelay $0x3  }
0x36: {  	p1 =	seq.s32 s10, $0x1;
	s10 =	sld [smem:$0x3FB4];
	_ =	sdelay $0x3  }
0x37: {  	[smem:$0x3FB4] =	sst s10  }
0x38: {  	s10 =	sld [smem:$0x3FB5]  }
0x39: {  	_ = 	snop;
	(pc) =	sbr.ind lr, $3  }
0x3a: {  	_ = 	snop  }
0x3b: {  	_ = 	snop  }
0x3c: {  	p2 =	seq.s32 s10, $0x1;
	s10 =	sld [smem:$0x3FB4]  }
0x3d: {  	_ =	shalt  }
0x3e: {  	_ =	shalt  }
0x3f: {  	_ =	shalt  }
0x40: {  	_ =	shalt  }
0x41: {  	_ =	shalt  }
0x42: {  	_ =	shalt  }
0x43: {  	_ =	shalt  }
0x44: {  	_ =	shalt  }
0x45: {  	_ =	shalt  }
0x46: {  	_ =	shalt  }
0x47: {  	_ =	shalt  }
0x48: {  	_ =	shalt  }
0x49: {  	_ =	shalt  }
0x4a: {  	_ =	shalt  }
0x4b: {  	_ =	shalt  }
0x4c: {  	_ =	shalt  }
0x4d: {  	_ =	shalt  }
0x4e: {  	_ =	shalt  }
0x4f: {  	_ =	shalt  }
0x50: {  	_ =	shalt  }
0x51: {  	_ =	shalt  }
0x52: {  	_ =	shalt  }
0x53: {  	_ =	shalt  }
0x54: {  	_ =	shalt  }
0x55: {  	_ =	shalt  }
0x56: {  	_ =	shalt  }
0x57: {  	_ =	shalt  }
0x58: {  	_ =	shalt  }
0x59: {  	_ =	shalt  }
0x5a: {  	_ =	shalt  }
0x5b: {  	_ =	shalt  }
0x5c: {  	_ =	shalt  }
0x5d: {  	_ =	shalt  }
0x5e: {  	_ =	shalt  }
0x5f: {  	_ =	shalt  }
0x60: {  	_ =	shalt  }
0x61: {  	_ =	shalt  }
0x62: {  	_ =	shalt  }
0x63: {  	_ =	shalt  }
0x64: {  	_ =	shalt  }
0x65: {  	_ =	shalt  }
0x66: {  	_ =	shalt  }
0x67: {  	_ =	shalt  }
0x68: {  	_ =	shalt  }
0x69: {  	_ =	shalt  }
0x6a: {  	_ =	shalt  }
0x6b: {  	_ =	shalt  }
0x6c: {  	_ =	shalt  }
0x6d: {  	_ =	shalt  }
0x6e: {  	_ =	shalt  }
0x6f: {  	_ =	shalt  }
0x70: {  	_ =	shalt  }
0x71: {  	_ =	shalt  }
0x72: {  	_ =	shalt  }
0x73: {  	_ =	shalt  }
0x74: {  	_ =	shalt  }
0x75: {  	_ =	shalt  }
0x76: {  	_ =	shalt  }
0x77: {  	_ =	shalt  }
0x78: {  	_ =	shalt  }
0x79: {  	_ =	shalt  }
0x7a: {  	_ =	shalt  }
0x7b: {  	_ =	shalt  }
0x7c: {  	_ =	shalt  }
0x7d: {  	_ =	shalt  }
0x7e: {  	_ =	shalt  }
0x7f: {  	_ =	shalt  }
0x80: {  	_ =	shalt  }
0x81: {  	_ =	shalt  }
0x82: {  	_ =	shalt  }
0x83: {  	_ =	shalt  }
0x84: {  	_ =	shalt  }
0x85: {  	_ =	shalt  }
0x86: {  	_ =	shalt  }
0x87: {  	_ =	shalt  }
.Lfunc_end0:
.L_simem_size_0:
called_computation.1_lowered:
.L_overlay_start_0:
0x88: {  	s2 =	sld [smem:$0x3FD9]  }
0x89: {  	s3 =	sld [smem:$0x3FFE];
	_ =	sdelay $0x1  }
0x8a: {  	s1 =	srdreg.scid  }
0x8b: {  	s0 =	sand.u32 $0x1, s1  }
0x8c: {  	s17 =	sshll.u32 s0, $0xA;
	s2 =	sadd.s32 s3, s2  }
0x8d: {  	s2 =	sadd.s32 s2, s17  }
0x8e: {  	[smem:$0x3FC0] =	sst s2  }
0x8f: {  	_ = 	snop  }
0x90: {  	s2 =	sld [smem:$0x3FD0];
	(tm) =	ssettm $0x1  }
0x91: {  	s18 =	sld [smem:$0x3FFB];
	_ =	sdelay $0x3  }
0x92: {  	_ =	strace s18  }
0x93: {  	s3 =	sld [smem:$0x3FFC];
	_ =	sdelay $0x3  }
0x94: {  	_ =	strace s3  }
0x95: {  	s3 =	sld [smem:$0x3FFD];
	_ =	sdelay $0x3  }
0x96: {  	_ =	strace s3  }
0x97: {  	_ =	strace $0x8FFFFFFF  }
0x98: {  	s19 =	sld [smem:$0x3FDB];
	_ =	sdelay $0x1  }
0x99: {  	s4 =	simm.s32 $_scs_section_size  }
0x9a: {  	s5 =	simm.s32 $_size__tile_overlayer_lowered;
	s6 =	simm.s32 $_tile_overlayer_lowered  }
0x9b: {  	s22 =	simm.s32 $0x1BFF;
	s21 =	sshll.u32 s6, $0x1;
	s3 =	sadd.s32 s4, s19  }
0x9c: {  	s7 =	simm.s32 $0x0;
	s20 =	sshll.u32 s5, $0x1;
	s5 =	sadd.s32 s21, s3  }
0x9d: {  	[timem:s7], [sflag:s22] =	dma.local [hbm:s5], s20  }
0x9e: {  	_ =	swait.ge [sflag:s22], s20  }
0x9f: {  	s4 =	ssub.s32 $0x0, s20;
	[sflag:s22] =	ssyncset.done $0x0  }
0xa0: {  	[sflag:s22] =	ssyncadd.s32 s4;
	_ =	sdelay $0x1  }
0xa1: {  	s23 =	simm.s32 $0x1B8B  }
0xa2: {  	_ =	swait.ge [sflag:s23], $0x1  }
0xa3: {  	[sflag:s23] =	ssyncset.done $0x0  }
0xa4: {  	s25 =	simm.s32 $0x1B8E;
	s24 =	sld [smem:$0x3FFE];
	[sflag:s23] =	ssyncadd.s32 $0xFFFFFFFF  }
0xa5: {  	s26 =	simm.s32 $execute0_lowered;
	[smem:$0x3FD2] =	sst s25  }
0xa6: {  	s5 =	sshll.u32 s26, $0x1;
	_ =	strace $0x80000049;
	[dreg:$0x1] =	wrdreg $0xFFFFFFFF  }
0xa7: {  	s28 =	simm.s32 $_size_execute0_lowered;
	s3 =	sadd.s32 s3, s5;
	[dreg:$0x0] =	wrdreg $0x0  }
0xa8: {  	s5 =	sshll.u32 s28, $0x1;
	[dreg:$0x2] =	wrdreg s3  }
0xa9: {  	[dreg:$0x3] =	wrdreg s5  }
0xaa: {  	[dreg:$0x4] =	wrdreg $0xC0  }
0xab: {  	_ =	task [dreg:s7], $0x5FFFF  }
0xac: {  	[dreg:$0x1] =	wrdreg $0xFFFFFFFF  }
0xad: {  	[dreg:$0x0] =	wrdreg $0x60  }
0xae: {  	[dreg:$0x2] =	wrdreg s24  }
0xaf: {  	[dreg:$0x3] =	wrdreg s2  }
0xb0: {  	[dreg:$0x4] =	wrdreg $0x0  }
0xb1: {  	[dreg:$0x5] =	wrdreg $0x9  }
0xb2: {  	_ =	task.clear_ibuf [dreg:s7], $0x6FFFF;
	_ =	strace $0x90000049  }
0xb3: {  	s29 =	simm.s32 $0x9;
	_ =	strace $0x8000004B  }
0xb4: {  	_ =	swait.ge [sflag:s29], $0x1  }
0xb5: {  	[sflag:s29] =	ssyncadd.s32 $0xFFFFFFFF  }
0xb6: {  	_ =	strace $0x9000004B  }
0xb7: {  	_ =	sfence  }
0xb8: {  	s30 =	sld [smem:$0x0];
	_ =	sdelay $0x2  }
0xb9: {  	s31 =	sshll.u32 s1, $0xD;
	s1 =	sshrl.u32 s1, $0x2  }
0xba: {  	s3 =	sand.u32 $0x4000, s31;
	s1 =	sadd.s32 s1, s30  }
0xbb: {  	s0 =	sor.u32 s3, s0;
	s1 =	sshll.u32 s1, $0x11  }
0xbc: {  	s0 =	sor.u32 s1, s0  }
0xbd: {  	s0 =	sadd.s32 $0x8F2B, s0  }
0xbe: {  	[sflag:s0] =	ssyncadd.remote.s32 $0x1  }
0xbf: {  	_ =	sfence.sel $0xFFFF  }
0xc0: {  	[dreg:$0x0] =	wrdreg $0xFFFFFFFF;
	(pc) =	sbr.abs _section_cstart, $3  }
0xc1: {  	[dreg:$0x1] =	wrdreg $0xFFFFFFFF  }
0xc2: {  	_ =	task.clear_ibuf [dreg:s7], $0x2FFFF;
	_ =	strace $0x9FFFFFFF  }
0xc3: {  	(tm) =	ssettm $0x7FFFFFFF  }
tec
execute0_lowered:
.L_overlay_start_1:
0x0: {  	(tag) =	ssettag $0x1  }
0x1: {  	s9 =	rddreg [dreg:$0x0]  }
0x2: {  	s10 =	rddreg [dreg:$0x1]  }
0x3: {  	s2 =	rddreg [dreg:$0x2]  }
0x4: {  	s3 =	simm.s32 $0x0;
	s1 =	stileid.u32;
	s5 =	srdreg.scid  }
0x5: {  	s18 =	simm.s32 $0x14000;
	s19 =	simm.s32 $0x14100;
	s20 =	simm.s32 $0x80  }
0x6: {  	s21 =	simm.s32 $0x14200;
	s22 =	simm.s32 $0x1;
	s23 =	simm.s32 $0x14080  }
0x7: {  	s24 =	simm.s32 $0x14180;
	s25 =	simm.s32 $0x18200;
	s26 =	simm.s32 $0x2  }
0x8: {  	s28 =	simm.s32 $0x0;
	[smem:$0x7FF] =	sst s3;
	s11 =	smul.u32 $0x14000, s1  }
0x9: {  	s4 =	sadd.s32 $0x98600, s9;
	s15 =	sadd.s32 $0x8E600, s9;
	s29 =	smul.u32 $0x50000, s1  }
0xa: {  	s7 =	sand.u32 $0x1, s5;
	s14 =	sadd.s32 $0x2600, s9;
	s13 =	smul.u32 $0x5000, s1  }
0xb: {  	s30 =	sshll.u32 s1, $0x6;
	s31 =	smul.u32 $0xA00, s1;
	_ =	strace $0x8000004A  }
0xc: {  	s8 =	ssub.s32 $0x2, s7;
	s17 =	smul.u32 $0x140000, s7;
	p0 =	seq.s32 s7, $0x1  }
0xd: {  	s6 =	sshrl.u32 s11, $0x3;
	s12 =	sshrl.u32 s8, $0x1;
	s5 =	sshrl.u32 s29, $0x2  }
0xe: {  	s13 =	sshrl.u32 s13, $0x3;
	s6 =	sadd.s32 s6, s9;
	s12 =	ssub.s32 s8, s12  }
0xf: {  	s16 =	sadd.s32 s5, s2;
	s7 =	sadd.s32 s15, s13;
	s8 =	sadd.s32 s14, s13  }
.Ltmp0:
0x10: {  	s9 =	sadd.s32 $0xBF700, s9;
	s11 =	sadd.s32 s11, s17;
	(pc) =	sbr.rel .LBB2_1-.Ltmp0, $4  }
0x11: {  	s13 =	sadd.s32 $0x9F0, s13;
	s17 =	simm.s32 $0x3;
	s5 =	sadd.s32 $0x16600, s6  }
0x12: {  	s6 =	sor.u32 $0x1C03, s30;
	s11 =	sshrl.u32 s11, $0x3;
	s16 =	sshrl.u32 s16, $0x3  }
0x13: {  	s10 =	sadd.s32 s10, s11;
	s11 =	smax.u32 s12, $0x1;
	s12 =	sadd.s32 s14, s13  }
0x14: {  	s13 =	sadd.s32 s15, s13;
	s14 =	sadd.s32 s31, s14;
	s15 =	sadd.s32 s31, s15  }
.LBB2_7:
0x15: {  	[sflag:s17] =	ssyncadd.s32 $0xFFFFC000;
	s29 =	smov.u32 s9  }
.LBB2_8:
0x16: {  	_ =	swait.ge [sflag:s22], $0x4000  }
0x17: {  	[sflag:s22] =	ssyncset.done $0x0  }
0x18: {  	[sflag:s22] =	ssyncadd.s32 $0xFFFFC000  }
0x19: {  	[tilespmem:s23], [sflag:$0x3] =	stream.linear.gather [hbm4b:s13+s3], $0x80, $0x38;
	[tilespmem:$0x1C200] =	vst v63  }
0x1a: {  	_ =	swait.ge [sflag:s17], $0x80  }
0x1b: {  	[sflag:s17] =	ssyncset.done $0x0  }
0x1c: {  	[sflag:s17] =	ssyncadd.s32 $0xFFFFFF80  }
0x1d: {  	[tilespmem:s24], [sflag:$0x3] =	stream.linear.gather [hbm4b:s12+s3], $0x80, $0x38;
	[tilespmem:$0x1C200] =	vst v63  }
0x1e: {  	_ =	swait.ge [sflag:s17], $0x80  }
0x1f: {  	[sflag:s17] =	ssyncset.done $0x0  }
0x20: {  	[sflag:s17] =	ssyncadd.s32 $0xFFFFFF80  }
0x21: {  	[tilespmem:s25], [sflag:$0x2] =	stream.indirect.gather [hbm4b:s29+s20], $0x80, s23, s20, $0xb8;
	[tilespmem:$0x1C200] =	vst v63  }
0x22: {  	_ = 	snop  }
0x23: {  	[spmem:s2] =	stream.indirect.scatter.add.f32 [tilespmem:s21], [sflag:$0x3], $0x80, s19, s20, $0xb8;
	[tilespmem:$0x1C200] =	vst v63  }
0x24: {  	_ =	swait.ge [sflag:s17], $0x4000  }
0x25: {  	[sflag:s17] =	ssyncset.done $0x0  }
0x26: {  	[sflag:s17] =	ssyncadd.s32 $0xFFFFC000  }
0x27: {  	_ =	swait.ge [sflag:s26], $0x4000  }
0x28: {  	[sflag:s26] =	ssyncset.done $0x0  }
0x29: {  	[sflag:s26] =	ssyncadd.s32 $0xFFFFC000  }
0x2a: {  	[spmem:s2] =	stream.indirect.scatter.add.f32 [tilespmem:s25], [sflag:$0x3], $0x80, s24, s20, $0xb8;
	[tilespmem:$0x1C200] =	vst v63  }
0x2b: {  	_ =	swait.ge [sflag:s17], $0x4000  }
0x2c: {  	s28 =	sadd.s32 $0x1, s28;
	[sflag:s17] =	ssyncset.done $0x0  }
0x2d: {  	p1 =	sne.s32 s28, s11;
	[sflag:s17] =	ssyncadd.s32 $0xFFFFC000  }
.Ltmp1:
0x2e: {  	[bflag:$0x0] =	sbarrier.arrive $0xFFFF;
	(pc) =	sbr.rel @!p1 .LBB2_9-.Ltmp1, $4  }
0x2f: {  	[hbm:s10], [sflag:s6] =	dma.local [spmem:s16], $0x2800  }
0x30: {  	_ =	swait.ge [sflag:s17], $0x2800  }
0x31: {  	[sflag:s17] =	ssyncset.done $0x0  }
0x32: {  	[sflag:s17] =	ssyncadd.s32 $0xFFFFD800  }
.LBB2_1:
0x33: {  	[spmem:s16], [sflag:s6] =	dma.local [hbm:s5], $0x2800  }
0x34: {  	_ =	swait.ge [sflag:s17], $0x2800  }
0x35: {  	[sflag:s17] =	ssyncset.done $0x0  }
0x36: {  	[sflag:s17] =	ssyncadd.s32 $0xFFFFD800  }
0x37: {  	[bflag:$0x0] =	sbarrier.arrive $0xFFFF  }
0x38: {  	[tilespmem:s18], [sflag:$0x3] =	stream.linear.gather [hbm4b:s7+s3], $0x80, $0x38;
	[tilespmem:$0x1C200] =	vst v63  }
0x39: {  	_ =	swait.ge [sflag:s17], $0x80  }
0x3a: {  	[sflag:s17] =	ssyncset.done $0x0  }
.Ltmp2:
0x3b: {  	[sflag:s17] =	ssyncadd.s32 $0xFFFFFF80;
	(pc) =	sbr.rel @!p0 .LBB2_2-.Ltmp2, $4  }
0x3c: {  	[tilespmem:s19], [sflag:$0x3] =	stream.linear.gather [hbm4b:s8+s3], $0x80, $0x38;
	[tilespmem:$0x1C200] =	vst v63  }
0x3d: {  	_ =	swait.ge [sflag:s17], $0x80  }
0x3e: {  	[sflag:s17] =	ssyncset.done $0x0  }
0x3f: {  	[sflag:s17] =	ssyncadd.s32 $0xFFFFFF80  }
0x40: {  	[tilespmem:s21], [sflag:$0x1] =	stream.indirect.gather [hbm4b:s9+s20], $0x80, s18, s20, $0xb8;
	[tilespmem:$0x1C200] =	vst v63  }
0x41: {  	_ =	swait.ge [sflag:s22], $0x4000  }
0x42: {  	s0 =	sadd.s32 $0xFFFFF620, s15;
	[sflag:s22] =	ssyncset.done $0x0  }
0x43: {  	s29 =	sadd.s32 $0x9F0, s0;
	[sflag:s22] =	ssyncadd.s32 $0xFFFFC000  }
0x44: {  	[tilespmem:s23], [sflag:$0x3] =	stream.linear.gather [hbm4b:s29+s3], $0x80, $0x38;
	[tilespmem:$0x1C200] =	vst v63  }
0x45: {  	_ =	swait.ge [sflag:s17], $0x80  }
0x46: {  	s29 =	sadd.s32 $0xFFFFF620, s14;
	[sflag:s17] =	ssyncset.done $0x0  }
0x47: {  	s30 =	sadd.s32 $0x9F0, s29;
	[sflag:s17] =	ssyncadd.s32 $0xFFFFFF80  }
0x48: {  	[tilespmem:s24], [sflag:$0x3] =	stream.linear.gather [hbm4b:s30+s3], $0x80, $0x38;
	[tilespmem:$0x1C200] =	vst v63  }
0x49: {  	_ =	swait.ge [sflag:s17], $0x80  }
0x4a: {  	[sflag:s17] =	ssyncset.done $0x0  }
0x4b: {  	[sflag:s17] =	ssyncadd.s32 $0xFFFFFF80  }
0x4c: {  	[tilespmem:s25], [sflag:$0x2] =	stream.indirect.gather [hbm4b:s9+s20], $0x80, s23, s20, $0xb8;
	[tilespmem:$0x1C200] =	vst v63  }
0x4d: {  	_ = 	snop  }
0x4e: {  	[spmem:s2] =	stream.indirect.scatter.add.f32 [tilespmem:s21], [sflag:$0x3], $0x80, s19, s20, $0xb8;
	[tilespmem:$0x1C200] =	vst v63  }
0x4f: {  	_ =	swait.ge [sflag:s17], $0x4000  }
0x50: {  	[sflag:s17] =	ssyncset.done $0x0  }
0x51: {  	[sflag:s17] =	ssyncadd.s32 $0xFFFFC000  }
0x52: {  	_ =	swait.ge [sflag:s26], $0x4000  }
0x53: {  	[sflag:s26] =	ssyncset.done $0x0  }
0x54: {  	s0 =	sadd.s32 $0xA00, s0;
	[sflag:s26] =	ssyncadd.s32 $0xFFFFC000  }
0x55: {  	[tilespmem:s18], [sflag:$0x3] =	stream.linear.gather [hbm4b:s0+s3], $0x80, $0x38;
	[tilespmem:$0x1C200] =	vst v63  }
0x56: {  	_ =	swait.ge [sflag:s17], $0x80  }
0x57: {  	[sflag:s17] =	ssyncset.done $0x0  }
0x58: {  	s31 =	sadd.s32 $0xA00, s29;
	[sflag:s17] =	ssyncadd.s32 $0xFFFFFF80  }
0x59: {  	[tilespmem:s19], [sflag:$0x3] =	stream.linear.gather [hbm4b:s31+s3], $0x80, $0x38;
	[tilespmem:$0x1C200] =	vst v63  }
0x5a: {  	_ =	swait.ge [sflag:s17], $0x80  }
0x5b: {  	[sflag:s17] =	ssyncset.done $0x0  }
0x5c: {  	[sflag:s17] =	ssyncadd.s32 $0xFFFFFF80  }
0x5d: {  	[tilespmem:s21], [sflag:$0x1] =	stream.indirect.gather [hbm4b:s9+s20], $0x80, s18, s20, $0xb8;
	[tilespmem:$0x1C200] =	vst v63  }
0x5e: {  	_ = 	snop  }
0x5f: {  	[spmem:s2] =	stream.indirect.scatter.add.f32 [tilespmem:s25], [sflag:$0x3], $0x80, s24, s20, $0xb8;
	[tilespmem:$0x1C200] =	vst v63  }
0x60: {  	_ =	swait.ge [sflag:s17], $0x4000  }
0x61: {  	s29 =	simm.s32 $0xFFFFF640;
	[sflag:s17] =	ssyncset.done $0x0  }
.LBB2_6:
0x62: {  	p1 =	sne.s32 s29, $0xFFFFFFE0  }
0x63: {  	[sflag:s17] =	ssyncadd.s32 $0xFFFFC000;
	s0 =	smov.u32 s29;
	s29 =	sadd.s32 $0x20, s29  }
0x64: {  	_ = 	snop  }
0x65: {  	_ =	swait.ge [sflag:s22], $0x4000  }
0x66: {  	s30 =	sadd.s32 s0, s15;
	[sflag:s22] =	ssyncset.done $0x0  }
0x67: {  	s31 =	sadd.s32 $0x9F0, s30;
	[sflag:s22] =	ssyncadd.s32 $0xFFFFC000  }
0x68: {  	[tilespmem:s23], [sflag:$0x3] =	stream.linear.gather [hbm4b:s31+s3], $0x80, $0x38;
	[tilespmem:$0x1C200] =	vst v63  }
0x69: {  	_ =	swait.ge [sflag:s17], $0x80  }
0x6a: {  	s0 =	sadd.s32 s0, s14;
	[sflag:s17] =	ssyncset.done $0x0  }
0x6b: {  	s31 =	sadd.s32 $0x9F0, s0;
	[sflag:s17] =	ssyncadd.s32 $0xFFFFFF80  }
0x6c: {  	[tilespmem:s24], [sflag:$0x3] =	stream.linear.gather [hbm4b:s31+s3], $0x80, $0x38;
	[tilespmem:$0x1C200] =	vst v63  }
0x6d: {  	_ =	swait.ge [sflag:s17], $0x80  }
0x6e: {  	[sflag:s17] =	ssyncset.done $0x0  }
0x6f: {  	[sflag:s17] =	ssyncadd.s32 $0xFFFFFF80  }
0x70: {  	[tilespmem:s25], [sflag:$0x2] =	stream.indirect.gather [hbm4b:s9+s20], $0x80, s23, s20, $0xb8;
	[tilespmem:$0x1C200] =	vst v63  }
0x71: {  	_ = 	snop  }
0x72: {  	[spmem:s2] =	stream.indirect.scatter.add.f32 [tilespmem:s21], [sflag:$0x3], $0x80, s19, s20, $0xb8;
	[tilespmem:$0x1C200] =	vst v63  }
0x73: {  	_ =	swait.ge [sflag:s17], $0x4000  }
0x74: {  	[sflag:s17] =	ssyncset.done $0x0  }
0x75: {  	[sflag:s17] =	ssyncadd.s32 $0xFFFFC000  }
0x76: {  	_ =	swait.ge [sflag:s26], $0x4000  }
0x77: {  	[sflag:s26] =	ssyncset.done $0x0  }
0x78: {  	s30 =	sadd.s32 $0xA00, s30;
	[sflag:s26] =	ssyncadd.s32 $0xFFFFC000  }
0x79: {  	[tilespmem:s18], [sflag:$0x3] =	stream.linear.gather [hbm4b:s30+s3], $0x80, $0x38;
	[tilespmem:$0x1C200] =	vst v63  }
0x7a: {  	_ =	swait.ge [sflag:s17], $0x80  }
0x7b: {  	[sflag:s17] =	ssyncset.done $0x0  }
0x7c: {  	s0 =	sadd.s32 $0xA00, s0;
	[sflag:s17] =	ssyncadd.s32 $0xFFFFFF80  }
0x7d: {  	[tilespmem:s19], [sflag:$0x3] =	stream.linear.gather [hbm4b:s0+s3], $0x80, $0x38;
	[tilespmem:$0x1C200] =	vst v63  }
0x7e: {  	_ =	swait.ge [sflag:s17], $0x80  }
0x7f: {  	[sflag:s17] =	ssyncset.done $0x0  }
0x80: {  	[sflag:s17] =	ssyncadd.s32 $0xFFFFFF80  }
0x81: {  	[tilespmem:s21], [sflag:$0x1] =	stream.indirect.gather [hbm4b:s9+s20], $0x80, s18, s20, $0xb8;
	[tilespmem:$0x1C200] =	vst v63  }
.Ltmp3:
0x82: {  	_ = 	snop;
	(pc) =	sbr.rel @p1 .LBB2_6-.Ltmp3, $4  }
0x83: {  	_ = 	snop  }
0x84: {  	[spmem:s2] =	stream.indirect.scatter.add.f32 [tilespmem:s25], [sflag:$0x3], $0x80, s24, s20, $0xb8;
	[tilespmem:$0x1C200] =	vst v63  }
0x85: {  	_ =	swait.ge [sflag:s17], $0x4000  }
0x86: {  	[sflag:s17] =	ssyncset.done $0x0  }
.Ltmp4:
0x87: {  	_ = 	snop;
	(pc) =	sbr.rel .LBB2_7-.Ltmp4, $1  }
0x88: {  	_ =	sdelay $0x3  }
.LBB2_2:
0x89: {  	[tilespmem:s21], [sflag:$0x1] =	stream.indirect.gather [hbm4b:s4+s20], $0x80, s18, s20, $0xb8;
	[tilespmem:$0x1C200] =	vst v63  }
0x8a: {  	_ =	swait.ge [sflag:s22], $0x4000  }
0x8b: {  	s29 =	sadd.s32 $0xFFFFF620, s15;
	[sflag:s22] =	ssyncset.done $0x0  }
0x8c: {  	s30 =	sadd.s32 $0x9F0, s29;
	[sflag:s22] =	ssyncadd.s32 $0xFFFFC000  }
0x8d: {  	[tilespmem:s23], [sflag:$0x3] =	stream.linear.gather [hbm4b:s30+s3], $0x80, $0x38;
	[tilespmem:$0x1C200] =	vst v63  }
0x8e: {  	_ =	swait.ge [sflag:s17], $0x80  }
0x8f: {  	s0 =	sadd.s32 $0xFFFFF620, s14;
	[sflag:s17] =	ssyncset.done $0x0  }
0x90: {  	s31 =	sadd.s32 $0x9F0, s0;
	[sflag:s17] =	ssyncadd.s32 $0xFFFFFF80  }
0x91: {  	[tilespmem:s24], [sflag:$0x3] =	stream.linear.gather [hbm4b:s31+s3], $0x80, $0x38;
	[tilespmem:$0x1C200] =	vst v63  }
0x92: {  	_ =	swait.ge [sflag:s17], $0x80  }
0x93: {  	[sflag:s17] =	ssyncset.done $0x0  }
0x94: {  	[sflag:s17] =	ssyncadd.s32 $0xFFFFFF80  }
0x95: {  	[tilespmem:s25], [sflag:$0x2] =	stream.indirect.gather [hbm4b:s4+s20], $0x80, s23, s20, $0xb8;
	[tilespmem:$0x1C200] =	vst v63  }
0x96: {  	_ = 	snop  }
0x97: {  	[spmem:s2] =	stream.indirect.scatter.add.f32 [tilespmem:s21], [sflag:$0x3], $0x80, s19, s20, $0xb8;
	[tilespmem:$0x1C200] =	vst v63  }
0x98: {  	_ =	swait.ge [sflag:s17], $0x4000  }
0x99: {  	[sflag:s17] =	ssyncset.done $0x0  }
0x9a: {  	[sflag:s17] =	ssyncadd.s32 $0xFFFFC000  }
0x9b: {  	_ =	swait.ge [sflag:s26], $0x4000  }
0x9c: {  	[sflag:s26] =	ssyncset.done $0x0  }
0x9d: {  	s29 =	sadd.s32 $0xA00, s29;
	[sflag:s26] =	ssyncadd.s32 $0xFFFFC000  }
0x9e: {  	[tilespmem:s18], [sflag:$0x3] =	stream.linear.gather [hbm4b:s29+s3], $0x80, $0x38;
	[tilespmem:$0x1C200] =	vst v63  }
0x9f: {  	_ =	swait.ge [sflag:s17], $0x80  }
0xa0: {  	[sflag:s17] =	ssyncset.done $0x0  }
0xa1: {  	s29 =	sadd.s32 $0xA00, s0;
	[sflag:s17] =	ssyncadd.s32 $0xFFFFFF80  }
0xa2: {  	[tilespmem:s19], [sflag:$0x3] =	stream.linear.gather [hbm4b:s29+s3], $0x80, $0x38;
	[tilespmem:$0x1C200] =	vst v63  }
0xa3: {  	_ =	swait.ge [sflag:s17], $0x80  }
0xa4: {  	[sflag:s17] =	ssyncset.done $0x0  }
0xa5: {  	[sflag:s17] =	ssyncadd.s32 $0xFFFFFF80  }
0xa6: {  	[tilespmem:s21], [sflag:$0x1] =	stream.indirect.gather [hbm4b:s4+s20], $0x80, s18, s20, $0xb8;
	[tilespmem:$0x1C200] =	vst v63  }
0xa7: {  	_ = 	snop  }
0xa8: {  	[spmem:s2] =	stream.indirect.scatter.add.f32 [tilespmem:s25], [sflag:$0x3], $0x80, s24, s20, $0xb8;
	[tilespmem:$0x1C200] =	vst v63  }
0xa9: {  	_ =	swait.ge [sflag:s17], $0x4000  }
0xaa: {  	s29 =	simm.s32 $0xFFFFF640;
	[sflag:s17] =	ssyncset.done $0x0  }
.LBB2_3:
0xab: {  	p1 =	seq.s32 s29, $0xFFFFFFE0  }
0xac: {  	[sflag:s17] =	ssyncadd.s32 $0xFFFFC000;
	s30 =	smov.u32 s29;
	s29 =	sadd.s32 $0x20, s29  }
0xad: {  	_ = 	snop  }
0xae: {  	_ =	swait.ge [sflag:s22], $0x4000  }
0xaf: {  	s31 =	sadd.s32 s30, s15;
	[sflag:s22] =	ssyncset.done $0x0  }
0xb0: {  	s0 =	sadd.s32 $0x9F0, s31;
	[sflag:s22] =	ssyncadd.s32 $0xFFFFC000  }
0xb1: {  	[tilespmem:s23], [sflag:$0x3] =	stream.linear.gather [hbm4b:s0+s3], $0x80, $0x38;
	[tilespmem:$0x1C200] =	vst v63  }
0xb2: {  	_ =	swait.ge [sflag:s17], $0x80  }
0xb3: {  	s0 =	sadd.s32 s30, s14;
	[sflag:s17] =	ssyncset.done $0x0  }
0xb4: {  	s30 =	sadd.s32 $0x9F0, s0;
	[sflag:s17] =	ssyncadd.s32 $0xFFFFFF80  }
0xb5: {  	[tilespmem:s24], [sflag:$0x3] =	stream.linear.gather [hbm4b:s30+s3], $0x80, $0x38;
	[tilespmem:$0x1C200] =	vst v63  }
0xb6: {  	_ =	swait.ge [sflag:s17], $0x80  }
0xb7: {  	[sflag:s17] =	ssyncset.done $0x0  }
0xb8: {  	[sflag:s17] =	ssyncadd.s32 $0xFFFFFF80  }
0xb9: {  	[tilespmem:s25], [sflag:$0x2] =	stream.indirect.gather [hbm4b:s4+s20], $0x80, s23, s20, $0xb8;
	[tilespmem:$0x1C200] =	vst v63  }
0xba: {  	_ = 	snop  }
0xbb: {  	[spmem:s2] =	stream.indirect.scatter.add.f32 [tilespmem:s21], [sflag:$0x3], $0x80, s19, s20, $0xb8;
	[tilespmem:$0x1C200] =	vst v63  }
0xbc: {  	_ =	swait.ge [sflag:s17], $0x4000  }
0xbd: {  	[sflag:s17] =	ssyncset.done $0x0  }
0xbe: {  	[sflag:s17] =	ssyncadd.s32 $0xFFFFC000  }
0xbf: {  	_ =	swait.ge [sflag:s26], $0x4000  }
0xc0: {  	[sflag:s26] =	ssyncset.done $0x0  }
0xc1: {  	s30 =	sadd.s32 $0xA00, s31;
	[sflag:s26] =	ssyncadd.s32 $0xFFFFC000  }
0xc2: {  	[tilespmem:s18], [sflag:$0x3] =	stream.linear.gather [hbm4b:s30+s3], $0x80, $0x38;
	[tilespmem:$0x1C200] =	vst v63  }
0xc3: {  	_ =	swait.ge [sflag:s17], $0x80  }
0xc4: {  	[sflag:s17] =	ssyncset.done $0x0  }
0xc5: {  	s0 =	sadd.s32 $0xA00, s0;
	[sflag:s17] =	ssyncadd.s32 $0xFFFFFF80  }
0xc6: {  	[tilespmem:s19], [sflag:$0x3] =	stream.linear.gather [hbm4b:s0+s3], $0x80, $0x38;
	[tilespmem:$0x1C200] =	vst v63  }
0xc7: {  	_ =	swait.ge [sflag:s17], $0x80  }
0xc8: {  	[sflag:s17] =	ssyncset.done $0x0  }
0xc9: {  	[sflag:s17] =	ssyncadd.s32 $0xFFFFFF80  }
0xca: {  	[tilespmem:s21], [sflag:$0x1] =	stream.indirect.gather [hbm4b:s4+s20], $0x80, s18, s20, $0xb8;
	[tilespmem:$0x1C200] =	vst v63  }
.Ltmp5:
0xcb: {  	_ = 	snop;
	(pc) =	sbr.rel @!p1 .LBB2_3-.Ltmp5, $4  }
0xcc: {  	_ = 	snop  }
0xcd: {  	[spmem:s2] =	stream.indirect.scatter.add.f32 [tilespmem:s25], [sflag:$0x3], $0x80, s24, s20, $0xb8;
	[tilespmem:$0x1C200] =	vst v63  }
0xce: {  	_ =	swait.ge [sflag:s17], $0x4000  }
0xcf: {  	[sflag:s17] =	ssyncset.done $0x0  }
.Ltmp6:
0xd0: {  	(pc) =	sbr.rel .LBB2_8-.Ltmp6, $2  }
0xd1: {  	_ =	sdelay $0x2  }
0xd2: {  	[sflag:s17] =	ssyncadd.s32 $0xFFFFC000;
	s29 =	smov.u32 s4  }
.LBB2_9:
0xd3: {  	_ =	sfence.sel $0x180000  }
0xd4: {  	[bflag:$0x0] =	sbarrier.arrive $0xFFFF  }
0xd5: {  	_ =	strace $0x9000004A  }
0xd6: {  	[bflag:$0x2] =	sbarrier.arrive $0xFFFF  }
0xd7: {  	p0 =	sne.s32 s1, $0x0;
	s0 =	rddreg [dreg:$0x3]  }
0xd8: {  	s0 =	sadd.s32 @!p0 $0x100000, s0  }
0xd9: {  	[sflag:s0] =	ssyncadd.tile.s32 @!p0 $0x1;
	_ =	shalt  }
.Lfunc_end2:
_tile_overlayer_lowered:
.L_overlay_start_2:
0xda: {  	(tag) =	ssettag $0x2  }
0xdb: {  	s0 =	rddreg [dreg:$0x0];
	s2 =	stileid.u32  }
0xdc: {  	s1 =	rddreg [dreg:$0x1];
	p0 =	sne.s32 s2, $0x0  }
0xdd: {  	s3 =	rddreg [dreg:$0x2];
	[bflag:$0x3] =	sbarrier.arrive $0xFFFF;
	s2 =	simm.s32 @!p0 $0x1C03  }
0xde: {  	[timem:s3], [sflag:s2] =	dma.local @!p0 [hbm:s0], s1  }
0xdf: {  	s0 =	simm.s32 @!p0 $0x3  }
0xe0: {  	_ =	swait.ge @!p0 [sflag:s0], s1  }
0xe1: {  	s1 =	ssub.s32 @!p0 $0x0, s1;
	[sflag:s0] =	ssyncset.done @!p0 $0x0  }
0xe2: {  	[sflag:s0] =	ssyncadd.s32 @!p0 s1  }
0xe3: {  	[bflag:$0x3] =	sbarrier.arrive $0xFFFF  }
0xe4: {  	_ =	shalt  }

// kernel: kernel.14.cloned.1.call-start
scs
__scs_entry_jumppad:
0x0: {  	(pc) =	sbr.rel $0x88, $3  }
0x1: {  	(tag) =	ssettag $0x0;
	lr =	simm.s32 $0x1  }
0x2: {  	[smem:$0x3F99] =	sst lr;
	_ =	strace $0xD0000000  }
0x3: {  	_ = 	snop  }
0x4: {  	_ = 	snop  }
0x5: {  	_ = 	snop  }
0x6: {  	_ = 	snop  }
0x7: {  	_ = 	snop  }
__scs_overlays_trampoline_lowered:
0x8: {  	[smem:$0x3FA8] =	sst s0  }
0x9: {  	[smem:$0x3FA9] =	sst s1  }
0xa: {  	[smem:$0x3FAA] =	sst s2  }
0xb: {  	[smem:$0x3FAB] =	sst s3  }
0xc: {  	[smem:$0x3FAC] =	sst s4  }
0xd: {  	[smem:$0x3FAD] =	sst s5  }
0xe: {  	[smem:$0x3FAE] =	sst s6  }
0xf: {  	[smem:$0x3FAF] =	sst s7  }
0x10: {  	[smem:$0x3FB0] =	sst s8  }
0x11: {  	[smem:$0x3FB1] =	sst s9;
	s0 =	simm.s32 @!p0 $0x0  }
0x12: {  	s1 =	sld [smem:$0x3F97];
	s0 =	simm.s32 @p0 $0x1  }
0x13: {  	[smem:$0x3FB2] =	sst s0;
	s0 =	simm.s32 @!p1 $0x0  }
0x14: {  	s2 =	sld [smem:$0x3F96];
	s0 =	simm.s32 @p1 $0x1  }
0x15: {  	[smem:$0x3FB3] =	sst s0;
	s0 =	simm.s32 @!p2 $0x0  }
0x16: {  	s3 =	sld [smem:$0x3FDB];
	s0 =	simm.s32 @p2 $0x1  }
0x17: {  	s4 =	simm.s32 $0x1BF5;
	[smem:$0x3FB5] =	sst s0  }
0x18: {  	s0 =	sld [smem:$0x3F98];
	_ =	swait.ge [sflag:s4], $0x0  }
0x19: {  	s7 =	sld [smem:$0x3F99]  }
0x1a: {  	s8 =	sadd.s32 $0xFFFFE003, lr  }
0x1b: {  	s9 =	sadd.s32 $0xFFFFFEF7, lr;
	s5 =	simm.s32 $0xFFFFFFFF;
	p2 =	slt.u32 s8, $0xFFFFF086  }
0x1c: {  	p1 =	slt.u32 s9, $0xF7A;
	s5 =	simm.s32 @!p2 $0x0  }
0x1d: {  	s5 =	simm.s32 @p1 $0x1;
	p0 =	seq.s32 s7, s2  }
0x1e: {  	s7 =	smul.u32 @!p0 $0xF7A, s2;
	p2 =	seq.s32 @!p0 s5, $0x0  }
0x1f: {  	s9 =	smul.u32 $0xF7A, s1;
	s8 =	simm.s32 @!p0 $0x1BF5;
	p2 =	por !p2, p0  }
0x20: {  	[sflag:s8] =	ssyncset.s32 @!p0 $0xFFFFF086;
	s6 =	sadd.s32 @!p0 s3, s7;
	s7 =	simm.s32 @!p0 $0x108  }
0x21: {  	s3 =	sadd.s32 s3, s9;
	s6 =	sadd.s32 @!p0 $0x88, s6;
	s7 =	simm.s32 @p2 $0x1082  }
0x22: {  	[simem:s7], [sflag:s8] =	dma.local @!p0 [hbm:s6], $0xF7A  }
0x23: {  	s9 =	sor.u32 $0xD0000000, s2;
	s6 =	simm.s32 $0x108;
	_ =	swait.ge @!p0 [sflag:s8], $0x0  }
0x24: {  	s3 =	sadd.s32 $0x88, s3;
	s6 =	simm.s32 @!p1 $0x1082;
	[sflag:s4] =	ssyncset.s32 $0xFFFFF086  }
0x25: {  	[simem:s6], [sflag:s4] =	dma.local [hbm:s3], $0xF7A  }
0x26: {  	[smem:$0x3F99] =	sst s1;
	(tag) =	ssettag s2;
	_ =	strace s9  }
0x27: {  	s1 =	sld [smem:$0x3FA9]  }
0x28: {  	s2 =	sld [smem:$0x3FAA]  }
0x29: {  	s4 =	sld [smem:$0x3FAC]  }
0x2a: {  	p0 =	seq.s32 s5, $0x0;
	s5 =	sld [smem:$0x3FAD]  }
0x2b: {  	s6 =	sld [smem:$0x3FAE]  }
0x2c: {  	s7 =	sld [smem:$0x3FAF]  }
0x2d: {  	s3 =	simm.s32 $0x108;
	s8 =	sld [smem:$0x3FB0]  }
0x2e: {  	s3 =	simm.s32 @!p0 $0x1082;
	s9 =	sld [smem:$0x3FB1]  }
0x2f: {  	lr =	sadd.s32 s0, s3;
	s0 =	sld [smem:$0x3FA8]  }
0x30: {  	s3 =	sld [smem:$0x3FAB]  }
0x31: {  	[smem:$0x3FB4] =	sst s10  }
0x32: {  	s10 =	sld [smem:$0x3FB2];
	_ =	sdelay $0x3  }
0x33: {  	p0 =	seq.s32 s10, $0x1;
	s10 =	sld [smem:$0x3FB4];
	_ =	sdelay $0x3  }
0x34: {  	[smem:$0x3FB4] =	sst s10  }
0x35: {  	s10 =	sld [smem:$0x3FB3];
	_ =	sdelay $0x3  }
0x36: {  	p1 =	seq.s32 s10, $0x1;
	s10 =	sld [smem:$0x3FB4];
	_ =	sdelay $0x3  }
0x37: {  	[smem:$0x3FB4] =	sst s10  }
0x38: {  	s10 =	sld [smem:$0x3FB5]  }
0x39: {  	_ = 	snop;
	(pc) =	sbr.ind lr, $3  }
0x3a: {  	_ = 	snop  }
0x3b: {  	_ = 	snop  }
0x3c: {  	p2 =	seq.s32 s10, $0x1;
	s10 =	sld [smem:$0x3FB4]  }
0x3d: {  	_ =	shalt  }
0x3e: {  	_ =	shalt  }
0x3f: {  	_ =	shalt  }
0x40: {  	_ =	shalt  }
0x41: {  	_ =	shalt  }
0x42: {  	_ =	shalt  }
0x43: {  	_ =	shalt  }
0x44: {  	_ =	shalt  }
0x45: {  	_ =	shalt  }
0x46: {  	_ =	shalt  }
0x47: {  	_ =	shalt  }
0x48: {  	_ =	shalt  }
0x49: {  	_ =	shalt  }
0x4a: {  	_ =	shalt  }
0x4b: {  	_ =	shalt  }
0x4c: {  	_ =	shalt  }
0x4d: {  	_ =	shalt  }
0x4e: {  	_ =	shalt  }
0x4f: {  	_ =	shalt  }
0x50: {  	_ =	shalt  }
0x51: {  	_ =	shalt  }
0x52: {  	_ =	shalt  }
0x53: {  	_ =	shalt  }
0x54: {  	_ =	shalt  }
0x55: {  	_ =	shalt  }
0x56: {  	_ =	shalt  }
0x57: {  	_ =	shalt  }
0x58: {  	_ =	shalt  }
0x59: {  	_ =	shalt  }
0x5a: {  	_ =	shalt  }
0x5b: {  	_ =	shalt  }
0x5c: {  	_ =	shalt  }
0x5d: {  	_ =	shalt  }
0x5e: {  	_ =	shalt  }
0x5f: {  	_ =	shalt  }
0x60: {  	_ =	shalt  }
0x61: {  	_ =	shalt  }
0x62: {  	_ =	shalt  }
0x63: {  	_ =	shalt  }
0x64: {  	_ =	shalt  }
0x65: {  	_ =	shalt  }
0x66: {  	_ =	shalt  }
0x67: {  	_ =	shalt  }
0x68: {  	_ =	shalt  }
0x69: {  	_ =	shalt  }
0x6a: {  	_ =	shalt  }
0x6b: {  	_ =	shalt  }
0x6c: {  	_ =	shalt  }
0x6d: {  	_ =	shalt  }
0x6e: {  	_ =	shalt  }
0x6f: {  	_ =	shalt  }
0x70: {  	_ =	shalt  }
0x71: {  	_ =	shalt  }
0x72: {  	_ =	shalt  }
0x73: {  	_ =	shalt  }
0x74: {  	_ =	shalt  }
0x75: {  	_ =	shalt  }
0x76: {  	_ =	shalt  }
0x77: {  	_ =	shalt  }
0x78: {  	_ =	shalt  }
0x79: {  	_ =	shalt  }
0x7a: {  	_ =	shalt  }
0x7b: {  	_ =	shalt  }
0x7c: {  	_ =	shalt  }
0x7d: {  	_ =	shalt  }
0x7e: {  	_ =	shalt  }
0x7f: {  	_ =	shalt  }
0x80: {  	_ =	shalt  }
0x81: {  	_ =	shalt  }
0x82: {  	_ =	shalt  }
0x83: {  	_ =	shalt  }
0x84: {  	_ =	shalt  }
0x85: {  	_ =	shalt  }
0x86: {  	_ =	shalt  }
0x87: {  	_ =	shalt  }
.Lfunc_end0:
.L_simem_size_0:
called_computation.2_lowered:
.L_overlay_start_0:
0x88: {  	s2 =	sld [smem:$0x3FD9]  }
0x89: {  	s3 =	sld [smem:$0x3FFE];
	_ =	sdelay $0x1  }
0x8a: {  	s1 =	srdreg.scid  }
0x8b: {  	s0 =	sand.u32 $0x1, s1  }
0x8c: {  	s17 =	sshll.u32 s0, $0xA;
	s2 =	sadd.s32 s3, s2  }
0x8d: {  	s2 =	sadd.s32 s2, s17  }
0x8e: {  	[smem:$0x3FC0] =	sst s2  }
0x8f: {  	_ = 	snop  }
0x90: {  	s2 =	sld [smem:$0x3FD0];
	(tm) =	ssettm $0x1  }
0x91: {  	s18 =	sld [smem:$0x3FFB];
	_ =	sdelay $0x3  }
0x92: {  	_ =	strace s18  }
0x93: {  	s3 =	sld [smem:$0x3FFC];
	_ =	sdelay $0x3  }
0x94: {  	_ =	strace s3  }
0x95: {  	s3 =	sld [smem:$0x3FFD];
	_ =	sdelay $0x3  }
0x96: {  	_ =	strace s3  }
0x97: {  	_ =	strace $0x8FFFFFFF  }
0x98: {  	s19 =	sld [smem:$0x3FDB];
	_ =	sdelay $0x1  }
0x99: {  	s4 =	simm.s32 $_scs_section_size  }
0x9a: {  	s5 =	simm.s32 $_size__tile_overlayer_lowered;
	s6 =	simm.s32 $_tile_overlayer_lowered  }
0x9b: {  	s22 =	simm.s32 $0x1BFF;
	s21 =	sshll.u32 s6, $0x1;
	s3 =	sadd.s32 s4, s19  }
0x9c: {  	s7 =	simm.s32 $0x0;
	s20 =	sshll.u32 s5, $0x1;
	s5 =	sadd.s32 s21, s3  }
0x9d: {  	[timem:s7], [sflag:s22] =	dma.local [hbm:s5], s20  }
0x9e: {  	_ =	swait.ge [sflag:s22], s20  }
0x9f: {  	s4 =	ssub.s32 $0x0, s20;
	[sflag:s22] =	ssyncset.done $0x0  }
0xa0: {  	[sflag:s22] =	ssyncadd.s32 s4;
	_ =	sdelay $0x1  }
0xa1: {  	s23 =	simm.s32 $0x1B8B  }
0xa2: {  	_ =	swait.ge [sflag:s23], $0x1  }
0xa3: {  	[sflag:s23] =	ssyncset.done $0x0  }
0xa4: {  	s25 =	simm.s32 $0x1B8E;
	s24 =	sld [smem:$0x3FFE];
	[sflag:s23] =	ssyncadd.s32 $0xFFFFFFFF  }
0xa5: {  	s26 =	simm.s32 $execute0_lowered;
	[smem:$0x3FD2] =	sst s25  }
0xa6: {  	s5 =	sshll.u32 s26, $0x1;
	_ =	strace $0x8000004C;
	[dreg:$0x1] =	wrdreg $0xFFFFFFFF  }
0xa7: {  	s28 =	simm.s32 $_size_execute0_lowered;
	s3 =	sadd.s32 s3, s5;
	[dreg:$0x0] =	wrdreg $0x0  }
0xa8: {  	s5 =	sshll.u32 s28, $0x1;
	[dreg:$0x2] =	wrdreg s3  }
0xa9: {  	[dreg:$0x3] =	wrdreg s5  }
0xaa: {  	[dreg:$0x4] =	wrdreg $0xC0  }
0xab: {  	_ =	task [dreg:s7], $0x5FFFF  }
0xac: {  	[dreg:$0x1] =	wrdreg $0xFFFFFFFF  }
0xad: {  	[dreg:$0x0] =	wrdreg $0x60  }
0xae: {  	[dreg:$0x2] =	wrdreg s2  }
0xaf: {  	[dreg:$0x3] =	wrdreg s24  }
0xb0: {  	[dreg:$0x4] =	wrdreg $0x9  }
0xb1: {  	_ =	task.clear_ibuf [dreg:s7], $0x5FFFF;
	_ =	strace $0x9000004C  }
0xb2: {  	s29 =	simm.s32 $0x9;
	_ =	strace $0x8000004E  }
0xb3: {  	_ =	swait.ge [sflag:s29], $0x1  }
0xb4: {  	[sflag:s29] =	ssyncadd.s32 $0xFFFFFFFF  }
0xb5: {  	_ =	strace $0x9000004E  }
0xb6: {  	_ =	sfence  }
0xb7: {  	s30 =	sld [smem:$0x0];
	_ =	sdelay $0x2  }
0xb8: {  	s31 =	sshll.u32 s1, $0xD;
	s1 =	sshrl.u32 s1, $0x2  }
0xb9: {  	s3 =	sand.u32 $0x4000, s31;
	s1 =	sadd.s32 s1, s30  }
0xba: {  	s0 =	sor.u32 s3, s0;
	s1 =	sshll.u32 s1, $0x11  }
0xbb: {  	s0 =	sor.u32 s1, s0  }
0xbc: {  	s0 =	sadd.s32 $0x8F2B, s0  }
0xbd: {  	[sflag:s0] =	ssyncadd.remote.s32 $0x1  }
0xbe: {  	_ =	sfence.sel $0xFFFF  }
0xbf: {  	[dreg:$0x0] =	wrdreg $0xFFFFFFFF;
	(pc) =	sbr.abs _section_cstart, $3  }
0xc0: {  	[dreg:$0x1] =	wrdreg $0xFFFFFFFF  }
0xc1: {  	_ =	task.clear_ibuf [dreg:s7], $0x2FFFF;
	_ =	strace $0x9FFFFFFF  }
0xc2: {  	(tm) =	ssettm $0x7FFFFFFF  }
0xc3: {  	_ =	shalt  }
tec
execute0_lowered:
.L_overlay_start_1:
0x0: {  	(tag) =	ssettag $0x1  }
0x1: {  	s1 =	rddreg [dreg:$0x0]  }
0x2: {  	s0 =	rddreg [dreg:$0x1]  }
0x3: {  	s2 =	simm.s32 $0x0;
	s3 =	srdreg.scid;
	s11 =	stileid.u32  }
0x4: {  	s13 =	simm.s32 $0x5;
	s15 =	simm.s32 $0x200;
	s12 =	simm.s32 $0x5200  }
0x5: {  	s28 =	simm.s32 $0x10200;
	s29 =	simm.s32 $0x10A00;
	s30 =	simm.s32 $0x11200  }
0x6: {  	s31 =	simm.s32 $0x11A00;
	s14 =	simm.s32 $0x2;
	s16 =	simm.s32 $0x4  }
0x7: {  	s18 =	simm.s32 $0x0;
	[smem:$0x7FF] =	sst s2;
	s3 =	sand.u32 $0x1, s3  }
0x8: {  	s4 =	sadd.s32 $0x16600, s0;
	s5 =	sshll.u32 s11, $0x7;
	s7 =	sadd.s32 $0x8E600, s0  }
0x9: {  	s21 =	sadd.s32 $0xC600, s0;
	s10 =	smul.u32 $0x50000, s11;
	_ =	strace $0x8000004D  }
0xa: {  	s6 =	sshll.u32 s3, $0xB;
	s8 =	smul.u32 $0x500000, s3;
	s9 =	ssub.s32 $0x2, s3  }
0xb: {  	s3 =	smul.u32 $0x5000, s3;
	s5 =	sor.u32 s6, s5;
	s22 =	sshrl.u32 s9, $0x1  }
0xc: {  	s6 =	simm.s32 $0x13A00;
	s5 =	smul.u32 $0xA, s5;
	s0 =	sadd.s32 s8, s0  }
0xd: {  	s8 =	ssub.s32 s9, s22;
	s25 =	sadd.s32 s3, s7;
	s26 =	sadd.s32 s3, s21  }
0xe: {  	s3 =	simm.s32 $0x12A00;
	s24 =	smax.u32 s8, $0x1;
	[dreg:$0x6] =	wrdreg s25  }
0xf: {  	s0 =	sadd.s32 s10, s0;
	s10 =	smul.u32 $0x500, s11;
	[dreg:$0x7] =	wrdreg s26  }
.Ltmp0:
0x10: {  	s25 =	simm.s32 $0xA200;
	s26 =	simm.s32 $0xFA00;
	(pc) =	sbr.rel .LBB2_1-.Ltmp0, $4  }
0x11: {  	s11 =	simm.s32 $0x3;
	s23 =	sadd.s32 s7, s5;
	s5 =	sadd.s32 s21, s5  }
0x12: {  	v2 =	vlaneseq.u32;
	[dreg:$0x5] =	wrdreg s24;
	s8 =	sadd.s32 $0x98600, s0;
	s9 =	sadd.s32 $0xA98600, s0  }
0x13: {  	vm0 =	vmmov $0xffff;
	v1 =	vshrl.u32 v2, $0x3;
	s24 =	simm.s32 $0xF200;
	s0 =	simm.s32 $0x12200;
	[dreg:$0x3] =	wrdreg s23  }
0x14: {  	v0 =	vand.u32 $0x7, v2;
	v2 =	vor.u32 $0x8, v2;
	v1 =	vmul.u32 $0x8, v1;
	s7 =	simm.s32 $0x1;
	[dreg:$0x4] =	wrdreg s5;
	s5 =	simm.s32 $0x13200  }
.LBB2_5:
0x15: {  	s18 =	rddreg [dreg:$0x8]  }
0x16: {  	s17 =	rddreg [dreg:$0x5];
	s18 =	sadd.s32 $0x1, s18  }
0x17: {  	p0 =	sne.s32 s18, s17  }
.Ltmp1:
0x18: {  	_ = 	snop;
	(pc) =	sbr.rel @!p0 .LBB2_6-.Ltmp1, $1  }
0x19: {  	_ =	sdelay $0x3  }
.LBB2_1:
0x1a: {  	[dreg:$0x8] =	wrdreg s18  }
0x1b: {  	s17 =	rddreg [dreg:$0x3]  }
0x1c: {  	[tilespmem:s2], [sflag:$0x5] =	stream.linear.gather [hbm4b:s17+s2], $0x50, $0x38;
	[tilespmem:$0x14200] =	vst v63  }
0x1d: {  	_ =	swait.ge [sflag:s13], $0x50  }
0x1e: {  	[sflag:s13] =	ssyncset.done $0x0  }
0x1f: {  	s23 =	simm.s32 $0x100;
	s22 =	rddreg [dreg:$0x4];
	[sflag:s13] =	ssyncadd.s32 $0xFFFFFFB0  }
0x20: {  	[tilespmem:s23], [sflag:$0x5] =	stream.linear.gather [hbm4b:s22+s2], $0x50, $0x38;
	[tilespmem:$0x14200] =	vst v63  }
0x21: {  	_ =	swait.ge [sflag:s13], $0x50  }
0x22: {  	[sflag:s13] =	ssyncset.done $0x0  }
0x23: {  	[sflag:s13] =	ssyncadd.s32 $0xFFFFFFB0  }
0x24: {  	v3 =	vld [tilespmem:$0x0];
	_ =	sdelay $0x4  }
0x25: {  	v4 =	vshll.u32 v3, $0x1  }
0x26: {  	v3 =	vand.u32 $0x7, v3;
	v4 =	vand.u32 $0xFFFFFFF0, v4  }
0x27: {  	v3 =	vor.u32 v3, v4  }
0x28: {  	v4 =	vperm.xlane v3, v0;
	_ =	sdelay $0x1  }
0x29: {  	v3 =	vperm.xlane v3, v2;
	v4 =	vadd.s32 v1, v4;
	_ =	sdelay $0x1  }
0x2a: {  	v3 =	vadd.s32 v1, v3;
	_ =	sdelay $0x2  }
0x2b: {  	[tilespmem:s15], [sflag:$0x1] =	stream.indirect_vreg.gather [hbm4b:s1+s2], $0x80, v4, vm0, $0xb8;
	[tilespmem:$0x14200] =	vst v63  }
0x2c: {  	s18 =	simm.s32 $0xA00  }
0x2d: {  	[tilespmem:s18], [sflag:$0x1] =	stream.indirect_vreg.gather [hbm4b:s1+s2], $0x80, v3, vm0, $0xb8;
	[tilespmem:$0x14200] =	vst v63  }
0x2e: {  	v3 =	vld [tilespmem:$0x10];
	_ =	sdelay $0x4  }
0x2f: {  	v55 =	vshll.u32 v3, $0x1  }
0x30: {  	v3 =	vand.u32 $0x7, v3;
	v4 =	vand.u32 $0xFFFFFFF0, v55  }
0x31: {  	v3 =	vor.u32 v3, v4  }
0x32: {  	v4 =	vperm.xlane v3, v0;
	_ =	sdelay $0x1  }
0x33: {  	v3 =	vperm.xlane v3, v2;
	v4 =	vadd.s32 v1, v4;
	_ =	sdelay $0x1  }
0x34: {  	v3 =	vadd.s32 v1, v3;
	_ =	sdelay $0x1  }
0x35: {  	s19 =	simm.s32 $0x1200  }
0x36: {  	[tilespmem:s19], [sflag:$0x1] =	stream.indirect_vreg.gather [hbm4b:s1+s2], $0x80, v4, vm0, $0xb8;
	[tilespmem:$0x14200] =	vst v63  }
0x37: {  	s20 =	simm.s32 $0x1A00  }
0x38: {  	[tilespmem:s20], [sflag:$0x1] =	stream.indirect_vreg.gather [hbm4b:s1+s2], $0x80, v3, vm0, $0xb8;
	[tilespmem:$0x14200] =	vst v63  }
0x39: {  	v3 =	vld [tilespmem:$0x20];
	_ =	sdelay $0x4  }
0x3a: {  	v56 =	vshll.u32 v3, $0x1  }
0x3b: {  	v3 =	vand.u32 $0x7, v3;
	v4 =	vand.u32 $0xFFFFFFF0, v56  }
0x3c: {  	v3 =	vor.u32 v3, v4  }
0x3d: {  	v4 =	vperm.xlane v3, v0;
	_ =	sdelay $0x1  }
0x3e: {  	v3 =	vperm.xlane v3, v2;
	v4 =	vadd.s32 v1, v4;
	_ =	sdelay $0x1  }
0x3f: {  	v3 =	vadd.s32 v1, v3;
	_ =	sdelay $0x1  }
0x40: {  	s21 =	simm.s32 $0x2200  }
0x41: {  	[tilespmem:s21], [sflag:$0x1] =	stream.indirect_vreg.gather [hbm4b:s1+s2], $0x80, v4, vm0, $0xb8;
	[tilespmem:$0x14200] =	vst v63  }
0x42: {  	s22 =	simm.s32 $0x2A00  }
0x43: {  	[tilespmem:s22], [sflag:$0x1] =	stream.indirect_vreg.gather [hbm4b:s1+s2], $0x80, v3, vm0, $0xb8;
	[tilespmem:$0x14200] =	vst v63  }
0x44: {  	v3 =	vld [tilespmem:$0x30];
	_ =	sdelay $0x4  }
0x45: {  	v57 =	vshll.u32 v3, $0x1  }
0x46: {  	v3 =	vand.u32 $0x7, v3;
	v4 =	vand.u32 $0xFFFFFFF0, v57  }
0x47: {  	v3 =	vor.u32 v3, v4  }
0x48: {  	v4 =	vperm.xlane v3, v0;
	_ =	sdelay $0x1  }
0x49: {  	v3 =	vperm.xlane v3, v2;
	v4 =	vadd.s32 v1, v4;
	_ =	sdelay $0x1  }
0x4a: {  	v3 =	vadd.s32 v1, v3;
	_ =	sdelay $0x1  }
0x4b: {  	s23 =	simm.s32 $0x3200  }
0x4c: {  	[tilespmem:s23], [sflag:$0x1] =	stream.indirect_vreg.gather [hbm4b:s1+s2], $0x80, v4, vm0, $0xb8;
	[tilespmem:$0x14200] =	vst v63  }
0x4d: {  	s18 =	simm.s32 $0x3A00  }
0x4e: {  	[tilespmem:s18], [sflag:$0x1] =	stream.indirect_vreg.gather [hbm4b:s1+s2], $0x80, v3, vm0, $0xb8;
	[tilespmem:$0x14200] =	vst v63  }
0x4f: {  	v3 =	vld [tilespmem:$0x40];
	_ =	sdelay $0x4  }
0x50: {  	v58 =	vshll.u32 v3, $0x1  }
0x51: {  	v3 =	vand.u32 $0x7, v3;
	v4 =	vand.u32 $0xFFFFFFF0, v58  }
0x52: {  	v3 =	vor.u32 v3, v4  }
0x53: {  	v4 =	vperm.xlane v3, v0;
	_ =	sdelay $0x1  }
0x54: {  	v3 =	vperm.xlane v3, v2;
	v4 =	vadd.s32 v1, v4;
	_ =	sdelay $0x1  }
0x55: {  	v3 =	vadd.s32 v1, v3;
	_ =	sdelay $0x1  }
0x56: {  	s19 =	simm.s32 $0x4200  }
0x57: {  	[tilespmem:s19], [sflag:$0x1] =	stream.indirect_vreg.gather [hbm4b:s1+s2], $0x80, v4, vm0, $0xb8;
	[tilespmem:$0x14200] =	vst v63  }
0x58: {  	s20 =	simm.s32 $0x4A00  }
0x59: {  	[tilespmem:s20], [sflag:$0x1] =	stream.indirect_vreg.gather [hbm4b:s1+s2], $0x80, v3, vm0, $0xb8;
	[tilespmem:$0x14200] =	vst v63  }
0x5a: {  	v3 =	vld [tilespmem:$0x100];
	_ =	sdelay $0x4  }
0x5b: {  	v59 =	vshll.u32 v3, $0x1  }
0x5c: {  	v3 =	vand.u32 $0x7, v3;
	v4 =	vand.u32 $0xFFFFFFF0, v59  }
0x5d: {  	v3 =	vor.u32 v3, v4  }
0x5e: {  	v4 =	vperm.xlane v3, v0;
	_ =	sdelay $0x1  }
0x5f: {  	v3 =	vperm.xlane v3, v2;
	v4 =	vadd.s32 v1, v4;
	_ =	sdelay $0x1  }
0x60: {  	v3 =	vadd.s32 v1, v3;
	_ =	sdelay $0x2  }
0x61: {  	[tilespmem:s25], [sflag:$0x3] =	stream.indirect_vreg.gather [hbm4b:s4+s2], $0x80, v4, vm0, $0xb8;
	[tilespmem:$0x14200] =	vst v63  }
0x62: {  	s21 =	simm.s32 $0xAA00  }
0x63: {  	[tilespmem:s21], [sflag:$0x3] =	stream.indirect_vreg.gather [hbm4b:s4+s2], $0x80, v3, vm0, $0xb8;
	[tilespmem:$0x14200] =	vst v63  }
0x64: {  	v3 =	vld [tilespmem:$0x110];
	_ =	sdelay $0x4  }
0x65: {  	v60 =	vshll.u32 v3, $0x1  }
0x66: {  	v3 =	vand.u32 $0x7, v3;
	v4 =	vand.u32 $0xFFFFFFF0, v60  }
0x67: {  	v3 =	vor.u32 v3, v4  }
0x68: {  	v4 =	vperm.xlane v3, v0;
	_ =	sdelay $0x1  }
0x69: {  	v3 =	vperm.xlane v3, v2;
	v4 =	vadd.s32 v1, v4;
	_ =	sdelay $0x1  }
0x6a: {  	v3 =	vadd.s32 v1, v3;
	_ =	sdelay $0x1  }
0x6b: {  	s22 =	simm.s32 $0xB200  }
0x6c: {  	[tilespmem:s22], [sflag:$0x3] =	stream.indirect_vreg.gather [hbm4b:s4+s2], $0x80, v4, vm0, $0xb8;
	[tilespmem:$0x14200] =	vst v63  }
0x6d: {  	s23 =	simm.s32 $0xBA00  }
0x6e: {  	[tilespmem:s23], [sflag:$0x3] =	stream.indirect_vreg.gather [hbm4b:s4+s2], $0x80, v3, vm0, $0xb8;
	[tilespmem:$0x14200] =	vst v63  }
0x6f: {  	v3 =	vld [tilespmem:$0x120];
	_ =	sdelay $0x4  }
0x70: {  	v61 =	vshll.u32 v3, $0x1  }
0x71: {  	v3 =	vand.u32 $0x7, v3;
	v4 =	vand.u32 $0xFFFFFFF0, v61  }
0x72: {  	v3 =	vor.u32 v3, v4  }
0x73: {  	v4 =	vperm.xlane v3, v0;
	_ =	sdelay $0x1  }
0x74: {  	v3 =	vperm.xlane v3, v2;
	v4 =	vadd.s32 v1, v4;
	_ =	sdelay $0x1  }
0x75: {  	v3 =	vadd.s32 v1, v3;
	_ =	sdelay $0x1  }
0x76: {  	s18 =	simm.s32 $0xC200  }
0x77: {  	[tilespmem:s18], [sflag:$0x3] =	stream.indirect_vreg.gather [hbm4b:s4+s2], $0x80, v4, vm0, $0xb8;
	[tilespmem:$0x14200] =	vst v63  }
0x78: {  	s19 =	simm.s32 $0xCA00  }
0x79: {  	[tilespmem:s19], [sflag:$0x3] =	stream.indirect_vreg.gather [hbm4b:s4+s2], $0x80, v3, vm0, $0xb8;
	[tilespmem:$0x14200] =	vst v63  }
0x7a: {  	v3 =	vld [tilespmem:$0x130];
	_ =	sdelay $0x4  }
0x7b: {  	v62 =	vshll.u32 v3, $0x1  }
0x7c: {  	v3 =	vand.u32 $0x7, v3;
	v4 =	vand.u32 $0xFFFFFFF0, v62  }
0x7d: {  	v3 =	vor.u32 v3, v4  }
0x7e: {  	v4 =	vperm.xlane v3, v0;
	_ =	sdelay $0x1  }
0x7f: {  	v3 =	vperm.xlane v3, v2;
	v4 =	vadd.s32 v1, v4;
	_ =	sdelay $0x1  }
0x80: {  	v3 =	vadd.s32 v1, v3;
	_ =	sdelay $0x1  }
0x81: {  	s20 =	simm.s32 $0xD200  }
0x82: {  	[tilespmem:s20], [sflag:$0x3] =	stream.indirect_vreg.gather [hbm4b:s4+s2], $0x80, v4, vm0, $0xb8;
	[tilespmem:$0x14200] =	vst v63  }
0x83: {  	s21 =	simm.s32 $0xDA00  }
0x84: {  	[tilespmem:s21], [sflag:$0x3] =	stream.indirect_vreg.gather [hbm4b:s4+s2], $0x80, v3, vm0, $0xb8;
	[tilespmem:$0x14200] =	vst v63  }
0x85: {  	v3 =	vld [tilespmem:$0x140];
	_ =	sdelay $0x4  }
0x86: {  	v63 =	vshll.u32 v3, $0x1  }
0x87: {  	v3 =	vand.u32 $0x7, v3;
	v4 =	vand.u32 $0xFFFFFFF0, v63  }
0x88: {  	v3 =	vor.u32 v3, v4  }
0x89: {  	v4 =	vperm.xlane v3, v0;
	_ =	sdelay $0x1  }
0x8a: {  	v3 =	vperm.xlane v3, v2;
	v4 =	vadd.s32 v1, v4;
	_ =	sdelay $0x1  }
0x8b: {  	v3 =	vadd.s32 v1, v3  }
.Ltmp2:
0x8c: {  	_ = 	snop;
	(pc) =	sbr.rel .LBB2_2-.Ltmp2, $4  }
0x8d: {  	s17 =	rddreg [dreg:$0x7];
	s22 =	simm.s32 $0xE200  }
0x8e: {  	[tilespmem:s22], [sflag:$0x3] =	stream.indirect_vreg.gather [hbm4b:s4+s2], $0x80, v4, vm0, $0xb8;
	[tilespmem:$0x14200] =	vst v63  }
0x8f: {  	s23 =	simm.s32 $0xEA00;
	s18 =	rddreg [dreg:$0x6];
	s19 =	simm.s32 $0x0  }
0x90: {  	[tilespmem:s23], [sflag:$0x3] =	stream.indirect_vreg.gather [hbm4b:s4+s2], $0x80, v3, vm0, $0xb8;
	[tilespmem:$0x14200] =	vst v63  }
.LBB2_4:
0x91: {  	_ =	swait.ge [sflag:s14], $0x5000  }
0x92: {  	[sflag:s14] =	ssyncset.done $0x0  }
0x93: {  	[sflag:s14] =	ssyncadd.s32 $0xFFFFB000  }
0x94: {  	_ =	swait.ge [sflag:s16], $0x5000  }
0x95: {  	[sflag:s16] =	ssyncset.done $0x0  }
0x96: {  	s20 =	sadd.s32 $0xA00, s22;
	[sflag:s16] =	ssyncadd.s32 $0xFFFFB000  }
0x97: {  	[hbm4b:s20+s2] =	stream.linear.scatter [tilespmem:s12], [sflag:$0x5], $0x5000, $0x38;
	[tilespmem:$0x14200] =	vst v63  }
0x98: {  	s19 =	sadd.s32 $0x1400, s19;
	_ =	swait.ge [sflag:s13], $0x5000  }
0x99: {  	p0 =	sne.s32 s19, $0x50000;
	[sflag:s13] =	ssyncset.done $0x0  }
.Ltmp3:
0x9a: {  	s23 =	sadd.s32 $0xA00, s23;
	[sflag:s13] =	ssyncadd.s32 $0xFFFFB000;
	(pc) =	sbr.rel @!p0 .LBB2_5-.Ltmp3, $4  }
0x9b: {  	[hbm4b:s23+s2] =	stream.linear.scatter [tilespmem:s24], [sflag:$0x5], $0x5000, $0x38;
	[tilespmem:$0x14200] =	vst v63  }
0x9c: {  	_ =	swait.ge [sflag:s13], $0x5000  }
0x9d: {  	[sflag:s13] =	ssyncset.done $0x0  }
0x9e: {  	s18 =	sadd.s32 $0x14, s18;
	s17 =	sadd.s32 $0x14, s17;
	[sflag:s13] =	ssyncadd.s32 $0xFFFFB000  }
.LBB2_2:
0x9f: {  	s20 =	sadd.s32 s18, s10  }
0xa0: {  	s22 =	simm.s32 $0x80;
	s21 =	sadd.s32 $0xA, s20  }
0xa1: {  	[tilespmem:s22], [sflag:$0x5] =	stream.linear.gather [hbm4b:s21+s2], $0x50, $0x38;
	[tilespmem:$0x14200] =	vst v63  }
0xa2: {  	_ =	swait.ge [sflag:s13], $0x50  }
0xa3: {  	s21 =	sadd.s32 s17, s10;
	[sflag:s13] =	ssyncset.done $0x0  }
0xa4: {  	s23 =	simm.s32 $0x180;
	s22 =	sadd.s32 $0xA, s21;
	[sflag:s13] =	ssyncadd.s32 $0xFFFFFFB0  }
0xa5: {  	[tilespmem:s23], [sflag:$0x5] =	stream.linear.gather [hbm4b:s22+s2], $0x50, $0x38;
	[tilespmem:$0x14200] =	vst v63  }
0xa6: {  	_ =	swait.ge [sflag:s13], $0x50  }
0xa7: {  	[sflag:s13] =	ssyncset.done $0x0  }
0xa8: {  	[sflag:s13] =	ssyncadd.s32 $0xFFFFFFB0  }
0xa9: {  	v3 =	vld [tilespmem:$0x80];
	_ =	sdelay $0x4  }
0xaa: {  	v4 =	vshll.u32 v3, $0x1  }
0xab: {  	v3 =	vand.u32 $0x7, v3;
	v4 =	vand.u32 $0xFFFFFFF0, v4  }
0xac: {  	v3 =	vor.u32 v3, v4  }
0xad: {  	v4 =	vperm.xlane v3, v0;
	_ =	sdelay $0x1  }
0xae: {  	v3 =	vperm.xlane v3, v2;
	v4 =	vadd.s32 v1, v4;
	_ =	sdelay $0x1  }
0xaf: {  	v3 =	vadd.s32 v1, v3;
	_ =	sdelay $0x2  }
0xb0: {  	[tilespmem:s12], [sflag:$0x2] =	stream.indirect_vreg.gather [hbm4b:s1+s2], $0x80, v4, vm0, $0xb8;
	[tilespmem:$0x14200] =	vst v63  }
0xb1: {  	s23 =	simm.s32 $0x5A00  }
0xb2: {  	[tilespmem:s23], [sflag:$0x2] =	stream.indirect_vreg.gather [hbm4b:s1+s2], $0x80, v3, vm0, $0xb8;
	[tilespmem:$0x14200] =	vst v63  }
0xb3: {  	v3 =	vld [tilespmem:$0x90];
	_ =	sdelay $0x4  }
0xb4: {  	v55 =	vshll.u32 v3, $0x1  }
0xb5: {  	v3 =	vand.u32 $0x7, v3;
	v4 =	vand.u32 $0xFFFFFFF0, v55  }
0xb6: {  	v3 =	vor.u32 v3, v4  }
0xb7: {  	v4 =	vperm.xlane v3, v0;
	_ =	sdelay $0x1  }
0xb8: {  	v3 =	vperm.xlane v3, v2;
	v4 =	vadd.s32 v1, v4;
	_ =	sdelay $0x1  }
0xb9: {  	v3 =	vadd.s32 v1, v3;
	_ =	sdelay $0x1  }
0xba: {  	s23 =	simm.s32 $0x6200  }
0xbb: {  	[tilespmem:s23], [sflag:$0x2] =	stream.indirect_vreg.gather [hbm4b:s1+s2], $0x80, v4, vm0, $0xb8;
	[tilespmem:$0x14200] =	vst v63  }
0xbc: {  	s23 =	simm.s32 $0x6A00  }
0xbd: {  	[tilespmem:s23], [sflag:$0x2] =	stream.indirect_vreg.gather [hbm4b:s1+s2], $0x80, v3, vm0, $0xb8;
	[tilespmem:$0x14200] =	vst v63  }
0xbe: {  	v3 =	vld [tilespmem:$0xA0];
	_ =	sdelay $0x4  }
0xbf: {  	v56 =	vshll.u32 v3, $0x1  }
0xc0: {  	v3 =	vand.u32 $0x7, v3;
	v4 =	vand.u32 $0xFFFFFFF0, v56  }
0xc1: {  	v3 =	vor.u32 v3, v4  }
0xc2: {  	v4 =	vperm.xlane v3, v0;
	_ =	sdelay $0x1  }
0xc3: {  	v3 =	vperm.xlane v3, v2;
	v4 =	vadd.s32 v1, v4;
	_ =	sdelay $0x1  }
0xc4: {  	v3 =	vadd.s32 v1, v3;
	_ =	sdelay $0x1  }
0xc5: {  	s23 =	simm.s32 $0x7200  }
0xc6: {  	[tilespmem:s23], [sflag:$0x2] =	stream.indirect_vreg.gather [hbm4b:s1+s2], $0x80, v4, vm0, $0xb8;
	[tilespmem:$0x14200] =	vst v63  }
0xc7: {  	s23 =	simm.s32 $0x7A00  }
0xc8: {  	[tilespmem:s23], [sflag:$0x2] =	stream.indirect_vreg.gather [hbm4b:s1+s2], $0x80, v3, vm0, $0xb8;
	[tilespmem:$0x14200] =	vst v63  }
0xc9: {  	v3 =	vld [tilespmem:$0xB0];
	_ =	sdelay $0x4  }
0xca: {  	v57 =	vshll.u32 v3, $0x1  }
0xcb: {  	v3 =	vand.u32 $0x7, v3;
	v4 =	vand.u32 $0xFFFFFFF0, v57  }
0xcc: {  	v3 =	vor.u32 v3, v4  }
0xcd: {  	v4 =	vperm.xlane v3, v0;
	_ =	sdelay $0x1  }
0xce: {  	v3 =	vperm.xlane v3, v2;
	v4 =	vadd.s32 v1, v4;
	_ =	sdelay $0x1  }
0xcf: {  	v3 =	vadd.s32 v1, v3;
	_ =	sdelay $0x1  }
0xd0: {  	s23 =	simm.s32 $0x8200  }
0xd1: {  	[tilespmem:s23], [sflag:$0x2] =	stream.indirect_vreg.gather [hbm4b:s1+s2], $0x80, v4, vm0, $0xb8;
	[tilespmem:$0x14200] =	vst v63  }
0xd2: {  	s23 =	simm.s32 $0x8A00  }
0xd3: {  	[tilespmem:s23], [sflag:$0x2] =	stream.indirect_vreg.gather [hbm4b:s1+s2], $0x80, v3, vm0, $0xb8;
	[tilespmem:$0x14200] =	vst v63  }
0xd4: {  	v3 =	vld [tilespmem:$0xC0];
	_ =	sdelay $0x4  }
0xd5: {  	v58 =	vshll.u32 v3, $0x1  }
0xd6: {  	v3 =	vand.u32 $0x7, v3;
	v4 =	vand.u32 $0xFFFFFFF0, v58  }
0xd7: {  	v3 =	vor.u32 v3, v4  }
0xd8: {  	v4 =	vperm.xlane v3, v0;
	_ =	sdelay $0x1  }
0xd9: {  	v3 =	vperm.xlane v3, v2;
	v4 =	vadd.s32 v1, v4;
	_ =	sdelay $0x1  }
0xda: {  	v3 =	vadd.s32 v1, v3;
	_ =	sdelay $0x1  }
0xdb: {  	s23 =	simm.s32 $0x9200  }
0xdc: {  	[tilespmem:s23], [sflag:$0x2] =	stream.indirect_vreg.gather [hbm4b:s1+s2], $0x80, v4, vm0, $0xb8;
	[tilespmem:$0x14200] =	vst v63  }
0xdd: {  	s23 =	simm.s32 $0x9A00  }
0xde: {  	[tilespmem:s23], [sflag:$0x2] =	stream.indirect_vreg.gather [hbm4b:s1+s2], $0x80, v3, vm0, $0xb8;
	[tilespmem:$0x14200] =	vst v63  }
0xdf: {  	v3 =	vld [tilespmem:$0x180];
	_ =	sdelay $0x4  }
0xe0: {  	v59 =	vshll.u32 v3, $0x1  }
0xe1: {  	v3 =	vand.u32 $0x7, v3;
	v4 =	vand.u32 $0xFFFFFFF0, v59  }
0xe2: {  	v3 =	vor.u32 v3, v4  }
0xe3: {  	v4 =	vperm.xlane v3, v0;
	_ =	sdelay $0x1  }
0xe4: {  	v3 =	vperm.xlane v3, v2;
	v4 =	vadd.s32 v1, v4;
	_ =	sdelay $0x1  }
0xe5: {  	v3 =	vadd.s32 v1, v3;
	_ =	sdelay $0x2  }
0xe6: {  	[tilespmem:s24], [sflag:$0x4] =	stream.indirect_vreg.gather [hbm4b:s4+s2], $0x80, v4, vm0, $0xb8;
	[tilespmem:$0x14200] =	vst v63  }
0xe7: {  	_ = 	snop  }
0xe8: {  	[tilespmem:s26], [sflag:$0x4] =	stream.indirect_vreg.gather [hbm4b:s4+s2], $0x80, v3, vm0, $0xb8;
	[tilespmem:$0x14200] =	vst v63  }
0xe9: {  	v3 =	vld [tilespmem:$0x190];
	_ =	sdelay $0x4  }
0xea: {  	v60 =	vshll.u32 v3, $0x1  }
0xeb: {  	v3 =	vand.u32 $0x7, v3;
	v4 =	vand.u32 $0xFFFFFFF0, v60  }
0xec: {  	v3 =	vor.u32 v3, v4  }
0xed: {  	v4 =	vperm.xlane v3, v0;
	_ =	sdelay $0x1  }
0xee: {  	v3 =	vperm.xlane v3, v2;
	v4 =	vadd.s32 v1, v4;
	_ =	sdelay $0x1  }
0xef: {  	v3 =	vadd.s32 v1, v3;
	_ =	sdelay $0x2  }
0xf0: {  	[tilespmem:s28], [sflag:$0x4] =	stream.indirect_vreg.gather [hbm4b:s4+s2], $0x80, v4, vm0, $0xb8;
	[tilespmem:$0x14200] =	vst v63  }
0xf1: {  	_ = 	snop  }
0xf2: {  	[tilespmem:s29], [sflag:$0x4] =	stream.indirect_vreg.gather [hbm4b:s4+s2], $0x80, v3, vm0, $0xb8;
	[tilespmem:$0x14200] =	vst v63  }
0xf3: {  	v3 =	vld [tilespmem:$0x1A0];
	_ =	sdelay $0x4  }
0xf4: {  	v61 =	vshll.u32 v3, $0x1  }
0xf5: {  	v3 =	vand.u32 $0x7, v3;
	v4 =	vand.u32 $0xFFFFFFF0, v61  }
0xf6: {  	v3 =	vor.u32 v3, v4  }
0xf7: {  	v4 =	vperm.xlane v3, v0;
	_ =	sdelay $0x1  }
0xf8: {  	v3 =	vperm.xlane v3, v2;
	v4 =	vadd.s32 v1, v4;
	_ =	sdelay $0x1  }
0xf9: {  	v3 =	vadd.s32 v1, v3;
	_ =	sdelay $0x2  }
0xfa: {  	[tilespmem:s30], [sflag:$0x4] =	stream.indirect_vreg.gather [hbm4b:s4+s2], $0x80, v4, vm0, $0xb8;
	[tilespmem:$0x14200] =	vst v63  }
0xfb: {  	_ = 	snop  }
0xfc: {  	[tilespmem:s31], [sflag:$0x4] =	stream.indirect_vreg.gather [hbm4b:s4+s2], $0x80, v3, vm0, $0xb8;
	[tilespmem:$0x14200] =	vst v63  }
0xfd: {  	v3 =	vld [tilespmem:$0x1B0];
	_ =	sdelay $0x4  }
0xfe: {  	v62 =	vshll.u32 v3, $0x1  }
0xff: {  	v3 =	vand.u32 $0x7, v3;
	v4 =	vand.u32 $0xFFFFFFF0, v62  }
0x100: {  	v3 =	vor.u32 v3, v4  }
0x101: {  	v4 =	vperm.xlane v3, v0;
	_ =	sdelay $0x1  }
0x102: {  	v3 =	vperm.xlane v3, v2;
	v4 =	vadd.s32 v1, v4;
	_ =	sdelay $0x1  }
0x103: {  	v3 =	vadd.s32 v1, v3;
	_ =	sdelay $0x2  }
0x104: {  	[tilespmem:s0], [sflag:$0x4] =	stream.indirect_vreg.gather [hbm4b:s4+s2], $0x80, v4, vm0, $0xb8;
	[tilespmem:$0x14200] =	vst v63  }
0x105: {  	_ = 	snop  }
0x106: {  	[tilespmem:s3], [sflag:$0x4] =	stream.indirect_vreg.gather [hbm4b:s4+s2], $0x80, v3, vm0, $0xb8;
	[tilespmem:$0x14200] =	vst v63  }
0x107: {  	v3 =	vld [tilespmem:$0x1C0];
	_ =	sdelay $0x4  }
0x108: {  	v63 =	vshll.u32 v3, $0x1  }
0x109: {  	v3 =	vand.u32 $0x7, v3;
	v4 =	vand.u32 $0xFFFFFFF0, v63  }
0x10a: {  	v3 =	vor.u32 v3, v4  }
0x10b: {  	v4 =	vperm.xlane v3, v0;
	_ =	sdelay $0x1  }
0x10c: {  	v3 =	vperm.xlane v3, v2;
	v4 =	vadd.s32 v1, v4;
	_ =	sdelay $0x1  }
0x10d: {  	v3 =	vadd.s32 v1, v3;
	_ =	sdelay $0x2  }
0x10e: {  	[tilespmem:s5], [sflag:$0x4] =	stream.indirect_vreg.gather [hbm4b:s4+s2], $0x80, v4, vm0, $0xb8;
	[tilespmem:$0x14200] =	vst v63  }
0x10f: {  	_ = 	snop  }
0x110: {  	[tilespmem:s6], [sflag:$0x4] =	stream.indirect_vreg.gather [hbm4b:s4+s2], $0x80, v3, vm0, $0xb8;
	[tilespmem:$0x14200] =	vst v63  }
0x111: {  	_ =	swait.ge [sflag:s7], $0x5000  }
0x112: {  	[sflag:s7] =	ssyncset.done $0x0  }
0x113: {  	[sflag:s7] =	ssyncadd.s32 $0xFFFFB000  }
0x114: {  	_ =	swait.ge [sflag:s11], $0x5000  }
0x115: {  	[sflag:s11] =	ssyncset.done $0x0  }
0x116: {  	s22 =	sadd.s32 s19, s8;
	[sflag:s11] =	ssyncadd.s32 $0xFFFFB000  }
0x117: {  	[hbm4b:s22+s2] =	stream.linear.scatter [tilespmem:s15], [sflag:$0x5], $0x5000, $0x38;
	[tilespmem:$0x14200] =	vst v63  }
0x118: {  	_ =	swait.ge [sflag:s13], $0x5000  }
0x119: {  	p0 =	seq.s32 s19, $0x4EC00;
	[sflag:s13] =	ssyncset.done $0x0  }
.Ltmp4:
0x11a: {  	s23 =	sadd.s32 s19, s9;
	[sflag:s13] =	ssyncadd.s32 $0xFFFFB000;
	(pc) =	sbr.rel @p0 .LBB2_4-.Ltmp4, $4  }
0x11b: {  	[hbm4b:s23+s2] =	stream.linear.scatter [tilespmem:s25], [sflag:$0x5], $0x5000, $0x38;
	[tilespmem:$0x14200] =	vst v63  }
0x11c: {  	_ =	swait.ge [sflag:s13], $0x5000  }
0x11d: {  	[sflag:s13] =	ssyncset.done $0x0  }
0x11e: {  	[sflag:s13] =	ssyncadd.s32 $0xFFFFB000  }
0x11f: {  	s20 =	sadd.s32 $0x14, s20  }
0x120: {  	[tilespmem:s2], [sflag:$0x5] =	stream.linear.gather [hbm4b:s20+s2], $0x50, $0x38;
	[tilespmem:$0x14200] =	vst v63  }
0x121: {  	_ =	swait.ge [sflag:s13], $0x50  }
0x122: {  	[sflag:s13] =	ssyncset.done $0x0  }
0x123: {  	s20 =	sadd.s32 $0x14, s21;
	s21 =	simm.s32 $0x100;
	[sflag:s13] =	ssyncadd.s32 $0xFFFFFFB0  }
0x124: {  	[tilespmem:s21], [sflag:$0x5] =	stream.linear.gather [hbm4b:s20+s2], $0x50, $0x38;
	[tilespmem:$0x14200] =	vst v63  }
0x125: {  	_ =	swait.ge [sflag:s13], $0x50  }
0x126: {  	[sflag:s13] =	ssyncset.done $0x0  }
0x127: {  	[sflag:s13] =	ssyncadd.s32 $0xFFFFFFB0  }
0x128: {  	v3 =	vld [tilespmem:$0x0];
	_ =	sdelay $0x4  }
0x129: {  	v4 =	vshll.u32 v3, $0x1  }
0x12a: {  	v3 =	vand.u32 $0x7, v3;
	v4 =	vand.u32 $0xFFFFFFF0, v4  }
0x12b: {  	v3 =	vor.u32 v3, v4  }
0x12c: {  	v4 =	vperm.xlane v3, v0;
	_ =	sdelay $0x1  }
0x12d: {  	v3 =	vperm.xlane v3, v2;
	v4 =	vadd.s32 v1, v4;
	_ =	sdelay $0x1  }
0x12e: {  	v3 =	vadd.s32 v1, v3;
	_ =	sdelay $0x2  }
0x12f: {  	[tilespmem:s15], [sflag:$0x1] =	stream.indirect_vreg.gather [hbm4b:s1+s2], $0x80, v4, vm0, $0xb8;
	[tilespmem:$0x14200] =	vst v63  }
0x130: {  	s21 =	simm.s32 $0xA00  }
0x131: {  	[tilespmem:s21], [sflag:$0x1] =	stream.indirect_vreg.gather [hbm4b:s1+s2], $0x80, v3, vm0, $0xb8;
	[tilespmem:$0x14200] =	vst v63  }
0x132: {  	v3 =	vld [tilespmem:$0x10];
	_ =	sdelay $0x4  }
0x133: {  	v55 =	vshll.u32 v3, $0x1  }
0x134: {  	v3 =	vand.u32 $0x7, v3;
	v4 =	vand.u32 $0xFFFFFFF0, v55  }
0x135: {  	v3 =	vor.u32 v3, v4  }
0x136: {  	v4 =	vperm.xlane v3, v0;
	_ =	sdelay $0x1  }
0x137: {  	v3 =	vperm.xlane v3, v2;
	v4 =	vadd.s32 v1, v4;
	_ =	sdelay $0x1  }
0x138: {  	v3 =	vadd.s32 v1, v3;
	_ =	sdelay $0x1  }
0x139: {  	s21 =	simm.s32 $0x1200  }
0x13a: {  	[tilespmem:s21], [sflag:$0x1] =	stream.indirect_vreg.gather [hbm4b:s1+s2], $0x80, v4, vm0, $0xb8;
	[tilespmem:$0x14200] =	vst v63  }
0x13b: {  	s21 =	simm.s32 $0x1A00  }
0x13c: {  	[tilespmem:s21], [sflag:$0x1] =	stream.indirect_vreg.gather [hbm4b:s1+s2], $0x80, v3, vm0, $0xb8;
	[tilespmem:$0x14200] =	vst v63  }
0x13d: {  	v3 =	vld [tilespmem:$0x20];
	_ =	sdelay $0x4  }
0x13e: {  	v56 =	vshll.u32 v3, $0x1  }
0x13f: {  	v3 =	vand.u32 $0x7, v3;
	v4 =	vand.u32 $0xFFFFFFF0, v56  }
0x140: {  	v3 =	vor.u32 v3, v4  }
0x141: {  	v4 =	vperm.xlane v3, v0;
	_ =	sdelay $0x1  }
0x142: {  	v3 =	vperm.xlane v3, v2;
	v4 =	vadd.s32 v1, v4;
	_ =	sdelay $0x1  }
0x143: {  	v3 =	vadd.s32 v1, v3;
	_ =	sdelay $0x1  }
0x144: {  	s21 =	simm.s32 $0x2200  }
0x145: {  	[tilespmem:s21], [sflag:$0x1] =	stream.indirect_vreg.gather [hbm4b:s1+s2], $0x80, v4, vm0, $0xb8;
	[tilespmem:$0x14200] =	vst v63  }
0x146: {  	s21 =	simm.s32 $0x2A00  }
0x147: {  	[tilespmem:s21], [sflag:$0x1] =	stream.indirect_vreg.gather [hbm4b:s1+s2], $0x80, v3, vm0, $0xb8;
	[tilespmem:$0x14200] =	vst v63  }
0x148: {  	v3 =	vld [tilespmem:$0x30];
	_ =	sdelay $0x4  }
0x149: {  	v57 =	vshll.u32 v3, $0x1  }
0x14a: {  	v3 =	vand.u32 $0x7, v3;
	v4 =	vand.u32 $0xFFFFFFF0, v57  }
0x14b: {  	v3 =	vor.u32 v3, v4  }
0x14c: {  	v4 =	vperm.xlane v3, v0;
	_ =	sdelay $0x1  }
0x14d: {  	v3 =	vperm.xlane v3, v2;
	v4 =	vadd.s32 v1, v4;
	_ =	sdelay $0x1  }
0x14e: {  	v3 =	vadd.s32 v1, v3;
	_ =	sdelay $0x1  }
0x14f: {  	s21 =	simm.s32 $0x3200  }
0x150: {  	[tilespmem:s21], [sflag:$0x1] =	stream.indirect_vreg.gather [hbm4b:s1+s2], $0x80, v4, vm0, $0xb8;
	[tilespmem:$0x14200] =	vst v63  }
0x151: {  	s21 =	simm.s32 $0x3A00  }
0x152: {  	[tilespmem:s21], [sflag:$0x1] =	stream.indirect_vreg.gather [hbm4b:s1+s2], $0x80, v3, vm0, $0xb8;
	[tilespmem:$0x14200] =	vst v63  }
0x153: {  	v3 =	vld [tilespmem:$0x40];
	_ =	sdelay $0x4  }
0x154: {  	v58 =	vshll.u32 v3, $0x1  }
0x155: {  	v3 =	vand.u32 $0x7, v3;
	v4 =	vand.u32 $0xFFFFFFF0, v58  }
0x156: {  	v3 =	vor.u32 v3, v4  }
0x157: {  	v4 =	vperm.xlane v3, v0;
	_ =	sdelay $0x1  }
0x158: {  	v3 =	vperm.xlane v3, v2;
	v4 =	vadd.s32 v1, v4;
	_ =	sdelay $0x1  }
0x159: {  	v3 =	vadd.s32 v1, v3;
	_ =	sdelay $0x1  }
0x15a: {  	s21 =	simm.s32 $0x4200  }
0x15b: {  	[tilespmem:s21], [sflag:$0x1] =	stream.indirect_vreg.gather [hbm4b:s1+s2], $0x80, v4, vm0, $0xb8;
	[tilespmem:$0x14200] =	vst v63  }
0x15c: {  	s21 =	simm.s32 $0x4A00  }
0x15d: {  	[tilespmem:s21], [sflag:$0x1] =	stream.indirect_vreg.gather [hbm4b:s1+s2], $0x80, v3, vm0, $0xb8;
	[tilespmem:$0x14200] =	vst v63  }
0x15e: {  	v3 =	vld [tilespmem:$0x100];
	_ =	sdelay $0x4  }
0x15f: {  	v59 =	vshll.u32 v3, $0x1  }
0x160: {  	v3 =	vand.u32 $0x7, v3;
	v4 =	vand.u32 $0xFFFFFFF0, v59  }
0x161: {  	v3 =	vor.u32 v3, v4  }
0x162: {  	v4 =	vperm.xlane v3, v0;
	_ =	sdelay $0x1  }
0x163: {  	v3 =	vperm.xlane v3, v2;
	v4 =	vadd.s32 v1, v4;
	_ =	sdelay $0x1  }
0x164: {  	v3 =	vadd.s32 v1, v3;
	_ =	sdelay $0x2  }
0x165: {  	[tilespmem:s25], [sflag:$0x3] =	stream.indirect_vreg.gather [hbm4b:s4+s2], $0x80, v4, vm0, $0xb8;
	[tilespmem:$0x14200] =	vst v63  }
0x166: {  	s21 =	simm.s32 $0xAA00  }
0x167: {  	[tilespmem:s21], [sflag:$0x3] =	stream.indirect_vreg.gather [hbm4b:s4+s2], $0x80, v3, vm0, $0xb8;
	[tilespmem:$0x14200] =	vst v63  }
0x168: {  	v3 =	vld [tilespmem:$0x110];
	_ =	sdelay $0x4  }
0x169: {  	v60 =	vshll.u32 v3, $0x1  }
0x16a: {  	v3 =	vand.u32 $0x7, v3;
	v4 =	vand.u32 $0xFFFFFFF0, v60  }
0x16b: {  	v3 =	vor.u32 v3, v4  }
0x16c: {  	v4 =	vperm.xlane v3, v0;
	_ =	sdelay $0x1  }
0x16d: {  	v3 =	vperm.xlane v3, v2;
	v4 =	vadd.s32 v1, v4;
	_ =	sdelay $0x1  }
0x16e: {  	v3 =	vadd.s32 v1, v3;
	_ =	sdelay $0x1  }
0x16f: {  	s21 =	simm.s32 $0xB200  }
0x170: {  	[tilespmem:s21], [sflag:$0x3] =	stream.indirect_vreg.gather [hbm4b:s4+s2], $0x80, v4, vm0, $0xb8;
	[tilespmem:$0x14200] =	vst v63  }
0x171: {  	s21 =	simm.s32 $0xBA00  }
0x172: {  	[tilespmem:s21], [sflag:$0x3] =	stream.indirect_vreg.gather [hbm4b:s4+s2], $0x80, v3, vm0, $0xb8;
	[tilespmem:$0x14200] =	vst v63  }
0x173: {  	v3 =	vld [tilespmem:$0x120];
	_ =	sdelay $0x4  }
0x174: {  	v61 =	vshll.u32 v3, $0x1  }
0x175: {  	v3 =	vand.u32 $0x7, v3;
	v4 =	vand.u32 $0xFFFFFFF0, v61  }
0x176: {  	v3 =	vor.u32 v3, v4  }
0x177: {  	v4 =	vperm.xlane v3, v0;
	_ =	sdelay $0x1  }
0x178: {  	v3 =	vperm.xlane v3, v2;
	v4 =	vadd.s32 v1, v4;
	_ =	sdelay $0x1  }
0x179: {  	v3 =	vadd.s32 v1, v3;
	_ =	sdelay $0x1  }
0x17a: {  	s21 =	simm.s32 $0xC200  }
0x17b: {  	[tilespmem:s21], [sflag:$0x3] =	stream.indirect_vreg.gather [hbm4b:s4+s2], $0x80, v4, vm0, $0xb8;
	[tilespmem:$0x14200] =	vst v63  }
0x17c: {  	s21 =	simm.s32 $0xCA00  }
0x17d: {  	[tilespmem:s21], [sflag:$0x3] =	stream.indirect_vreg.gather [hbm4b:s4+s2], $0x80, v3, vm0, $0xb8;
	[tilespmem:$0x14200] =	vst v63  }
0x17e: {  	v3 =	vld [tilespmem:$0x130];
	_ =	sdelay $0x4  }
0x17f: {  	v62 =	vshll.u32 v3, $0x1  }
0x180: {  	v3 =	vand.u32 $0x7, v3;
	v4 =	vand.u32 $0xFFFFFFF0, v62  }
0x181: {  	v3 =	vor.u32 v3, v4  }
0x182: {  	v4 =	vperm.xlane v3, v0;
	_ =	sdelay $0x1  }
0x183: {  	v3 =	vperm.xlane v3, v2;
	v4 =	vadd.s32 v1, v4;
	_ =	sdelay $0x1  }
0x184: {  	v3 =	vadd.s32 v1, v3;
	_ =	sdelay $0x1  }
0x185: {  	s21 =	simm.s32 $0xD200  }
0x186: {  	[tilespmem:s21], [sflag:$0x3] =	stream.indirect_vreg.gather [hbm4b:s4+s2], $0x80, v4, vm0, $0xb8;
	[tilespmem:$0x14200] =	vst v63  }
0x187: {  	s21 =	simm.s32 $0xDA00  }
0x188: {  	[tilespmem:s21], [sflag:$0x3] =	stream.indirect_vreg.gather [hbm4b:s4+s2], $0x80, v3, vm0, $0xb8;
	[tilespmem:$0x14200] =	vst v63  }
0x189: {  	v3 =	vld [tilespmem:$0x140];
	_ =	sdelay $0x4  }
0x18a: {  	v63 =	vshll.u32 v3, $0x1  }
0x18b: {  	v3 =	vand.u32 $0x7, v3;
	v4 =	vand.u32 $0xFFFFFFF0, v63  }
0x18c: {  	v3 =	vor.u32 v3, v4  }
0x18d: {  	v4 =	vperm.xlane v3, v0;
	_ =	sdelay $0x1  }
0x18e: {  	v3 =	vperm.xlane v3, v2;
	v4 =	vadd.s32 v1, v4;
	_ =	sdelay $0x1  }
0x18f: {  	v3 =	vadd.s32 v1, v3  }
.Ltmp5:
0x190: {  	_ = 	snop;
	(pc) =	sbr.rel .LBB2_4-.Ltmp5, $4  }
0x191: {  	s21 =	simm.s32 $0xE200  }
0x192: {  	[tilespmem:s21], [sflag:$0x3] =	stream.indirect_vreg.gather [hbm4b:s4+s2], $0x80, v4, vm0, $0xb8;
	[tilespmem:$0x14200] =	vst v63  }
0x193: {  	s21 =	simm.s32 $0xEA00  }
0x194: {  	[tilespmem:s21], [sflag:$0x3] =	stream.indirect_vreg.gather [hbm4b:s4+s2], $0x80, v3, vm0, $0xb8;
	[tilespmem:$0x14200] =	vst v63  }
.LBB2_6:
0x195: {  	_ =	sfence.sel $0x180000  }
0x196: {  	[bflag:$0x0] =	sbarrier.arrive $0xFFFF  }
0x197: {  	_ =	strace $0x9000004D  }
0x198: {  	s0 =	stileid.u32;
	[bflag:$0x2] =	sbarrier.arrive $0xFFFF  }
0x199: {  	p0 =	sne.s32 s0, $0x0;
	s0 =	rddreg [dreg:$0x2]  }
0x19a: {  	s0 =	sadd.s32 @!p0 $0x100000, s0  }
0x19b: {  	[sflag:s0] =	ssyncadd.tile.s32 @!p0 $0x1;
	_ =	shalt  }
.Lfunc_end2:
_tile_overlayer_lowered:
.L_overlay_start_2:
0x19c: {  	(tag) =	ssettag $0x2  }
0x19d: {  	s0 =	rddreg [dreg:$0x0];
	s2 =	stileid.u32  }
0x19e: {  	s1 =	rddreg [dreg:$0x1];
	p0 =	sne.s32 s2, $0x0  }
0x19f: {  	s3 =	rddreg [dreg:$0x2];
	[bflag:$0x3] =	sbarrier.arrive $0xFFFF;
	s2 =	simm.s32 @!p0 $0x1C05  }
0x1a0: {  	[timem:s3], [sflag:s2] =	dma.local @!p0 [hbm:s0], s1  }
0x1a1: {  	s0 =	simm.s32 @!p0 $0x5  }
0x1a2: {  	_ =	swait.ge @!p0 [sflag:s0], s1  }
0x1a3: {  	s1 =	ssub.s32 @!p0 $0x0, s1;
	[sflag:s0] =	ssyncset.done @!p0 $0x0  }
0x1a4: {  	[sflag:s0] =	ssyncadd.s32 @!p0 s1  }
0x1a5: {  	[bflag:$0x3] =	sbarrier.arrive $0xFFFF  }
0x1a6: {  	_ =	shalt  }

// kernel: kernel.8.cloned.1.call-start
scs
__scs_entry_jumppad:
0x0: {  	(pc) =	sbr.rel $0x88, $3  }
0x1: {  	(tag) =	ssettag $0x0;
	lr =	simm.s32 $0x1  }
0x2: {  	[smem:$0x3F99] =	sst lr;
	_ =	strace $0xD0000000  }
0x3: {  	_ = 	snop  }
0x4: {  	_ = 	snop  }
0x5: {  	_ = 	snop  }
0x6: {  	_ = 	snop  }
0x7: {  	_ = 	snop  }
__scs_overlays_trampoline_lowered:
0x8: {  	[smem:$0x3FA8] =	sst s0  }
0x9: {  	[smem:$0x3FA9] =	sst s1  }
0xa: {  	[smem:$0x3FAA] =	sst s2  }
0xb: {  	[smem:$0x3FAB] =	sst s3  }
0xc: {  	[smem:$0x3FAC] =	sst s4  }
0xd: {  	[smem:$0x3FAD] =	sst s5  }
0xe: {  	[smem:$0x3FAE] =	sst s6  }
0xf: {  	[smem:$0x3FAF] =	sst s7  }
0x10: {  	[smem:$0x3FB0] =	sst s8  }
0x11: {  	[smem:$0x3FB1] =	sst s9;
	s0 =	simm.s32 @!p0 $0x0  }
0x12: {  	s1 =	sld [smem:$0x3F97];
	s0 =	simm.s32 @p0 $0x1  }
0x13: {  	[smem:$0x3FB2] =	sst s0;
	s0 =	simm.s32 @!p1 $0x0  }
0x14: {  	s2 =	sld [smem:$0x3F96];
	s0 =	simm.s32 @p1 $0x1  }
0x15: {  	[smem:$0x3FB3] =	sst s0;
	s0 =	simm.s32 @!p2 $0x0  }
0x16: {  	s3 =	sld [smem:$0x3FDB];
	s0 =	simm.s32 @p2 $0x1  }
0x17: {  	s4 =	simm.s32 $0x1BF5;
	[smem:$0x3FB5] =	sst s0  }
0x18: {  	s0 =	sld [smem:$0x3F98];
	_ =	swait.ge [sflag:s4], $0x0  }
0x19: {  	s7 =	sld [smem:$0x3F99]  }
0x1a: {  	s8 =	sadd.s32 $0xFFFFE003, lr  }
0x1b: {  	s9 =	sadd.s32 $0xFFFFFEF7, lr;
	s5 =	simm.s32 $0xFFFFFFFF;
	p2 =	slt.u32 s8, $0xFFFFF086  }
0x1c: {  	p1 =	slt.u32 s9, $0xF7A;
	s5 =	simm.s32 @!p2 $0x0  }
0x1d: {  	s5 =	simm.s32 @p1 $0x1;
	p0 =	seq.s32 s7, s2  }
0x1e: {  	s7 =	smul.u32 @!p0 $0xF7A, s2;
	p2 =	seq.s32 @!p0 s5, $0x0  }
0x1f: {  	s9 =	smul.u32 $0xF7A, s1;
	s8 =	simm.s32 @!p0 $0x1BF5;
	p2 =	por !p2, p0  }
0x20: {  	[sflag:s8] =	ssyncset.s32 @!p0 $0xFFFFF086;
	s6 =	sadd.s32 @!p0 s3, s7;
	s7 =	simm.s32 @!p0 $0x108  }
0x21: {  	s3 =	sadd.s32 s3, s9;
	s6 =	sadd.s32 @!p0 $0x88, s6;
	s7 =	simm.s32 @p2 $0x1082  }
0x22: {  	[simem:s7], [sflag:s8] =	dma.local @!p0 [hbm:s6], $0xF7A  }
0x23: {  	s9 =	sor.u32 $0xD0000000, s2;
	s6 =	simm.s32 $0x108;
	_ =	swait.ge @!p0 [sflag:s8], $0x0  }
0x24: {  	s3 =	sadd.s32 $0x88, s3;
	s6 =	simm.s32 @!p1 $0x1082;
	[sflag:s4] =	ssyncset.s32 $0xFFFFF086  }
0x25: {  	[simem:s6], [sflag:s4] =	dma.local [hbm:s3], $0xF7A  }
0x26: {  	[smem:$0x3F99] =	sst s1;
	(tag) =	ssettag s2;
	_ =	strace s9  }
0x27: {  	s1 =	sld [smem:$0x3FA9]  }
0x28: {  	s2 =	sld [smem:$0x3FAA]  }
0x29: {  	s4 =	sld [smem:$0x3FAC]  }
0x2a: {  	p0 =	seq.s32 s5, $0x0;
	s5 =	sld [smem:$0x3FAD]  }
0x2b: {  	s6 =	sld [smem:$0x3FAE]  }
0x2c: {  	s7 =	sld [smem:$0x3FAF]  }
0x2d: {  	s3 =	simm.s32 $0x108;
	s8 =	sld [smem:$0x3FB0]  }
0x2e: {  	s3 =	simm.s32 @!p0 $0x1082;
	s9 =	sld [smem:$0x3FB1]  }
0x2f: {  	lr =	sadd.s32 s0, s3;
	s0 =	sld [smem:$0x3FA8]  }
0x30: {  	s3 =	sld [smem:$0x3FAB]  }
0x31: {  	[smem:$0x3FB4] =	sst s10  }
0x32: {  	s10 =	sld [smem:$0x3FB2];
	_ =	sdelay $0x3  }
0x33: {  	p0 =	seq.s32 s10, $0x1;
	s10 =	sld [smem:$0x3FB4];
	_ =	sdelay $0x3  }
0x34: {  	[smem:$0x3FB4] =	sst s10  }
0x35: {  	s10 =	sld [smem:$0x3FB3];
	_ =	sdelay $0x3  }
0x36: {  	p1 =	seq.s32 s10, $0x1;
	s10 =	sld [smem:$0x3FB4];
	_ =	sdelay $0x3  }
0x37: {  	[smem:$0x3FB4] =	sst s10  }
0x38: {  	s10 =	sld [smem:$0x3FB5]  }
0x39: {  	_ = 	snop;
	(pc) =	sbr.ind lr, $3  }
0x3a: {  	_ = 	snop  }
0x3b: {  	_ = 	snop  }
0x3c: {  	p2 =	seq.s32 s10, $0x1;
	s10 =	sld [smem:$0x3FB4]  }
0x3d: {  	_ =	shalt  }
0x3e: {  	_ =	shalt  }
0x3f: {  	_ =	shalt  }
0x40: {  	_ =	shalt  }
0x41: {  	_ =	shalt  }
0x42: {  	_ =	shalt  }
0x43: {  	_ =	shalt  }
0x44: {  	_ =	shalt  }
0x45: {  	_ =	shalt  }
0x46: {  	_ =	shalt  }
0x47: {  	_ =	shalt  }
0x48: {  	_ =	shalt  }
0x49: {  	_ =	shalt  }
0x4a: {  	_ =	shalt  }
0x4b: {  	_ =	shalt  }
0x4c: {  	_ =	shalt  }
0x4d: {  	_ =	shalt  }
0x4e: {  	_ =	shalt  }
0x4f: {  	_ =	shalt  }
0x50: {  	_ =	shalt  }
0x51: {  	_ =	shalt  }
0x52: {  	_ =	shalt  }
0x53: {  	_ =	shalt  }
0x54: {  	_ =	shalt  }
0x55: {  	_ =	shalt  }
0x56: {  	_ =	shalt  }
0x57: {  	_ =	shalt  }
0x58: {  	_ =	shalt  }
0x59: {  	_ =	shalt  }
0x5a: {  	_ =	shalt  }
0x5b: {  	_ =	shalt  }
0x5c: {  	_ =	shalt  }
0x5d: {  	_ =	shalt  }
0x5e: {  	_ =	shalt  }
0x5f: {  	_ =	shalt  }
0x60: {  	_ =	shalt  }
0x61: {  	_ =	shalt  }
0x62: {  	_ =	shalt  }
0x63: {  	_ =	shalt  }
0x64: {  	_ =	shalt  }
0x65: {  	_ =	shalt  }
0x66: {  	_ =	shalt  }
0x67: {  	_ =	shalt  }
0x68: {  	_ =	shalt  }
0x69: {  	_ =	shalt  }
0x6a: {  	_ =	shalt  }
0x6b: {  	_ =	shalt  }
0x6c: {  	_ =	shalt  }
0x6d: {  	_ =	shalt  }
0x6e: {  	_ =	shalt  }
0x6f: {  	_ =	shalt  }
0x70: {  	_ =	shalt  }
0x71: {  	_ =	shalt  }
0x72: {  	_ =	shalt  }
0x73: {  	_ =	shalt  }
0x74: {  	_ =	shalt  }
0x75: {  	_ =	shalt  }
0x76: {  	_ =	shalt  }
0x77: {  	_ =	shalt  }
0x78: {  	_ =	shalt  }
0x79: {  	_ =	shalt  }
0x7a: {  	_ =	shalt  }
0x7b: {  	_ =	shalt  }
0x7c: {  	_ =	shalt  }
0x7d: {  	_ =	shalt  }
0x7e: {  	_ =	shalt  }
0x7f: {  	_ =	shalt  }
0x80: {  	_ =	shalt  }
0x81: {  	_ =	shalt  }
0x82: {  	_ =	shalt  }
0x83: {  	_ =	shalt  }
0x84: {  	_ =	shalt  }
0x85: {  	_ =	shalt  }
0x86: {  	_ =	shalt  }
0x87: {  	_ =	shalt  }
.Lfunc_end0:
.L_simem_size_0:
called_computation_lowered:
.L_overlay_start_0:
0x88: {  	s2 =	sld [smem:$0x3FD9]  }
0x89: {  	s3 =	sld [smem:$0x3FFE];
	_ =	sdelay $0x1  }
0x8a: {  	s1 =	srdreg.scid  }
0x8b: {  	s0 =	sand.u32 $0x1, s1  }
0x8c: {  	s17 =	sshll.u32 s0, $0xA;
	s2 =	sadd.s32 s3, s2  }
0x8d: {  	s2 =	sadd.s32 s2, s17  }
0x8e: {  	[smem:$0x3FC0] =	sst s2  }
0x8f: {  	_ = 	snop  }
0x90: {  	s2 =	sld [smem:$0x3FD0];
	(tm) =	ssettm $0x1  }
0x91: {  	s18 =	sld [smem:$0x3FFB];
	_ =	sdelay $0x3  }
0x92: {  	_ =	strace s18  }
0x93: {  	s3 =	sld [smem:$0x3FFC];
	_ =	sdelay $0x3  }
0x94: {  	_ =	strace s3  }
0x95: {  	s3 =	sld [smem:$0x3FFD];
	_ =	sdelay $0x3  }
0x96: {  	_ =	strace s3  }
0x97: {  	_ =	strace $0x8FFFFFFF  }
0x98: {  	s19 =	sld [smem:$0x3FDB];
	_ =	sdelay $0x1  }
0x99: {  	s4 =	simm.s32 $_scs_section_size  }
0x9a: {  	s5 =	simm.s32 $_size__tile_overlayer_lowered;
	s6 =	simm.s32 $_tile_overlayer_lowered  }
0x9b: {  	s22 =	simm.s32 $0x1BFF;
	s21 =	sshll.u32 s6, $0x1;
	s3 =	sadd.s32 s4, s19  }
0x9c: {  	s7 =	simm.s32 $0x0;
	s20 =	sshll.u32 s5, $0x1;
	s5 =	sadd.s32 s21, s3  }
0x9d: {  	[timem:s7], [sflag:s22] =	dma.local [hbm:s5], s20  }
0x9e: {  	_ =	swait.ge [sflag:s22], s20  }
0x9f: {  	s4 =	ssub.s32 $0x0, s20;
	[sflag:s22] =	ssyncset.done $0x0  }
0xa0: {  	[sflag:s22] =	ssyncadd.s32 s4;
	_ =	sdelay $0x1  }
0xa1: {  	s23 =	simm.s32 $0x1B8B  }
0xa2: {  	_ =	swait.ge [sflag:s23], $0x1  }
0xa3: {  	[sflag:s23] =	ssyncset.done $0x0  }
0xa4: {  	s25 =	simm.s32 $0x1B8E;
	s24 =	sld [smem:$0x3FFE];
	[sflag:s23] =	ssyncadd.s32 $0xFFFFFFFF  }
0xa5: {  	s26 =	simm.s32 $execute0_lowered;
	[smem:$0x3FD2] =	sst s25  }
0xa6: {  	s5 =	sshll.u32 s26, $0x1;
	_ =	strace $0x80000046;
	[dreg:$0x1] =	wrdreg $0xFFFFFFFF  }
0xa7: {  	s28 =	simm.s32 $_size_execute0_lowered;
	s3 =	sadd.s32 s3, s5;
	[dreg:$0x0] =	wrdreg $0x0  }
0xa8: {  	s5 =	sshll.u32 s28, $0x1;
	[dreg:$0x2] =	wrdreg s3  }
0xa9: {  	[dreg:$0x3] =	wrdreg s5  }
0xaa: {  	[dreg:$0x4] =	wrdreg $0xC0  }
0xab: {  	_ =	task [dreg:s7], $0x5FFFF  }
0xac: {  	[dreg:$0x1] =	wrdreg $0xFFFFFFFF  }
0xad: {  	[dreg:$0x0] =	wrdreg $0x60  }
0xae: {  	[dreg:$0x2] =	wrdreg s24  }
0xaf: {  	[dreg:$0x3] =	wrdreg s2  }
0xb0: {  	[dreg:$0x4] =	wrdreg $0x0  }
0xb1: {  	[dreg:$0x5] =	wrdreg $0x9  }
0xb2: {  	_ =	task.clear_ibuf [dreg:s7], $0x6FFFF;
	_ =	strace $0x90000046  }
0xb3: {  	s29 =	simm.s32 $0x9;
	_ =	strace $0x80000048  }
0xb4: {  	_ =	swait.ge [sflag:s29], $0x1  }
0xb5: {  	[sflag:s29] =	ssyncadd.s32 $0xFFFFFFFF  }
0xb6: {  	_ =	strace $0x90000048  }
0xb7: {  	_ =	sfence  }
0xb8: {  	s30 =	sld [smem:$0x0];
	_ =	sdelay $0x2  }
0xb9: {  	s31 =	sshll.u32 s1, $0xD;
	s1 =	sshrl.u32 s1, $0x2  }
0xba: {  	s3 =	sand.u32 $0x4000, s31;
	s1 =	sadd.s32 s1, s30  }
0xbb: {  	s0 =	sor.u32 s3, s0;
	s1 =	sshll.u32 s1, $0x11  }
0xbc: {  	s0 =	sor.u32 s1, s0  }
0xbd: {  	s0 =	sadd.s32 $0x8F2B, s0  }
0xbe: {  	[sflag:s0] =	ssyncadd.remote.s32 $0x1  }
0xbf: {  	_ =	sfence.sel $0xFFFF  }
0xc0: {  	[dreg:$0x0] =	wrdreg $0xFFFFFFFF;
	(pc) =	sbr.abs _section_cstart, $3  }
0xc1: {  	[dreg:$0x1] =	wrdreg $0xFFFFFFFF  }
0xc2: {  	_ =	task.clear_ibuf [dreg:s7], $0x2FFFF;
	_ =	strace $0x9FFFFFFF  }
0xc3: {  	(tm) =	ssettm $0x7FFFFFFF  }
tec
execute0_lowered:
.L_overlay_start_1:
0x0: {  	(tag) =	ssettag $0x1  }
0x1: {  	s5 =	rddreg [dreg:$0x0]  }
0x2: {  	s1 =	rddreg [dreg:$0x1]  }
0x3: {  	s3 =	rddreg [dreg:$0x2]  }
0x4: {  	s0 =	rddreg [dreg:$0x3];
	s4 =	simm.s32 $0x0  }
0x5: {  	s2 =	stileid.u32;
	s6 =	srdreg.scid;
	s16 =	simm.s32 $0x14000  }
0x6: {  	s17 =	simm.s32 $0x1;
	s18 =	simm.s32 $0x14080;
	s19 =	simm.s32 $0x80  }
0x7: {  	s20 =	simm.s32 $0x2;
	s21 =	simm.s32 $0x0;
	s7 =	smul.u32 $0x14000, s2  }
0x8: {  	[smem:$0x7FF] =	sst s4;
	s6 =	sand.u32 $0x1, s6;
	s12 =	smul.u32 $0x50000, s2  }
0x9: {  	s11 =	sadd.s32 $0x2600, s5;
	s14 =	smul.u32 $0x2800, s2;
	s31 =	sshll.u32 s2, $0x6  }
0xa: {  	_ =	strace $0x80000047;
	s8 =	smul.u32 $0x140000, s6;
	s9 =	sshll.u32 s6, $0x4  }
0xb: {  	s25 =	ssub.s32 $0x2, s6;
	s6 =	smul.u32 $0x28000, s6;
	s10 =	sshrl.u32 s7, $0x3  }
0xc: {  	s9 =	sor.u32 s2, s9;
	s13 =	sshrl.u32 s25, $0x1;
	s12 =	sshrl.u32 s12, $0x2  }
0xd: {  	s10 =	sadd.s32 s10, s5;
	s7 =	sadd.s32 s7, s8;
	s24 =	smul.u32 $0x2800, s9  }
0xe: {  	s9 =	ssub.s32 s25, s13;
	s15 =	sadd.s32 s12, s3;
	s26 =	sadd.s32 s14, s6  }
0xf: {  	s13 =	simm.s32 $0x3;
	s14 =	sor.u32 $0x1C03, s31;
	s7 =	sshrl.u32 s7, $0x3  }
0x10: {  	s28 =	sor.u32 $0x100, s26;
	s29 =	sor.u32 $0x80, s26;
	s15 =	sshrl.u32 s15, $0x3  }
0x11: {  	s7 =	sadd.s32 s7, s5;
	s5 =	sadd.s32 $0x16600, s10;
	s8 =	sshrl.u32 s24, $0x3  }
0x12: {  	s12 =	sshrl.u32 s28, $0x3;
	s30 =	sshrl.u32 s29, $0x3;
	s6 =	sadd.s32 s11, s8  }
0x13: {  	s7 =	sadd.s32 $0x3E600, s7;
	s8 =	smax.u32 s9, $0x1;
	s10 =	sadd.s32 s12, s11  }
0x14: {  	s11 =	sadd.s32 s30, s11;
	s12 =	simm.s32 $0x14100;
	s9 =	sadd.s32 $0x4F0, s6  }
.LBB2_1:
0x15: {  	[tilespmem:s12], [sflag:$0x3] =	stream.linear.gather [hbm4b:s1+s4], $0x4000, $0x38;
	[tilespmem:$0x18100] =	vst v63  }
0x16: {  	_ =	swait.ge [sflag:s13], $0x4000  }
0x17: {  	[sflag:s13] =	ssyncset.done $0x0  }
0x18: {  	[sflag:s13] =	ssyncadd.s32 $0xFFFFC000  }
0x19: {  	[spmem:s15], [sflag:s14] =	dma.local [hbm:s5], $0x2800  }
0x1a: {  	_ =	swait.ge [sflag:s13], $0x2800  }
0x1b: {  	[sflag:s13] =	ssyncset.done $0x0  }
0x1c: {  	[sflag:s13] =	ssyncadd.s32 $0xFFFFD800  }
0x1d: {  	[bflag:$0x0] =	sbarrier.arrive $0xFFFF  }
0x1e: {  	[tilespmem:s16], [sflag:$0x1] =	stream.linear.gather [hbm4b:s6+s4], $0x80, $0x38;
	[tilespmem:$0x18100] =	vst v63  }
0x1f: {  	_ =	swait.ge [sflag:s17], $0x80  }
0x20: {  	[sflag:s17] =	ssyncset.done $0x0  }
0x21: {  	s22 =	sadd.s32 $0x0, s11;
	[sflag:s17] =	ssyncadd.s32 $0xFFFFFF80  }
0x22: {  	[tilespmem:s18], [sflag:$0x2] =	stream.linear.gather [hbm4b:s22+s4], $0x80, $0x38;
	[tilespmem:$0x18100] =	vst v63  }
0x23: {  	_ = 	snop  }
0x24: {  	[spmem:s3] =	stream.indirect.scatter.add.f32 [tilespmem:s12], [sflag:$0x3], $0x80, s16, s19, $0xb8;
	[tilespmem:$0x18100] =	vst v63  }
0x25: {  	_ =	swait.ge [sflag:s13], $0x4000  }
0x26: {  	[sflag:s13] =	ssyncset.done $0x0  }
0x27: {  	[sflag:s13] =	ssyncadd.s32 $0xFFFFC000  }
0x28: {  	_ =	swait.ge [sflag:s20], $0x80  }
0x29: {  	[sflag:s20] =	ssyncset.done $0x0  }
0x2a: {  	s31 =	sadd.s32 $0x0, s10;
	[sflag:s20] =	ssyncadd.s32 $0xFFFFFF80  }
0x2b: {  	[tilespmem:s16], [sflag:$0x1] =	stream.linear.gather [hbm4b:s31+s4], $0x80, $0x38;
	[tilespmem:$0x18100] =	vst v63  }
0x2c: {  	_ = 	snop  }
0x2d: {  	[spmem:s3] =	stream.indirect.scatter.add.f32 [tilespmem:s12], [sflag:$0x3], $0x80, s18, s19, $0xb8;
	[tilespmem:$0x18100] =	vst v63  }
0x2e: {  	_ =	swait.ge [sflag:s13], $0x4000  }
0x2f: {  	s22 =	simm.s32 $0x20;
	[sflag:s13] =	ssyncset.done $0x0  }
.LBB2_2:
0x30: {  	p0 =	sne.s32 s22, $0x4C0  }
0x31: {  	[sflag:s13] =	ssyncadd.s32 $0xFFFFC000;
	s23 =	smov.u32 s22;
	s22 =	sadd.s32 $0x20, s22  }
0x32: {  	_ = 	snop  }
0x33: {  	_ =	swait.ge [sflag:s17], $0x80  }
0x34: {  	[sflag:s17] =	ssyncset.done $0x0  }
0x35: {  	s24 =	sadd.s32 s23, s11;
	[sflag:s17] =	ssyncadd.s32 $0xFFFFFF80  }
0x36: {  	[tilespmem:s18], [sflag:$0x2] =	stream.linear.gather [hbm4b:s24+s4], $0x80, $0x38;
	[tilespmem:$0x18100] =	vst v63  }
0x37: {  	_ = 	snop  }
0x38: {  	[spmem:s3] =	stream.indirect.scatter.add.f32 [tilespmem:s12], [sflag:$0x3], $0x80, s16, s19, $0xb8;
	[tilespmem:$0x18100] =	vst v63  }
0x39: {  	_ =	swait.ge [sflag:s13], $0x4000  }
0x3a: {  	[sflag:s13] =	ssyncset.done $0x0  }
0x3b: {  	[sflag:s13] =	ssyncadd.s32 $0xFFFFC000  }
0x3c: {  	_ =	swait.ge [sflag:s20], $0x80  }
0x3d: {  	[sflag:s20] =	ssyncset.done $0x0  }
0x3e: {  	s23 =	sadd.s32 s23, s10;
	[sflag:s20] =	ssyncadd.s32 $0xFFFFFF80  }
0x3f: {  	[tilespmem:s16], [sflag:$0x1] =	stream.linear.gather [hbm4b:s23+s4], $0x80, $0x38;
	[tilespmem:$0x18100] =	vst v63  }
.Ltmp0:
0x40: {  	_ = 	snop;
	(pc) =	sbr.rel @p0 .LBB2_2-.Ltmp0, $4  }
0x41: {  	_ = 	snop  }
0x42: {  	[spmem:s3] =	stream.indirect.scatter.add.f32 [tilespmem:s12], [sflag:$0x3], $0x80, s18, s19, $0xb8;
	[tilespmem:$0x18100] =	vst v63  }
0x43: {  	_ =	swait.ge [sflag:s13], $0x4000  }
0x44: {  	[sflag:s13] =	ssyncset.done $0x0  }
0x45: {  	[sflag:s13] =	ssyncadd.s32 $0xFFFFC000  }
0x46: {  	_ =	swait.ge [sflag:s17], $0x80  }
0x47: {  	[sflag:s17] =	ssyncset.done $0x0  }
0x48: {  	[sflag:s17] =	ssyncadd.s32 $0xFFFFFF80  }
0x49: {  	[tilespmem:s18], [sflag:$0x2] =	stream.linear.gather [hbm4b:s9+s4], $0x80, $0x38;
	[tilespmem:$0x18100] =	vst v63  }
0x4a: {  	_ = 	snop  }
0x4b: {  	[spmem:s3] =	stream.indirect.scatter.add.f32 [tilespmem:s12], [sflag:$0x3], $0x80, s16, s19, $0xb8;
	[tilespmem:$0x18100] =	vst v63  }
0x4c: {  	_ =	swait.ge [sflag:s13], $0x4000  }
0x4d: {  	[sflag:s13] =	ssyncset.done $0x0  }
0x4e: {  	[sflag:s13] =	ssyncadd.s32 $0xFFFFC000  }
0x4f: {  	_ =	swait.ge [sflag:s20], $0x80  }
0x50: {  	[sflag:s20] =	ssyncset.done $0x0  }
0x51: {  	[sflag:s20] =	ssyncadd.s32 $0xFFFFFF80  }
0x52: {  	[spmem:s3] =	stream.indirect.scatter.add.f32 [tilespmem:s12], [sflag:$0x3], $0x80, s18, s19, $0xb8;
	[tilespmem:$0x18100] =	vst v63  }
0x53: {  	_ =	swait.ge [sflag:s13], $0x4000  }
0x54: {  	s21 =	sadd.s32 $0x1, s21;
	[sflag:s13] =	ssyncset.done $0x0  }
0x55: {  	p0 =	sne.s32 s21, s8;
	[sflag:s13] =	ssyncadd.s32 $0xFFFFC000  }
.Ltmp1:
0x56: {  	[bflag:$0x0] =	sbarrier.arrive $0xFFFF;
	(pc) =	sbr.rel @p0 .LBB2_1-.Ltmp1, $4  }
0x57: {  	[hbm:s7], [sflag:s14] =	dma.local [spmem:s15], $0x2800  }
0x58: {  	_ =	swait.ge [sflag:s13], $0x2800  }
0x59: {  	[sflag:s13] =	ssyncset.done $0x0  }
0x5a: {  	[sflag:s13] =	ssyncadd.s32 $0xFFFFD800  }
0x5b: {  	_ =	sfence.sel $0x180000  }
0x5c: {  	[bflag:$0x0] =	sbarrier.arrive $0xFFFF  }
0x5d: {  	p0 =	sne.s32 s2, $0x0;
	_ =	strace $0x90000047  }
0x5e: {  	s0 =	sadd.s32 @!p0 $0x100000, s0;
	[bflag:$0x2] =	sbarrier.arrive $0xFFFF  }
0x5f: {  	[sflag:s0] =	ssyncadd.tile.s32 @!p0 $0x1;
	_ =	shalt  }
.Lfunc_end2:
_tile_overlayer_lowered:
.L_overlay_start_2:
0x60: {  	(tag) =	ssettag $0x2  }
0x61: {  	s0 =	rddreg [dreg:$0x0];
	s2 =	stileid.u32  }
0x62: {  	s1 =	rddreg [dreg:$0x1];
	p0 =	sne.s32 s2, $0x0  }
0x63: {  	s3 =	rddreg [dreg:$0x2];
	[bflag:$0x3] =	sbarrier.arrive $0xFFFF;
	s2 =	simm.s32 @!p0 $0x1C03  }
0x64: {  	[timem:s3], [sflag:s2] =	dma.local @!p0 [hbm:s0], s1  }
0x65: {  	s0 =	simm.s32 @!p0 $0x3  }
0x66: {  	_ =	swait.ge @!p0 [sflag:s0], s1  }
0x67: {  	s1 =	ssub.s32 @!p0 $0x0, s1;
	[sflag:s0] =	ssyncset.done @!p0 $0x0  }
0x68: {  	[sflag:s0] =	ssyncadd.s32 @!p0 s1  }
0x69: {  	[bflag:$0x3] =	sbarrier.arrive $0xFFFF  }
0x6a: {  	_ =	shalt  }

</sc_bundles>
